<compile_context>
chip_gen: v7x
topology: tpu7x:2x2x1
jax: 0.10.2.dev20260603
libtpu: 0.0.44.dev20260713+nightly
codegen_flags: <defaults>
</compile_context>

<pallas_src>
import jax
import jax.numpy as jnp
from jax import lax
from jax.experimental import pallas as pl
from jax.experimental.pallas import tpu as pltpu
from jax.experimental.pallas import tpu_sc as plsc

N_NODES = 10000
NP = 10240
E = 320000
CH = 128
NCHUNK = E // CH
NW = 32
ITERS = (NCHUNK + NW - 1) // NW
ROWS = NP // 16

F1 = 64
A1W = 16
F2 = 40
F2P = 48

_mesh = plsc.VectorSubcoreMesh(core_axis_name="c", subcore_axis_name="s",
                               num_cores=2, num_subcores=16)
_sc_params = pltpu.CompilerParams(use_tc_tiling_on_sc=False,
                                  needs_layout_passes=False)

_DNUMS = lax.GatherDimensionNumbers(
    offset_dims=(), collapsed_slice_dims=(0,), start_index_map=(0,))


def _dg16(x, idx):
    return lax.gather(x, idx.reshape(16, 1), _DNUMS, (1,),
                      mode=lax.GatherScatterMode.PROMISE_IN_BOUNDS)


def _tc1_body(x_ref, w1_ref, ase_ref, ade_ref, h1_ref, asp_ref, adp_ref):
    h = jnp.dot(x_ref[...], w1_ref[...], preferred_element_type=jnp.float32)
    h1_ref[...] = h
    asp_ref[...] = jnp.dot(h, ase_ref[...], preferred_element_type=jnp.float32)
    adp_ref[...] = jnp.dot(h, ade_ref[...], preferred_element_type=jnp.float32)


def _tc1(xp, W1, AsE, AdE):
    BN = 2048
    return pl.pallas_call(
        _tc1_body,
        grid=(NP // BN,),
        in_specs=[pl.BlockSpec((BN, 128), lambda i: (i, 0)),
                  pl.BlockSpec((128, F1), lambda i: (0, 0)),
                  pl.BlockSpec((F1, A1W), lambda i: (0, 0)),
                  pl.BlockSpec((F1, A1W), lambda i: (0, 0))],
        out_specs=[pl.BlockSpec((BN, F1), lambda i: (i, 0)),
                   pl.BlockSpec((BN, A1W), lambda i: (i, 0)),
                   pl.BlockSpec((BN, A1W), lambda i: (i, 0))],
        out_shape=[jax.ShapeDtypeStruct((NP, F1), jnp.float32),
                   jax.ShapeDtypeStruct((NP, A1W), jnp.float32),
                   jax.ShapeDtypeStruct((NP, A1W), jnp.float32)],
    )(xp, W1, AsE, AdE)


def _sca1_body(src_h, dst_h, asp_h, adp_h, ex1_h, d0_h, d1_h,
               idx_s, idx_d, As, Ad, Exb, zb, den_sp):
    c = lax.axis_index("c")
    s = lax.axis_index("s")
    w = c * 16 + s
    zv = jnp.zeros((16,), jnp.float32)

    def _zrow(i, cc):
        zb[i, :] = zv
        return cc
    lax.fori_loop(0, ROWS, _zrow, 0)
    pltpu.sync_copy(zb, den_sp.at[pl.ds(s * ROWS, ROWS)])
    plsc.subcore_barrier()

    def _chunk(i, cc):
        cid = w + i * NW

        @pl.when(cid < NCHUNK)
        def _():
            base = cid * CH
            pltpu.sync_copy(src_h.at[pl.ds(base, CH)], idx_s)
            pltpu.sync_copy(dst_h.at[pl.ds(base, CH)], idx_d)
            pltpu.sync_copy(asp_h.at[idx_s], As)
            pltpu.sync_copy(adp_h.at[idx_d], Ad)

            def _ev(j, c2):
                a = As[j, :] + Ad[j, :]
                a = jnp.where(a >= 0.0, a, a * jnp.float32(0.2))
                Exb[j, :] = jnp.exp(a)
                return c2
            lax.fori_loop(0, CH, _ev, 0)
            pltpu.sync_copy(Exb, ex1_h.at[pl.ds(base, CH)])
            pltpu.sync_copy(Exb, den_sp.at[idx_d], add=True)
        return cc
    lax.fori_loop(0, ITERS, _chunk, 0)
    plsc.subcore_barrier()

    pltpu.sync_copy(den_sp.at[pl.ds(s * ROWS, ROWS)], zb)

    @pl.when(c == 0)
    def _():
        pltpu.sync_copy(zb, d0_h.at[pl.ds(s * ROWS, ROWS)])

    @pl.when(c == 1)
    def _():
        pltpu.sync_copy(zb, d1_h.at[pl.ds(s * ROWS, ROWS)])


_sca1 = pl.kernel(
    _sca1_body,
    out_type=[jax.ShapeDtypeStruct((E, A1W), jnp.float32),
              jax.ShapeDtypeStruct((NP, A1W), jnp.float32),
              jax.ShapeDtypeStruct((NP, A1W), jnp.float32)],
    mesh=_mesh,
    compiler_params=_sc_params,
    scratch_types=[pltpu.VMEM((CH,), jnp.int32),
                   pltpu.VMEM((CH,), jnp.int32),
                   pltpu.VMEM((CH, A1W), jnp.float32),
                   pltpu.VMEM((CH, A1W), jnp.float32),
                   pltpu.VMEM((CH, A1W), jnp.float32),
                   pltpu.VMEM((ROWS, A1W), jnp.float32),
                   pltpu.VMEM_SHARED((NP, A1W), jnp.float32)],
)


def _tcr_body(d0_ref, d1_ref, r_ref):
    r_ref[...] = 1.0 / (d0_ref[...] + d1_ref[...] + jnp.float32(1e-16))


def _tcr(d0, d1, width):
    BN = 2048
    return pl.pallas_call(
        _tcr_body,
        grid=(NP // BN,),
        in_specs=[pl.BlockSpec((BN, width), lambda i: (i, 0)),
                  pl.BlockSpec((BN, width), lambda i: (i, 0))],
        out_specs=pl.BlockSpec((BN, width), lambda i: (i, 0)),
        out_shape=jax.ShapeDtypeStruct((NP, width), jnp.float32),
    )(d0, d1)


def _scb1_body(src_h, dst_h, ex1_h, r1_h, h1_h, o0_h, o1_h,
               idx_s, idx_d, Exb, Rb, Hb, ob, out_sp):
    c = lax.axis_index("c")
    s = lax.axis_index("s")
    w = c * 16 + s
    zv = jnp.zeros((16,), jnp.float32)

    def _zrow(i, cc):
        for q in range(4):
            ob[i, pl.ds(q * 16, 16)] = zv
        return cc
    lax.fori_loop(0, ROWS, _zrow, 0)
    pltpu.sync_copy(ob, out_sp.at[pl.ds(s * ROWS, ROWS)])
    plsc.subcore_barrier()

    lane_hi = lax.broadcasted_iota(jnp.int32, (16,), 0) >> 3
    qidx = [lane_hi + 2 * q for q in range(4)]

    def _chunk(i, cc):
        cid = w + i * NW

        @pl.when(cid < NCHUNK)
        def _():
            base = cid * CH
            pltpu.sync_copy(src_h.at[pl.ds(base, CH)], idx_s)
            pltpu.sync_copy(dst_h.at[pl.ds(base, CH)], idx_d)
            pltpu.sync_copy(ex1_h.at[pl.ds(base, CH)], Exb)
            pltpu.sync_copy(r1_h.at[idx_d], Rb)
            pltpu.sync_copy(h1_h.at[idx_s], Hb)

            def _me(j, c2):
                r = Exb[j, :] * Rb[j, :]
                for q in range(4):
                    cv = _dg16(r, qidx[q])
                    Hb[j, pl.ds(q * 16, 16)] = Hb[j, pl.ds(q * 16, 16)] * cv
                return c2
            lax.fori_loop(0, CH, _me, 0)
            pltpu.sync_copy(Hb, out_sp.at[idx_d], add=True)
        return cc
    lax.fori_loop(0, ITERS, _chunk, 0)
    plsc.subcore_barrier()

    pltpu.sync_copy(out_sp.at[pl.ds(s * ROWS, ROWS)], ob)

    @pl.when(c == 0)
    def _():
        pltpu.sync_copy(ob, o0_h.at[pl.ds(s * ROWS, ROWS)])

    @pl.when(c == 1)
    def _():
        pltpu.sync_copy(ob, o1_h.at[pl.ds(s * ROWS, ROWS)])


_scb1 = pl.kernel(
    _scb1_body,
    out_type=[jax.ShapeDtypeStruct((NP, F1), jnp.float32),
              jax.ShapeDtypeStruct((NP, F1), jnp.float32)],
    mesh=_mesh,
    compiler_params=_sc_params,
    scratch_types=[pltpu.VMEM((CH,), jnp.int32),
                   pltpu.VMEM((CH,), jnp.int32),
                   pltpu.VMEM((CH, A1W), jnp.float32),
                   pltpu.VMEM((CH, A1W), jnp.float32),
                   pltpu.VMEM((CH, F1), jnp.float32),
                   pltpu.VMEM((ROWS, F1), jnp.float32),
                   pltpu.VMEM_SHARED((NP, F1), jnp.float32)],
)


def _tc2_body(o0_ref, o1_ref, b1_ref, w2_ref, s2_ref, d2_ref,
              h2_ref, a2s_ref, a2d_ref):
    z = o0_ref[...] + o1_ref[...] + b1_ref[...]
    act = jnp.where(z > 0.0, z, jnp.exp(z) - 1.0)
    h2 = jnp.dot(act, w2_ref[...], preferred_element_type=jnp.float32)
    h2_ref[...] = h2
    a2s_ref[...] = jnp.dot(h2, s2_ref[...], preferred_element_type=jnp.float32)
    a2d_ref[...] = jnp.dot(h2, d2_ref[...], preferred_element_type=jnp.float32)


def _tc2(o0, o1, b1r, W2p, s2, d2):
    BN = 2048
    return pl.pallas_call(
        _tc2_body,
        grid=(NP // BN,),
        in_specs=[pl.BlockSpec((BN, F1), lambda i: (i, 0)),
                  pl.BlockSpec((BN, F1), lambda i: (i, 0)),
                  pl.BlockSpec((1, F1), lambda i: (0, 0)),
                  pl.BlockSpec((F1, F2P), lambda i: (0, 0)),
                  pl.BlockSpec((F2P, 1), lambda i: (0, 0)),
                  pl.BlockSpec((F2P, 1), lambda i: (0, 0))],
        out_specs=[pl.BlockSpec((BN, F2P), lambda i: (i, 0)),
                   pl.BlockSpec((BN, 1), lambda i: (i, 0)),
                   pl.BlockSpec((BN, 1), lambda i: (i, 0))],
        out_shape=[jax.ShapeDtypeStruct((NP, F2P), jnp.float32),
                   jax.ShapeDtypeStruct((NP, 1), jnp.float32),
                   jax.ShapeDtypeStruct((NP, 1), jnp.float32)],
    )(o0, o1, b1r, W2p, s2, d2)


def _sca2_body(src_h, dst_h, a2s_h, a2d_h, ex2_h, e0_h, e1_h,
               idx_s, idx_d, asb, adb, exb, Exw, zb, den_sp):
    c = lax.axis_index("c")
    s = lax.axis_index("s")
    w = c * 16 + s
    zv = jnp.zeros((16,), jnp.float32)
    lane0 = lax.broadcasted_iota(jnp.int32, (16,), 0) == 0

    pltpu.sync_copy(a2s_h, asb)
    pltpu.sync_copy(a2d_h, adb)

    def _zrow(i, cc):
        zb[i, :] = zv
        return cc
    lax.fori_loop(0, ROWS, _zrow, 0)
    pltpu.sync_copy(zb, den_sp.at[pl.ds(s * ROWS, ROWS)])
    plsc.subcore_barrier()

    def _chunk(i, cc):
        cid = w + i * NW

        @pl.when(cid < NCHUNK)
        def _():
            base = cid * CH
            pltpu.sync_copy(src_h.at[pl.ds(base, CH)], idx_s)
            pltpu.sync_copy(dst_h.at[pl.ds(base, CH)], idx_d)

            def _ev(j, c2):
                i16s = idx_s[pl.ds(j * 16, 16)]
                i16d = idx_d[pl.ds(j * 16, 16)]
                a = plsc.load_gather(asb, [i16s]) + plsc.load_gather(adb, [i16d])
                a = jnp.where(a >= 0.0, a, a * jnp.float32(0.2))
                ex = jnp.exp(a)
                exb[pl.ds(j * 16, 16)] = ex
                for k in range(16):
                    v = _dg16(ex, jnp.full((16,), k, jnp.int32))
                    Exw[j * 16 + k, :] = jnp.where(lane0, v, 0.0)
                return c2
            lax.fori_loop(0, CH // 16, _ev, 0)
            pltpu.sync_copy(exb, ex2_h.at[pl.ds(base, CH)])
            pltpu.sync_copy(Exw, den_sp.at[idx_d], add=True)
        return cc
    lax.fori_loop(0, ITERS, _chunk, 0)
    plsc.subcore_barrier()

    pltpu.sync_copy(den_sp.at[pl.ds(s * ROWS, ROWS)], zb)

    @pl.when(c == 0)
    def _():
        pltpu.sync_copy(zb, e0_h.at[pl.ds(s * ROWS, ROWS)])

    @pl.when(c == 1)
    def _():
        pltpu.sync_copy(zb, e1_h.at[pl.ds(s * ROWS, ROWS)])


_sca2 = pl.kernel(
    _sca2_body,
    out_type=[jax.ShapeDtypeStruct((E,), jnp.float32),
              jax.ShapeDtypeStruct((NP, A1W), jnp.float32),
              jax.ShapeDtypeStruct((NP, A1W), jnp.float32)],
    mesh=_mesh,
    compiler_params=_sc_params,
    scratch_types=[pltpu.VMEM((CH,), jnp.int32),
                   pltpu.VMEM((CH,), jnp.int32),
                   pltpu.VMEM((NP,), jnp.float32),
                   pltpu.VMEM((NP,), jnp.float32),
                   pltpu.VMEM((CH,), jnp.float32),
                   pltpu.VMEM((CH, A1W), jnp.float32),
                   pltpu.VMEM((ROWS, A1W), jnp.float32),
                   pltpu.VMEM_SHARED((NP, A1W), jnp.float32)],
)


def _scb2_body(src_h, dst_h, ex2_h, r2_h, h2_h, o0_h, o1_h,
               idx_s, idx_d, exb, rden, Hb, ob, out_sp):
    c = lax.axis_index("c")
    s = lax.axis_index("s")
    w = c * 16 + s
    zv = jnp.zeros((16,), jnp.float32)

    pltpu.sync_copy(r2_h, rden)

    def _zrow(i, cc):
        for q in range(3):
            ob[i, pl.ds(q * 16, 16)] = zv
        return cc
    lax.fori_loop(0, ROWS, _zrow, 0)
    pltpu.sync_copy(ob, out_sp.at[pl.ds(s * ROWS, ROWS)])
    plsc.subcore_barrier()

    def _chunk(i, cc):
        cid = w + i * NW

        @pl.when(cid < NCHUNK)
        def _():
            base = cid * CH
            pltpu.sync_copy(src_h.at[pl.ds(base, CH)], idx_s)
            pltpu.sync_copy(dst_h.at[pl.ds(base, CH)], idx_d)
            pltpu.sync_copy(ex2_h.at[pl.ds(base, CH)], exb)
            pltpu.sync_copy(h2_h.at[idx_s], Hb)

            def _oj(j, c2):
                i16d = idx_d[pl.ds(j * 16, 16)]
                rd = plsc.load_gather(rden, [i16d])
                cvec = exb[pl.ds(j * 16, 16)] * rd
                for k in range(16):
                    e = j * 16 + k
                    sp = _dg16(cvec, jnp.full((16,), k, jnp.int32))
                    for q in range(3):
                        Hb[e, pl.ds(q * 16, 16)] = Hb[e, pl.ds(q * 16, 16)] * sp
                return c2
            lax.fori_loop(0, CH // 16, _oj, 0)
            pltpu.sync_copy(Hb, out_sp.at[idx_d], add=True)
        return cc
    lax.fori_loop(0, ITERS, _chunk, 0)
    plsc.subcore_barrier()

    pltpu.sync_copy(out_sp.at[pl.ds(s * ROWS, ROWS)], ob)

    @pl.when(c == 0)
    def _():
        pltpu.sync_copy(ob, o0_h.at[pl.ds(s * ROWS, ROWS)])

    @pl.when(c == 1)
    def _():
        pltpu.sync_copy(ob, o1_h.at[pl.ds(s * ROWS, ROWS)])


_scb2 = pl.kernel(
    _scb2_body,
    out_type=[jax.ShapeDtypeStruct((NP, F2P), jnp.float32),
              jax.ShapeDtypeStruct((NP, F2P), jnp.float32)],
    mesh=_mesh,
    compiler_params=_sc_params,
    scratch_types=[pltpu.VMEM((CH,), jnp.int32),
                   pltpu.VMEM((CH,), jnp.int32),
                   pltpu.VMEM((CH,), jnp.float32),
                   pltpu.VMEM((NP,), jnp.float32),
                   pltpu.VMEM((CH, F2P), jnp.float32),
                   pltpu.VMEM((ROWS, F2P), jnp.float32),
                   pltpu.VMEM_SHARED((NP, F2P), jnp.float32)],
)


def _tc3_body(q0_ref, q1_ref, b2_ref, out_ref):
    z = q0_ref[...] + q1_ref[...]
    out_ref[...] = z[:, :F2] + b2_ref[...]


def _tc3(q0, q1, b2r):
    BN = 2048
    return pl.pallas_call(
        _tc3_body,
        grid=(NP // BN,),
        in_specs=[pl.BlockSpec((BN, F2P), lambda i: (i, 0)),
                  pl.BlockSpec((BN, F2P), lambda i: (i, 0)),
                  pl.BlockSpec((1, F2), lambda i: (0, 0))],
        out_specs=pl.BlockSpec((BN, F2), lambda i: (i, 0)),
        out_shape=jax.ShapeDtypeStruct((NP, F2), jnp.float32),
    )(q0, q1, b2r)


def kernel(x, edge_index, W1, att_src1, att_dst1, b1, W2, att_src2, att_dst2, b2):
    f32 = jnp.float32
    src = edge_index[0]
    dst = edge_index[1]
    xp = jnp.pad(x, ((0, NP - N_NODES), (0, 0)))

    col = jnp.repeat(jnp.arange(8, dtype=jnp.int32), 8)
    rows = jnp.arange(F1, dtype=jnp.int32)
    AsE = jnp.zeros((F1, A1W), f32).at[rows, col].set(att_src1.reshape(F1))
    AdE = jnp.zeros((F1, A1W), f32).at[rows, col].set(att_dst1.reshape(F1))

    h1, asp, adp = _tc1(xp, W1, AsE, AdE)
    ex1, d0, d1 = _sca1(src, dst, asp, adp)
    r1 = _tcr(d0, d1, A1W)
    o0, o1 = _scb1(src, dst, ex1, r1, h1)

    W2p = jnp.pad(W2, ((0, 0), (0, F2P - F2)))
    s2 = jnp.pad(att_src2.reshape(F2), (0, F2P - F2)).reshape(F2P, 1)
    d2 = jnp.pad(att_dst2.reshape(F2), (0, F2P - F2)).reshape(F2P, 1)
    h2p, a2s, a2d = _tc2(o0, o1, b1.reshape(1, F1), W2p, s2, d2)

    ex2, e0, e1 = _sca2(src, dst, a2s.reshape(NP), a2d.reshape(NP))
    r2 = _tcr(e0, e1, A1W)
    q0, q1 = _scb2(src, dst, ex2, r2[:, 0].reshape(NP), h2p)
    out = _tc3(q0, q1, b2.reshape(1, F2))
    return out[:N_NODES]

# --- scband reference (transcript-rebuilt; emitter-appended) ---
"""Pipeline reference for scband-gat-72988674228319 (READ-ONLY COPY).

The authoritative reference and input builder live on the scoring server;
editing this copy changes nothing except your own understanding.
"""

import jax, jax.numpy as jnp
import numpy as np

N_NODES = 10000
IN_CH = 128
HID = 8
HEADS = 8
OUT_CH = 40
N_EDGES = 320000


def _gat_conv(x, src, dst, W, att_src, att_dst, bias, heads, out_ch, concat, num_nodes):
    # linear projection -> [N, H, C]
    h = (x @ W).reshape(num_nodes, heads, out_ch)
    # per-node attention logits
    a_src = (h * att_src).sum(-1)  # [N, H]
    a_dst = (h * att_dst).sum(-1)  # [N, H]
    # per-edge attention logits
    alpha = a_src[src] + a_dst[dst]  # [E, H]
    alpha = jax.nn.leaky_relu(alpha, negative_slope=0.2)
    # softmax over incoming edges of each destination node (numerically stable)
    amax = jax.ops.segment_max(alpha, dst, num_segments=num_nodes)
    amax = jnp.where(jnp.isneginf(amax), 0.0, amax)
    ex = jnp.exp(alpha - amax[dst])
    denom = jax.ops.segment_sum(ex, dst, num_segments=num_nodes)
    coef = ex / (denom[dst] + 1e-16)  # [E, H]
    # message passing: gather source features, weight, scatter-add to dst
    msg = h[src] * coef[:, :, None]  # [E, H, C]
    out = jax.ops.segment_sum(msg, dst, num_segments=num_nodes)  # [N, H, C]
    if concat:
        out = out.reshape(num_nodes, heads * out_ch)
    else:
        out = out.mean(axis=1)
    return out + bias


def setup_inputs(seed: int = 0) -> dict:
    key = jax.random.key(seed)
    ks = jax.random.split(key, 12)
    x = jax.random.normal(ks[0], (N_NODES, IN_CH), dtype=jnp.float32)
    edge_index = jax.random.randint(ks[1], (2, N_EDGES), 0, N_NODES, dtype=jnp.int32)
    W1 = jax.random.normal(ks[2], (IN_CH, HEADS * HID), dtype=jnp.float32) * 0.1
    att_src1 = jax.random.normal(ks[3], (1, HEADS, HID), dtype=jnp.float32) * 0.1
    att_dst1 = jax.random.normal(ks[4], (1, HEADS, HID), dtype=jnp.float32) * 0.1
    b1 = jnp.zeros((HEADS * HID,), dtype=jnp.float32)
    W2 = jax.random.normal(ks[5], (HEADS * HID, OUT_CH), dtype=jnp.float32) * 0.1
    att_src2 = jax.random.normal(ks[6], (1, 1, OUT_CH), dtype=jnp.float32) * 0.1
    att_dst2 = jax.random.normal(ks[7], (1, 1, OUT_CH), dtype=jnp.float32) * 0.1
    b2 = jnp.zeros((OUT_CH,), dtype=jnp.float32)
    return {"x": x, "edge_index": edge_index, "W1": W1, "att_src1": att_src1,
            "att_dst1": att_dst1, "b1": b1, "W2": W2, "att_src2": att_src2,
            "att_dst2": att_dst2, "b2": b2}


def reference(x, edge_index, W1, att_src1, att_dst1, b1, W2, att_src2, att_dst2, b2):
    # eval-mode forward: dropout layers are identity
    src = edge_index[0]
    dst = edge_index[1]
    h = _gat_conv(x, src, dst, W1, att_src1, att_dst1, b1, HEADS, HID, True, N_NODES)
    h = jax.nn.elu(h)
    out = _gat_conv(h, src, dst, W2, att_src2, att_dst2, b2, 1, OUT_CH, False, N_NODES)
    return out

if __name__ == "__main__":
    import jax
    _d = setup_inputs()
    print(jax.jit(kernel)(*tuple(_d.values())))

</pallas_src>

<mosaic_0001>
#map = affine_map<(d0, d1) -> (0)>
#map1 = affine_map<(d0, d1) -> (0, 0)>
module attributes {stable_mosaic.version = 14 : i64} {
  func.func @_scb2_body(%arg0: i32, %arg1: i32, %arg2: memref<320000xi32, #tpu.memory_space<hbm>>, %arg3: memref<320000xi32, #tpu.memory_space<hbm>>, %arg4: memref<320000xf32, #tpu.memory_space<hbm>>, %arg5: memref<10240xf32, #tpu.memory_space<hbm>>, %arg6: memref<10240x48xf32, #tpu.memory_space<hbm>>, %arg7: memref<10240x48xf32, #tpu.memory_space<hbm>>, %arg8: memref<10240x48xf32, #tpu.memory_space<hbm>>, %arg9: memref<128xi32, #tpu.memory_space<vmem>>, %arg10: memref<128xi32, #tpu.memory_space<vmem>>, %arg11: memref<128xf32, #tpu.memory_space<vmem>>, %arg12: memref<10240xf32, #tpu.memory_space<vmem>>, %arg13: memref<128x48xf32, #tpu.memory_space<vmem>>, %arg14: memref<640x48xf32, #tpu.memory_space<vmem>>, %arg15: memref<10240x48xf32, #tpu.memory_space<vmem_shared>>) attributes {dimension_semantics = [#tpu.dimension_semantics<core_parallel>, #tpu.dimension_semantics<subcore_parallel>], iteration_bounds = array<i64: 2, 16>, scalar_prefetch = 0 : i64, scratch_operands = 7 : i64, tpu.core_type = #tpu.core_type<sc_vector_subcore>, window_params = [{transform_indices = #map}, {transform_indices = #map}, {transform_indices = #map}, {transform_indices = #map}, {transform_indices = #map1}, {transform_indices = #map1}, {transform_indices = #map1}]} {
    %mul3A = arith.constant 16 : i32
    %mul3A_0 = arith.muli %arg0, %mul3A : i32
    %add3A = arith.addi %mul3A_0, %arg1 : i32
    %broadcast_in_dim3A = arith.constant 0.000000e+00 : f32
    %broadcast_in_dim3A_1 = vector.broadcast %broadcast_in_dim3A : f32 to vector<16xf32>
    "tpu.region"() ({
      %run_scoped3A = tpu.sem_alloc : memref<!tpu.dma_semaphore, #tpu.memory_space<semaphore_mem>>
      tpu.enqueue_dma source(%arg5 : memref<10240xf32, #tpu.memory_space<hbm>>) target(%arg12 : memref<10240xf32, #tpu.memory_space<vmem>>) target_semaphore(%run_scoped3A : memref<!tpu.dma_semaphore, #tpu.memory_space<semaphore_mem>>)
      tpu.wait_dma2 semaphore(%run_scoped3A : memref<!tpu.dma_semaphore, #tpu.memory_space<semaphore_mem>>) src(%arg5 : memref<10240xf32, #tpu.memory_space<hbm>>) dst(%arg12 : memref<10240xf32, #tpu.memory_space<vmem>>)
      tpu.yield
    }) : () -> ()
    %scan3A = arith.constant 0 : i32
    %scan3A_2 = arith.constant 0 : i32
    %scan3A_3 = arith.constant 640 : i32
    %scan3A_4 = arith.addi %scan3A_2, %scan3A_3 : i32
    %scan3A_5 = arith.constant 1 : i32
    scf.for %scan3A_25 = %scan3A_2 to %scan3A_4 step %scan3A_5  : i32 {
      %swap3A = arith.index_cast %scan3A_25 : i32 to index
      %swap3A_26 = arith.constant 0 : index
      %swap3A_27 = tpu.vector_load %arg14[%swap3A, %swap3A_26] {strides = array<i32>} : memref<640x48xf32, #tpu.memory_space<vmem>>, vector<16xf32>,
      tpu.vector_store %arg14[%swap3A, %swap3A_26], %broadcast_in_dim3A_1 {strides = array<i32>} : memref<640x48xf32, #tpu.memory_space<vmem>>, vector<16xf32>,
      %swap3A_28 = arith.index_cast %scan3A_25 : i32 to index
      %swap3A_29 = arith.constant 16 : index
      %swap3A_30 = tpu.vector_load %arg14[%swap3A_28, %swap3A_29] {strides = array<i32>} : memref<640x48xf32, #tpu.memory_space<vmem>>, vector<16xf32>,
      tpu.vector_store %arg14[%swap3A_28, %swap3A_29], %broadcast_in_dim3A_1 {strides = array<i32>} : memref<640x48xf32, #tpu.memory_space<vmem>>, vector<16xf32>,
      %swap3A_31 = arith.index_cast %scan3A_25 : i32 to index
      %swap3A_32 = arith.constant 32 : index
      %swap3A_33 = tpu.vector_load %arg14[%swap3A_31, %swap3A_32] {strides = array<i32>} : memref<640x48xf32, #tpu.memory_space<vmem>>, vector<16xf32>,
      tpu.vector_store %arg14[%swap3A_31, %swap3A_32], %broadcast_in_dim3A_1 {strides = array<i32>} : memref<640x48xf32, #tpu.memory_space<vmem>>, vector<16xf32>,
    }
    %scan3A_6 = arith.constant 640 : i32
    %mul3A_7 = arith.constant 640 : i32
    %mul3A_8 = arith.muli %arg1, %mul3A_7 : i32
    "tpu.region"() ({
      %run_scoped3A = tpu.sem_alloc : memref<!tpu.dma_semaphore, #tpu.memory_space<semaphore_mem>>
      %dma_start3A = arith.constant 0 : i32
      %dma_start3A_25 = tpu.memref_slice %arg15[%mul3A_8, %dma_start3A] : memref<10240x48xf32, #tpu.memory_space<vmem_shared>> -> memref<640x48xf32, #tpu.memory_space<vmem_shared>>
      %dma_start3A_26 = arith.constant 0 : i32
      %dma_start3A_27 = tpu.memref_slice %arg15[%mul3A_8, %dma_start3A_26] : memref<10240x48xf32, #tpu.memory_space<vmem_shared>> -> memref<640x48xf32, #tpu.memory_space<vmem_shared>>
      tpu.enqueue_dma source(%arg14 : memref<640x48xf32, #tpu.memory_space<vmem>>) target(%dma_start3A_27 : memref<640x48xf32, #tpu.memory_space<vmem_shared>>) target_semaphore(%run_scoped3A : memref<!tpu.dma_semaphore, #tpu.memory_space<semaphore_mem>>)
      %dma_wait3A = arith.constant 0 : i32
      %dma_wait3A_28 = tpu.memref_slice %arg15[%mul3A_8, %dma_wait3A] : memref<10240x48xf32, #tpu.memory_space<vmem_shared>> -> memref<640x48xf32, #tpu.memory_space<vmem_shared>>
      %dma_wait3A_29 = arith.constant 0 : i32
      %dma_wait3A_30 = tpu.memref_slice %arg15[%mul3A_8, %dma_wait3A_29] : memref<10240x48xf32, #tpu.memory_space<vmem_shared>> -> memref<640x48xf32, #tpu.memory_space<vmem_shared>>
      tpu.wait_dma2 semaphore(%run_scoped3A : memref<!tpu.dma_semaphore, #tpu.memory_space<semaphore_mem>>) src(%arg14 : memref<640x48xf32, #tpu.memory_space<vmem>>) dst(%dma_wait3A_30 : memref<640x48xf32, #tpu.memory_space<vmem_shared>>)
      tpu.yield
    }) : () -> ()
    %barrier3A = arith.constant 0 : index
    tpu.barrier barrier_id(%barrier3A)
    %scan3A_9 = arith.constant 0 : i32
    %scan3A_10 = arith.constant 0 : i32
    %scan3A_11 = arith.constant 79 : i32
    %scan3A_12 = arith.addi %scan3A_10, %scan3A_11 : i32
    %scan3A_13 = arith.constant 1 : i32
    scf.for %scan3A_25 = %scan3A_10 to %scan3A_12 step %scan3A_13  : i32 {
      %mul3A_26 = arith.constant 32 : i32
      %mul3A_27 = arith.muli %scan3A_25, %mul3A_26 : i32
      %add3A_28 = arith.addi %add3A, %mul3A_27 : i32
      %lt3A = arith.constant 2500 : i32
      %lt3A_29 = arith.cmpi slt, %add3A_28, %lt3A : i32
      %convert_element_type3A_30 = arith.extui %lt3A_29 : i1 to i32
      %cond3A_31 = arith.constant 0 : i32
      %cond3A_32 = arith.cmpi ne, %convert_element_type3A_30, %cond3A_31 : i32
      scf.if %cond3A_32 {
        %mul3A_33 = arith.constant 128 : i32
        %mul3A_34 = arith.muli %add3A_28, %mul3A_33 : i32
        "tpu.region"() ({
          %run_scoped3A = tpu.sem_alloc : memref<!tpu.dma_semaphore, #tpu.memory_space<semaphore_mem>>
          %dma_start3A = tpu.memref_slice %arg2[%mul3A_34] : memref<320000xi32, #tpu.memory_space<hbm>> -> memref<128xi32, #tpu.memory_space<hbm>>
          %dma_start3A_41 = tpu.memref_slice %arg2[%mul3A_34] : memref<320000xi32, #tpu.memory_space<hbm>> -> memref<128xi32, #tpu.memory_space<hbm>>
          tpu.enqueue_dma source(%dma_start3A_41 : memref<128xi32, #tpu.memory_space<hbm>>) target(%arg9 : memref<128xi32, #tpu.memory_space<vmem>>) target_semaphore(%run_scoped3A : memref<!tpu.dma_semaphore, #tpu.memory_space<semaphore_mem>>)
          %dma_wait3A = tpu.memref_slice %arg2[%mul3A_34] : memref<320000xi32, #tpu.memory_space<hbm>> -> memref<128xi32, #tpu.memory_space<hbm>>
          %dma_wait3A_42 = tpu.memref_slice %arg2[%mul3A_34] : memref<320000xi32, #tpu.memory_space<hbm>> -> memref<128xi32, #tpu.memory_space<hbm>>
          tpu.wait_dma2 semaphore(%run_scoped3A : memref<!tpu.dma_semaphore, #tpu.memory_space<semaphore_mem>>) src(%dma_wait3A_42 : memref<128xi32, #tpu.memory_space<hbm>>) dst(%arg9 : memref<128xi32, #tpu.memory_space<vmem>>)
          tpu.yield
        }) : () -> ()
        "tpu.region"() ({
          %run_scoped3A = tpu.sem_alloc : memref<!tpu.dma_semaphore, #tpu.memory_space<semaphore_mem>>
          %dma_start3A = tpu.memref_slice %arg3[%mul3A_34] : memref<320000xi32, #tpu.memory_space<hbm>> -> memref<128xi32, #tpu.memory_space<hbm>>
          %dma_start3A_41 = tpu.memref_slice %arg3[%mul3A_34] : memref<320000xi32, #tpu.memory_space<hbm>> -> memref<128xi32, #tpu.memory_space<hbm>>
          tpu.enqueue_dma source(%dma_start3A_41 : memref<128xi32, #tpu.memory_space<hbm>>) target(%arg10 : memref<128xi32, #tpu.memory_space<vmem>>) target_semaphore(%run_scoped3A : memref<!tpu.dma_semaphore, #tpu.memory_space<semaphore_mem>>)
          %dma_wait3A = tpu.memref_slice %arg3[%mul3A_34] : memref<320000xi32, #tpu.memory_space<hbm>> -> memref<128xi32, #tpu.memory_space<hbm>>
          %dma_wait3A_42 = tpu.memref_slice %arg3[%mul3A_34] : memref<320000xi32, #tpu.memory_space<hbm>> -> memref<128xi32, #tpu.memory_space<hbm>>
          tpu.wait_dma2 semaphore(%run_scoped3A : memref<!tpu.dma_semaphore, #tpu.memory_space<semaphore_mem>>) src(%dma_wait3A_42 : memref<128xi32, #tpu.memory_space<hbm>>) dst(%arg10 : memref<128xi32, #tpu.memory_space<vmem>>)
          tpu.yield
        }) : () -> ()
        "tpu.region"() ({
          %run_scoped3A = tpu.sem_alloc : memref<!tpu.dma_semaphore, #tpu.memory_space<semaphore_mem>>
          %dma_start3A = tpu.memref_slice %arg4[%mul3A_34] : memref<320000xf32, #tpu.memory_space<hbm>> -> memref<128xf32, #tpu.memory_space<hbm>>
          %dma_start3A_41 = tpu.memref_slice %arg4[%mul3A_34] : memref<320000xf32, #tpu.memory_space<hbm>> -> memref<128xf32, #tpu.memory_space<hbm>>
          tpu.enqueue_dma source(%dma_start3A_41 : memref<128xf32, #tpu.memory_space<hbm>>) target(%arg11 : memref<128xf32, #tpu.memory_space<vmem>>) target_semaphore(%run_scoped3A : memref<!tpu.dma_semaphore, #tpu.memory_space<semaphore_mem>>)
          %dma_wait3A = tpu.memref_slice %arg4[%mul3A_34] : memref<320000xf32, #tpu.memory_space<hbm>> -> memref<128xf32, #tpu.memory_space<hbm>>
          %dma_wait3A_42 = tpu.memref_slice %arg4[%mul3A_34] : memref<320000xf32, #tpu.memory_space<hbm>> -> memref<128xf32, #tpu.memory_space<hbm>>
          tpu.wait_dma2 semaphore(%run_scoped3A : memref<!tpu.dma_semaphore, #tpu.memory_space<semaphore_mem>>) src(%dma_wait3A_42 : memref<128xf32, #tpu.memory_space<hbm>>) dst(%arg11 : memref<128xf32, #tpu.memory_space<vmem>>)
          tpu.yield
        }) : () -> ()
        "tpu.region"() ({
          %run_scoped3A = tpu.sem_alloc : memref<!tpu.dma_semaphore, #tpu.memory_space<semaphore_mem>>
          %dma_start3A = arith.constant 0 : i32
          %dma_start3A_41 = arith.constant 0 : i32
          %dma_start3A_42 = tpu.memref_slice %arg6[%dma_start3A, %dma_start3A_41] : memref<10240x48xf32, #tpu.memory_space<hbm>> -> memref<10240x48xf32, #tpu.memory_space<hbm>>
          tpu.enqueue_indirect_dma source(%dma_start3A_42 : memref<10240x48xf32, #tpu.memory_space<hbm>>) target(%arg13 : memref<128x48xf32, #tpu.memory_space<vmem>>) offsets(%arg9 : memref<128xi32, #tpu.memory_space<vmem>>) semaphore(%run_scoped3A : memref<!tpu.dma_semaphore, #tpu.memory_space<semaphore_mem>>)
          %dma_wait3A = arith.constant 0 : i32
          %dma_wait3A_43 = arith.constant 0 : i32
          %dma_wait3A_44 = tpu.memref_slice %arg6[%dma_wait3A, %dma_wait3A_43] : memref<10240x48xf32, #tpu.memory_space<hbm>> -> memref<10240x48xf32, #tpu.memory_space<hbm>>
          tpu.wait_indirect_dma semaphore(%run_scoped3A : memref<!tpu.dma_semaphore, #tpu.memory_space<semaphore_mem>>) src(%dma_wait3A_44 : memref<10240x48xf32, #tpu.memory_space<hbm>>) dst(%arg13 : memref<128x48xf32, #tpu.memory_space<vmem>>)
          tpu.yield
        }) : () -> ()
        %scan3A_35 = arith.constant 0 : i32
        %scan3A_36 = arith.constant 0 : i32
        %scan3A_37 = arith.constant 8 : i32
        %scan3A_38 = arith.addi %scan3A_36, %scan3A_37 : i32
        %scan3A_39 = arith.constant 1 : i32
        scf.for %scan3A_41 = %scan3A_36 to %scan3A_38 step %scan3A_39  : i32 {
          %mul3A_42 = arith.constant 16 : i32
          %mul3A_43 = arith.muli %scan3A_41, %mul3A_42 : i32
          %get3A = arith.index_cast %mul3A_43 : i32 to index
          %get3A_44 = tpu.vector_load %arg10[%get3A] {strides = array<i32>} : memref<128xi32, #tpu.memory_space<vmem>>, vector<16xi32>,
          %gather3A = tpu.vector_load_idx %arg12[%get3A_44] : memref<10240xf32, #tpu.memory_space<vmem>>[vector<16xi32>], vector<16xf32>,
          %mul3A_45 = arith.constant 16 : i32
          %mul3A_46 = arith.muli %scan3A_41, %mul3A_45 : i32
          %get3A_47 = arith.index_cast %mul3A_46 : i32 to index
          %get3A_48 = tpu.vector_load %arg11[%get3A_47] {strides = array<i32>} : memref<128xf32, #tpu.memory_space<vmem>>, vector<16xf32>,
          %mul3A_49 = arith.mulf %get3A_48, %gather3A : vector<16xf32>
          %mul3A_50 = arith.constant 16 : i32
          %mul3A_51 = arith.muli %scan3A_41, %mul3A_50 : i32
          %add3A_52 = arith.constant 0 : i32
          %add3A_53 = arith.addi %mul3A_51, %add3A_52 : i32
          %broadcast_in_dim3A_54 = arith.constant 0 : i32
          %broadcast_in_dim3A_55 = vector.broadcast %broadcast_in_dim3A_54 : i32 to vector<16xi32>
          %reshape3A = vector.shape_cast %broadcast_in_dim3A_55 : vector<16xi32> to vector<16x1xi32>
          %gather3A_56 = vector.shape_cast %reshape3A : vector<16x1xi32> to vector<16xi32>
          %gather3A_57 = tpu.dynamic_gather %mul3A_49[%gather3A_56] in [0] : vector<16xf32>, vector<16xi32> -> vector<16xf32>
          %get3A_58 = arith.index_cast %add3A_53 : i32 to index
          %get3A_59 = arith.constant 0 : index
          %get3A_60 = tpu.vector_load %arg13[%get3A_58, %get3A_59] {strides = array<i32>} : memref<128x48xf32, #tpu.memory_space<vmem>>, vector<16xf32>,
          %mul3A_61 = arith.mulf %get3A_60, %gather3A_57 : vector<16xf32>
          %swap3A = arith.index_cast %add3A_53 : i32 to index
          %swap3A_62 = arith.constant 0 : index
          %swap3A_63 = tpu.vector_load %arg13[%swap3A, %swap3A_62] {strides = array<i32>} : memref<128x48xf32, #tpu.memory_space<vmem>>, vector<16xf32>,
          tpu.vector_store %arg13[%swap3A, %swap3A_62], %mul3A_61 {strides = array<i32>} : memref<128x48xf32, #tpu.memory_space<vmem>>, vector<16xf32>,
          %get3A_64 = arith.index_cast %add3A_53 : i32 to index
          %get3A_65 = arith.constant 16 : index
          %get3A_66 = tpu.vector_load %arg13[%get3A_64, %get3A_65] {strides = array<i32>} : memref<128x48xf32, #tpu.memory_space<vmem>>, vector<16xf32>,
          %mul3A_67 = arith.mulf %get3A_66, %gather3A_57 : vector<16xf32>
          %swap3A_68 = arith.index_cast %add3A_53 : i32 to index
          %swap3A_69 = arith.constant 16 : index
          %swap3A_70 = tpu.vector_load %arg13[%swap3A_68, %swap3A_69] {strides = array<i32>} : memref<128x48xf32, #tpu.memory_space<vmem>>, vector<16xf32>,
          tpu.vector_store %arg13[%swap3A_68, %swap3A_69], %mul3A_67 {strides = array<i32>} : memref<128x48xf32, #tpu.memory_space<vmem>>, vector<16xf32>,
          %get3A_71 = arith.index_cast %add3A_53 : i32 to index
          %get3A_72 = arith.constant 32 : index
          %get3A_73 = tpu.vector_load %arg13[%get3A_71, %get3A_72] {strides = array<i32>} : memref<128x48xf32, #tpu.memory_space<vmem>>, vector<16xf32>,
          %mul3A_74 = arith.mulf %get3A_73, %gather3A_57 : vector<16xf32>
          %swap3A_75 = arith.index_cast %add3A_53 : i32 to index
          %swap3A_76 = arith.constant 32 : index
          %swap3A_77 = tpu.vector_load %arg13[%swap3A_75, %swap3A_76] {strides = array<i32>} : memref<128x48xf32, #tpu.memory_space<vmem>>, vector<16xf32>,
          tpu.vector_store %arg13[%swap3A_75, %swap3A_76], %mul3A_74 {strides = array<i32>} : memref<128x48xf32, #tpu.memory_space<vmem>>, vector<16xf32>,
          %mul3A_78 = arith.constant 16 : i32
          %mul3A_79 = arith.muli %scan3A_41, %mul3A_78 : i32
          %add3A_80 = arith.constant 1 : i32
          %add3A_81 = arith.addi %mul3A_79, %add3A_80 : i32
          %broadcast_in_dim3A_82 = arith.constant 1 : i32
          %broadcast_in_dim3A_83 = vector.broadcast %broadcast_in_dim3A_82 : i32 to vector<16xi32>
          %reshape3A_84 = vector.shape_cast %broadcast_in_dim3A_83 : vector<16xi32> to vector<16x1xi32>
          %gather3A_85 = vector.shape_cast %reshape3A_84 : vector<16x1xi32> to vector<16xi32>
          %gather3A_86 = tpu.dynamic_gather %mul3A_49[%gather3A_85] in [0] : vector<16xf32>, vector<16xi32> -> vector<16xf32>
          %get3A_87 = arith.index_cast %add3A_81 : i32 to index
          %get3A_88 = arith.constant 0 : index
          %get3A_89 = tpu.vector_load %arg13[%get3A_87, %get3A_88] {strides = array<i32>} : memref<128x48xf32, #tpu.memory_space<vmem>>, vector<16xf32>,
          %mul3A_90 = arith.mulf %get3A_89, %gather3A_86 : vector<16xf32>
          %swap3A_91 = arith.index_cast %add3A_81 : i32 to index
          %swap3A_92 = arith.constant 0 : index
          %swap3A_93 = tpu.vector_load %arg13[%swap3A_91, %swap3A_92] {strides = array<i32>} : memref<128x48xf32, #tpu.memory_space<vmem>>, vector<16xf32>,
          tpu.vector_store %arg13[%swap3A_91, %swap3A_92], %mul3A_90 {strides = array<i32>} : memref<128x48xf32, #tpu.memory_space<vmem>>, vector<16xf32>,
          %get3A_94 = arith.index_cast %add3A_81 : i32 to index
          %get3A_95 = arith.constant 16 : index
          %get3A_96 = tpu.vector_load %arg13[%get3A_94, %get3A_95] {strides = array<i32>} : memref<128x48xf32, #tpu.memory_space<vmem>>, vector<16xf32>,
          %mul3A_97 = arith.mulf %get3A_96, %gather3A_86 : vector<16xf32>
          %swap3A_98 = arith.index_cast %add3A_81 : i32 to index
          %swap3A_99 = arith.constant 16 : index
          %swap3A_100 = tpu.vector_load %arg13[%swap3A_98, %swap3A_99] {strides = array<i32>} : memref<128x48xf32, #tpu.memory_space<vmem>>, vector<16xf32>,
          tpu.vector_store %arg13[%swap3A_98, %swap3A_99], %mul3A_97 {strides = array<i32>} : memref<128x48xf32, #tpu.memory_space<vmem>>, vector<16xf32>,
          %get3A_101 = arith.index_cast %add3A_81 : i32 to index
          %get3A_102 = arith.constant 32 : index
          %get3A_103 = tpu.vector_load %arg13[%get3A_101, %get3A_102] {strides = array<i32>} : memref<128x48xf32, #tpu.memory_space<vmem>>, vector<16xf32>,
          %mul3A_104 = arith.mulf %get3A_103, %gather3A_86 : vector<16xf32>
          %swap3A_105 = arith.index_cast %add3A_81 : i32 to index
          %swap3A_106 = arith.constant 32 : index
          %swap3A_107 = tpu.vector_load %arg13[%swap3A_105, %swap3A_106] {strides = array<i32>} : memref<128x48xf32, #tpu.memory_space<vmem>>, vector<16xf32>,
          tpu.vector_store %arg13[%swap3A_105, %swap3A_106], %mul3A_104 {strides = array<i32>} : memref<128x48xf32, #tpu.memory_space<vmem>>, vector<16xf32>,
          %mul3A_108 = arith.constant 16 : i32
          %mul3A_109 = arith.muli %scan3A_41, %mul3A_108 : i32
          %add3A_110 = arith.constant 2 : i32
          %add3A_111 = arith.addi %mul3A_109, %add3A_110 : i32
          %broadcast_in_dim3A_112 = arith.constant 2 : i32
          %broadcast_in_dim3A_113 = vector.broadcast %broadcast_in_dim3A_112 : i32 to vector<16xi32>
          %reshape3A_114 = vector.shape_cast %broadcast_in_dim3A_113 : vector<16xi32> to vector<16x1xi32>
          %gather3A_115 = vector.shape_cast %reshape3A_114 : vector<16x1xi32> to vector<16xi32>
          %gather3A_116 = tpu.dynamic_gather %mul3A_49[%gather3A_115] in [0] : vector<16xf32>, vector<16xi32> -> vector<16xf32>
          %get3A_117 = arith.index_cast %add3A_111 : i32 to index
          %get3A_118 = arith.constant 0 : index
          %get3A_119 = tpu.vector_load %arg13[%get3A_117, %get3A_118] {strides = array<i32>} : memref<128x48xf32, #tpu.memory_space<vmem>>, vector<16xf32>,
          %mul3A_120 = arith.mulf %get3A_119, %gather3A_116 : vector<16xf32>
          %swap3A_121 = arith.index_cast %add3A_111 : i32 to index
          %swap3A_122 = arith.constant 0 : index
          %swap3A_123 = tpu.vector_load %arg13[%swap3A_121, %swap3A_122] {strides = array<i32>} : memref<128x48xf32, #tpu.memory_space<vmem>>, vector<16xf32>,
          tpu.vector_store %arg13[%swap3A_121, %swap3A_122], %mul3A_120 {strides = array<i32>} : memref<128x48xf32, #tpu.memory_space<vmem>>, vector<16xf32>,
          %get3A_124 = arith.index_cast %add3A_111 : i32 to index
          %get3A_125 = arith.constant 16 : index
          %get3A_126 = tpu.vector_load %arg13[%get3A_124, %get3A_125] {strides = array<i32>} : memref<128x48xf32, #tpu.memory_space<vmem>>, vector<16xf32>,
          %mul3A_127 = arith.mulf %get3A_126, %gather3A_116 : vector<16xf32>
          %swap3A_128 = arith.index_cast %add3A_111 : i32 to index
          %swap3A_129 = arith.constant 16 : index
          %swap3A_130 = tpu.vector_load %arg13[%swap3A_128, %swap3A_129] {strides = array<i32>} : memref<128x48xf32, #tpu.memory_space<vmem>>, vector<16xf32>,
          tpu.vector_store %arg13[%swap3A_128, %swap3A_129], %mul3A_127 {strides = array<i32>} : memref<128x48xf32, #tpu.memory_space<vmem>>, vector<16xf32>,
          %get3A_131 = arith.index_cast %add3A_111 : i32 to index
          %get3A_132 = arith.constant 32 : index
          %get3A_133 = tpu.vector_load %arg13[%get3A_131, %get3A_132] {strides = array<i32>} : memref<128x48xf32, #tpu.memory_space<vmem>>, vector<16xf32>,
          %mul3A_134 = arith.mulf %get3A_133, %gather3A_116 : vector<16xf32>
          %swap3A_135 = arith.index_cast %add3A_111 : i32 to index
          %swap3A_136 = arith.constant 32 : index
          %swap3A_137 = tpu.vector_load %arg13[%swap3A_135, %swap3A_136] {strides = array<i32>} : memref<128x48xf32, #tpu.memory_space<vmem>>, vector<16xf32>,
          tpu.vector_store %arg13[%swap3A_135, %swap3A_136], %mul3A_134 {strides = array<i32>} : memref<128x48xf32, #tpu.memory_space<vmem>>, vector<16xf32>,
          %mul3A_138 = arith.constant 16 : i32
          %mul3A_139 = arith.muli %scan3A_41, %mul3A_138 : i32
          %add3A_140 = arith.constant 3 : i32
          %add3A_141 = arith.addi %mul3A_139, %add3A_140 : i32
          %broadcast_in_dim3A_142 = arith.constant 3 : i32
          %broadcast_in_dim3A_143 = vector.broadcast %broadcast_in_dim3A_142 : i32 to vector<16xi32>
          %reshape3A_144 = vector.shape_cast %broadcast_in_dim3A_143 : vector<16xi32> to vector<16x1xi32>
          %gather3A_145 = vector.shape_cast %reshape3A_144 : vector<16x1xi32> to vector<16xi32>
          %gather3A_146 = tpu.dynamic_gather %mul3A_49[%gather3A_145] in [0] : vector<16xf32>, vector<16xi32> -> vector<16xf32>
          %get3A_147 = arith.index_cast %add3A_141 : i32 to index
          %get3A_148 = arith.constant 0 : index
          %get3A_149 = tpu.vector_load %arg13[%get3A_147, %get3A_148] {strides = array<i32>} : memref<128x48xf32, #tpu.memory_space<vmem>>, vector<16xf32>,
          %mul3A_150 = arith.mulf %get3A_149, %gather3A_146 : vector<16xf32>
          %swap3A_151 = arith.index_cast %add3A_141 : i32 to index
          %swap3A_152 = arith.constant 0 : index
          %swap3A_153 = tpu.vector_load %arg13[%swap3A_151, %swap3A_152] {strides = array<i32>} : memref<128x48xf32, #tpu.memory_space<vmem>>, vector<16xf32>,
          tpu.vector_store %arg13[%swap3A_151, %swap3A_152], %mul3A_150 {strides = array<i32>} : memref<128x48xf32, #tpu.memory_space<vmem>>, vector<16xf32>,
          %get3A_154 = arith.index_cast %add3A_141 : i32 to index
          %get3A_155 = arith.constant 16 : index
          %get3A_156 = tpu.vector_load %arg13[%get3A_154, %get3A_155] {strides = array<i32>} : memref<128x48xf32, #tpu.memory_space<vmem>>, vector<16xf32>,
          %mul3A_157 = arith.mulf %get3A_156, %gather3A_146 : vector<16xf32>
          %swap3A_158 = arith.index_cast %add3A_141 : i32 to index
          %swap3A_159 = arith.constant 16 : index
          %swap3A_160 = tpu.vector_load %arg13[%swap3A_158, %swap3A_159] {strides = array<i32>} : memref<128x48xf32, #tpu.memory_space<vmem>>, vector<16xf32>,
          tpu.vector_store %arg13[%swap3A_158, %swap3A_159], %mul3A_157 {strides = array<i32>} : memref<128x48xf32, #tpu.memory_space<vmem>>, vector<16xf32>,
          %get3A_161 = arith.index_cast %add3A_141 : i32 to index
          %get3A_162 = arith.constant 32 : index
          %get3A_163 = tpu.vector_load %arg13[%get3A_161, %get3A_162] {strides = array<i32>} : memref<128x48xf32, #tpu.memory_space<vmem>>, vector<16xf32>,
          %mul3A_164 = arith.mulf %get3A_163, %gather3A_146 : vector<16xf32>
          %swap3A_165 = arith.index_cast %add3A_141 : i32 to index
          %swap3A_166 = arith.constant 32 : index
          %swap3A_167 = tpu.vector_load %arg13[%swap3A_165, %swap3A_166] {strides = array<i32>} : memref<128x48xf32, #tpu.memory_space<vmem>>, vector<16xf32>,
          tpu.vector_store %arg13[%swap3A_165, %swap3A_166], %mul3A_164 {strides = array<i32>} : memref<128x48xf32, #tpu.memory_space<vmem>>, vector<16xf32>,
          %mul3A_168 = arith.constant 16 : i32
          %mul3A_169 = arith.muli %scan3A_41, %mul3A_168 : i32
          %add3A_170 = arith.constant 4 : i32
          %add3A_171 = arith.addi %mul3A_169, %add3A_170 : i32
          %broadcast_in_dim3A_172 = arith.constant 4 : i32
          %broadcast_in_dim3A_173 = vector.broadcast %broadcast_in_dim3A_172 : i32 to vector<16xi32>
          %reshape3A_174 = vector.shape_cast %broadcast_in_dim3A_173 : vector<16xi32> to vector<16x1xi32>
          %gather3A_175 = vector.shape_cast %reshape3A_174 : vector<16x1xi32> to vector<16xi32>
          %gather3A_176 = tpu.dynamic_gather %mul3A_49[%gather3A_175] in [0] : vector<16xf32>, vector<16xi32> -> vector<16xf32>
          %get3A_177 = arith.index_cast %add3A_171 : i32 to index
          %get3A_178 = arith.constant 0 : index
          %get3A_179 = tpu.vector_load %arg13[%get3A_177, %get3A_178] {strides = array<i32>} : memref<128x48xf32, #tpu.memory_space<vmem>>, vector<16xf32>,
          %mul3A_180 = arith.mulf %get3A_179, %gather3A_176 : vector<16xf32>
          %swap3A_181 = arith.index_cast %add3A_171 : i32 to index
          %swap3A_182 = arith.constant 0 : index
          %swap3A_183 = tpu.vector_load %arg13[%swap3A_181, %swap3A_182] {strides = array<i32>} : memref<128x48xf32, #tpu.memory_space<vmem>>, vector<16xf32>,
          tpu.vector_store %arg13[%swap3A_181, %swap3A_182], %mul3A_180 {strides = array<i32>} : memref<128x48xf32, #tpu.memory_space<vmem>>, vector<16xf32>,
          %get3A_184 = arith.index_cast %add3A_171 : i32 to index
          %get3A_185 = arith.constant 16 : index
          %get3A_186 = tpu.vector_load %arg13[%get3A_184, %get3A_185] {strides = array<i32>} : memref<128x48xf32, #tpu.memory_space<vmem>>, vector<16xf32>,
          %mul3A_187 = arith.mulf %get3A_186, %gather3A_176 : vector<16xf32>
          %swap3A_188 = arith.index_cast %add3A_171 : i32 to index
          %swap3A_189 = arith.constant 16 : index
          %swap3A_190 = tpu.vector_load %arg13[%swap3A_188, %swap3A_189] {strides = array<i32>} : memref<128x48xf32, #tpu.memory_space<vmem>>, vector<16xf32>,
          tpu.vector_store %arg13[%swap3A_188, %swap3A_189], %mul3A_187 {strides = array<i32>} : memref<128x48xf32, #tpu.memory_space<vmem>>, vector<16xf32>,
          %get3A_191 = arith.index_cast %add3A_171 : i32 to index
          %get3A_192 = arith.constant 32 : index
          %get3A_193 = tpu.vector_load %arg13[%get3A_191, %get3A_192] {strides = array<i32>} : memref<128x48xf32, #tpu.memory_space<vmem>>, vector<16xf32>,
          %mul3A_194 = arith.mulf %get3A_193, %gather3A_176 : vector<16xf32>
          %swap3A_195 = arith.index_cast %add3A_171 : i32 to index
          %swap3A_196 = arith.constant 32 : index
          %swap3A_197 = tpu.vector_load %arg13[%swap3A_195, %swap3A_196] {strides = array<i32>} : memref<128x48xf32, #tpu.memory_space<vmem>>, vector<16xf32>,
          tpu.vector_store %arg13[%swap3A_195, %swap3A_196], %mul3A_194 {strides = array<i32>} : memref<128x48xf32, #tpu.memory_space<vmem>>, vector<16xf32>,
          %mul3A_198 = arith.constant 16 : i32
          %mul3A_199 = arith.muli %scan3A_41, %mul3A_198 : i32
          %add3A_200 = arith.constant 5 : i32
          %add3A_201 = arith.addi %mul3A_199, %add3A_200 : i32
          %broadcast_in_dim3A_202 = arith.constant 5 : i32
          %broadcast_in_dim3A_203 = vector.broadcast %broadcast_in_dim3A_202 : i32 to vector<16xi32>
          %reshape3A_204 = vector.shape_cast %broadcast_in_dim3A_203 : vector<16xi32> to vector<16x1xi32>
          %gather3A_205 = vector.shape_cast %reshape3A_204 : vector<16x1xi32> to vector<16xi32>
          %gather3A_206 = tpu.dynamic_gather %mul3A_49[%gather3A_205] in [0] : vector<16xf32>, vector<16xi32> -> vector<16xf32>
          %get3A_207 = arith.index_cast %add3A_201 : i32 to index
          %get3A_208 = arith.constant 0 : index
          %get3A_209 = tpu.vector_load %arg13[%get3A_207, %get3A_208] {strides = array<i32>} : memref<128x48xf32, #tpu.memory_space<vmem>>, vector<16xf32>,
          %mul3A_210 = arith.mulf %get3A_209, %gather3A_206 : vector<16xf32>
          %swap3A_211 = arith.index_cast %add3A_201 : i32 to index
          %swap3A_212 = arith.constant 0 : index
          %swap3A_213 = tpu.vector_load %arg13[%swap3A_211, %swap3A_212] {strides = array<i32>} : memref<128x48xf32, #tpu.memory_space<vmem>>, vector<16xf32>,
          tpu.vector_store %arg13[%swap3A_211, %swap3A_212], %mul3A_210 {strides = array<i32>} : memref<128x48xf32, #tpu.memory_space<vmem>>, vector<16xf32>,
          %get3A_214 = arith.index_cast %add3A_201 : i32 to index
          %get3A_215 = arith.constant 16 : index
          %get3A_216 = tpu.vector_load %arg13[%get3A_214, %get3A_215] {strides = array<i32>} : memref<128x48xf32, #tpu.memory_space<vmem>>, vector<16xf32>,
          %mul3A_217 = arith.mulf %get3A_216, %gather3A_206 : vector<16xf32>
          %swap3A_218 = arith.index_cast %add3A_201 : i32 to index
          %swap3A_219 = arith.constant 16 : index
          %swap3A_220 = tpu.vector_load %arg13[%swap3A_218, %swap3A_219] {strides = array<i32>} : memref<128x48xf32, #tpu.memory_space<vmem>>, vector<16xf32>,
          tpu.vector_store %arg13[%swap3A_218, %swap3A_219], %mul3A_217 {strides = array<i32>} : memref<128x48xf32, #tpu.memory_space<vmem>>, vector<16xf32>,
          %get3A_221 = arith.index_cast %add3A_201 : i32 to index
          %get3A_222 = arith.constant 32 : index
          %get3A_223 = tpu.vector_load %arg13[%get3A_221, %get3A_222] {strides = array<i32>} : memref<128x48xf32, #tpu.memory_space<vmem>>, vector<16xf32>,
          %mul3A_224 = arith.mulf %get3A_223, %gather3A_206 : vector<16xf32>
          %swap3A_225 = arith.index_cast %add3A_201 : i32 to index
          %swap3A_226 = arith.constant 32 : index
          %swap3A_227 = tpu.vector_load %arg13[%swap3A_225, %swap3A_226] {strides = array<i32>} : memref<128x48xf32, #tpu.memory_space<vmem>>, vector<16xf32>,
          tpu.vector_store %arg13[%swap3A_225, %swap3A_226], %mul3A_224 {strides = array<i32>} : memref<128x48xf32, #tpu.memory_space<vmem>>, vector<16xf32>,
          %mul3A_228 = arith.constant 16 : i32
          %mul3A_229 = arith.muli %scan3A_41, %mul3A_228 : i32
          %add3A_230 = arith.constant 6 : i32
          %add3A_231 = arith.addi %mul3A_229, %add3A_230 : i32
          %broadcast_in_dim3A_232 = arith.constant 6 : i32
          %broadcast_in_dim3A_233 = vector.broadcast %broadcast_in_dim3A_232 : i32 to vector<16xi32>
          %reshape3A_234 = vector.shape_cast %broadcast_in_dim3A_233 : vector<16xi32> to vector<16x1xi32>
          %gather3A_235 = vector.shape_cast %reshape3A_234 : vector<16x1xi32> to vector<16xi32>
          %gather3A_236 = tpu.dynamic_gather %mul3A_49[%gather3A_235] in [0] : vector<16xf32>, vector<16xi32> -> vector<16xf32>
          %get3A_237 = arith.index_cast %add3A_231 : i32 to index
          %get3A_238 = arith.constant 0 : index
          %get3A_239 = tpu.vector_load %arg13[%get3A_237, %get3A_238] {strides = array<i32>} : memref<128x48xf32, #tpu.memory_space<vmem>>, vector<16xf32>,
          %mul3A_240 = arith.mulf %get3A_239, %gather3A_236 : vector<16xf32>
          %swap3A_241 = arith.index_cast %add3A_231 : i32 to index
          %swap3A_242 = arith.constant 0 : index
          %swap3A_243 = tpu.vector_load %arg13[%swap3A_241, %swap3A_242] {strides = array<i32>} : memref<128x48xf32, #tpu.memory_space<vmem>>, vector<16xf32>,
          tpu.vector_store %arg13[%swap3A_241, %swap3A_242], %mul3A_240 {strides = array<i32>} : memref<128x48xf32, #tpu.memory_space<vmem>>, vector<16xf32>,
          %get3A_244 = arith.index_cast %add3A_231 : i32 to index
          %get3A_245 = arith.constant 16 : index
          %get3A_246 = tpu.vector_load %arg13[%get3A_244, %get3A_245] {strides = array<i32>} : memref<128x48xf32, #tpu.memory_space<vmem>>, vector<16xf32>,
          %mul3A_247 = arith.mulf %get3A_246, %gather3A_236 : vector<16xf32>
          %swap3A_248 = arith.index_cast %add3A_231 : i32 to index
          %swap3A_249 = arith.constant 16 : index
          %swap3A_250 = tpu.vector_load %arg13[%swap3A_248, %swap3A_249] {strides = array<i32>} : memref<128x48xf32, #tpu.memory_space<vmem>>, vector<16xf32>,
          tpu.vector_store %arg13[%swap3A_248, %swap3A_249], %mul3A_247 {strides = array<i32>} : memref<128x48xf32, #tpu.memory_space<vmem>>, vector<16xf32>,
          %get3A_251 = arith.index_cast %add3A_231 : i32 to index
          %get3A_252 = arith.constant 32 : index
          %get3A_253 = tpu.vector_load %arg13[%get3A_251, %get3A_252] {strides = array<i32>} : memref<128x48xf32, #tpu.memory_space<vmem>>, vector<16xf32>,
          %mul3A_254 = arith.mulf %get3A_253, %gather3A_236 : vector<16xf32>
          %swap3A_255 = arith.index_cast %add3A_231 : i32 to index
          %swap3A_256 = arith.constant 32 : index
          %swap3A_257 = tpu.vector_load %arg13[%swap3A_255, %swap3A_256] {strides = array<i32>} : memref<128x48xf32, #tpu.memory_space<vmem>>, vector<16xf32>,
          tpu.vector_store %arg13[%swap3A_255, %swap3A_256], %mul3A_254 {strides = array<i32>} : memref<128x48xf32, #tpu.memory_space<vmem>>, vector<16xf32>,
          %mul3A_258 = arith.constant 16 : i32
          %mul3A_259 = arith.muli %scan3A_41, %mul3A_258 : i32
          %add3A_260 = arith.constant 7 : i32
          %add3A_261 = arith.addi %mul3A_259, %add3A_260 : i32
          %broadcast_in_dim3A_262 = arith.constant 7 : i32
          %broadcast_in_dim3A_263 = vector.broadcast %broadcast_in_dim3A_262 : i32 to vector<16xi32>
          %reshape3A_264 = vector.shape_cast %broadcast_in_dim3A_263 : vector<16xi32> to vector<16x1xi32>
          %gather3A_265 = vector.shape_cast %reshape3A_264 : vector<16x1xi32> to vector<16xi32>
          %gather3A_266 = tpu.dynamic_gather %mul3A_49[%gather3A_265] in [0] : vector<16xf32>, vector<16xi32> -> vector<16xf32>
          %get3A_267 = arith.index_cast %add3A_261 : i32 to index
          %get3A_268 = arith.constant 0 : index
          %get3A_269 = tpu.vector_load %arg13[%get3A_267, %get3A_268] {strides = array<i32>} : memref<128x48xf32, #tpu.memory_space<vmem>>, vector<16xf32>,
          %mul3A_270 = arith.mulf %get3A_269, %gather3A_266 : vector<16xf32>
          %swap3A_271 = arith.index_cast %add3A_261 : i32 to index
          %swap3A_272 = arith.constant 0 : index
          %swap3A_273 = tpu.vector_load %arg13[%swap3A_271, %swap3A_272] {strides = array<i32>} : memref<128x48xf32, #tpu.memory_space<vmem>>, vector<16xf32>,
          tpu.vector_store %arg13[%swap3A_271, %swap3A_272], %mul3A_270 {strides = array<i32>} : memref<128x48xf32, #tpu.memory_space<vmem>>, vector<16xf32>,
          %get3A_274 = arith.index_cast %add3A_261 : i32 to index
          %get3A_275 = arith.constant 16 : index
          %get3A_276 = tpu.vector_load %arg13[%get3A_274, %get3A_275] {strides = array<i32>} : memref<128x48xf32, #tpu.memory_space<vmem>>, vector<16xf32>,
          %mul3A_277 = arith.mulf %get3A_276, %gather3A_266 : vector<16xf32>
          %swap3A_278 = arith.index_cast %add3A_261 : i32 to index
          %swap3A_279 = arith.constant 16 : index
          %swap3A_280 = tpu.vector_load %arg13[%swap3A_278, %swap3A_279] {strides = array<i32>} : memref<128x48xf32, #tpu.memory_space<vmem>>, vector<16xf32>,
          tpu.vector_store %arg13[%swap3A_278, %swap3A_279], %mul3A_277 {strides = array<i32>} : memref<128x48xf32, #tpu.memory_space<vmem>>, vector<16xf32>,
          %get3A_281 = arith.index_cast %add3A_261 : i32 to index
          %get3A_282 = arith.constant 32 : index
          %get3A_283 = tpu.vector_load %arg13[%get3A_281, %get3A_282] {strides = array<i32>} : memref<128x48xf32, #tpu.memory_space<vmem>>, vector<16xf32>,
          %mul3A_284 = arith.mulf %get3A_283, %gather3A_266 : vector<16xf32>
          %swap3A_285 = arith.index_cast %add3A_261 : i32 to index
          %swap3A_286 = arith.constant 32 : index
          %swap3A_287 = tpu.vector_load %arg13[%swap3A_285, %swap3A_286] {strides = array<i32>} : memref<128x48xf32, #tpu.memory_space<vmem>>, vector<16xf32>,
          tpu.vector_store %arg13[%swap3A_285, %swap3A_286], %mul3A_284 {strides = array<i32>} : memref<128x48xf32, #tpu.memory_space<vmem>>, vector<16xf32>,
          %mul3A_288 = arith.constant 16 : i32
          %mul3A_289 = arith.muli %scan3A_41, %mul3A_288 : i32
          %add3A_290 = arith.constant 8 : i32
          %add3A_291 = arith.addi %mul3A_289, %add3A_290 : i32
          %broadcast_in_dim3A_292 = arith.constant 8 : i32
          %broadcast_in_dim3A_293 = vector.broadcast %broadcast_in_dim3A_292 : i32 to vector<16xi32>
          %reshape3A_294 = vector.shape_cast %broadcast_in_dim3A_293 : vector<16xi32> to vector<16x1xi32>
          %gather3A_295 = vector.shape_cast %reshape3A_294 : vector<16x1xi32> to vector<16xi32>
          %gather3A_296 = tpu.dynamic_gather %mul3A_49[%gather3A_295] in [0] : vector<16xf32>, vector<16xi32> -> vector<16xf32>
          %get3A_297 = arith.index_cast %add3A_291 : i32 to index
          %get3A_298 = arith.constant 0 : index
          %get3A_299 = tpu.vector_load %arg13[%get3A_297, %get3A_298] {strides = array<i32>} : memref<128x48xf32, #tpu.memory_space<vmem>>, vector<16xf32>,
          %mul3A_300 = arith.mulf %get3A_299, %gather3A_296 : vector<16xf32>
          %swap3A_301 = arith.index_cast %add3A_291 : i32 to index
          %swap3A_302 = arith.constant 0 : index
          %swap3A_303 = tpu.vector_load %arg13[%swap3A_301, %swap3A_302] {strides = array<i32>} : memref<128x48xf32, #tpu.memory_space<vmem>>, vector<16xf32>,
          tpu.vector_store %arg13[%swap3A_301, %swap3A_302], %mul3A_300 {strides = array<i32>} : memref<128x48xf32, #tpu.memory_space<vmem>>, vector<16xf32>,
          %get3A_304 = arith.index_cast %add3A_291 : i32 to index
          %get3A_305 = arith.constant 16 : index
          %get3A_306 = tpu.vector_load %arg13[%get3A_304, %get3A_305] {strides = array<i32>} : memref<128x48xf32, #tpu.memory_space<vmem>>, vector<16xf32>,
          %mul3A_307 = arith.mulf %get3A_306, %gather3A_296 : vector<16xf32>
          %swap3A_308 = arith.index_cast %add3A_291 : i32 to index
          %swap3A_309 = arith.constant 16 : index
          %swap3A_310 = tpu.vector_load %arg13[%swap3A_308, %swap3A_309] {strides = array<i32>} : memref<128x48xf32, #tpu.memory_space<vmem>>, vector<16xf32>,
          tpu.vector_store %arg13[%swap3A_308, %swap3A_309], %mul3A_307 {strides = array<i32>} : memref<128x48xf32, #tpu.memory_space<vmem>>, vector<16xf32>,
          %get3A_311 = arith.index_cast %add3A_291 : i32 to index
          %get3A_312 = arith.constant 32 : index
          %get3A_313 = tpu.vector_load %arg13[%get3A_311, %get3A_312] {strides = array<i32>} : memref<128x48xf32, #tpu.memory_space<vmem>>, vector<16xf32>,
          %mul3A_314 = arith.mulf %get3A_313, %gather3A_296 : vector<16xf32>
          %swap3A_315 = arith.index_cast %add3A_291 : i32 to index
          %swap3A_316 = arith.constant 32 : index
          %swap3A_317 = tpu.vector_load %arg13[%swap3A_315, %swap3A_316] {strides = array<i32>} : memref<128x48xf32, #tpu.memory_space<vmem>>, vector<16xf32>,
          tpu.vector_store %arg13[%swap3A_315, %swap3A_316], %mul3A_314 {strides = array<i32>} : memref<128x48xf32, #tpu.memory_space<vmem>>, vector<16xf32>,
          %mul3A_318 = arith.constant 16 : i32
          %mul3A_319 = arith.muli %scan3A_41, %mul3A_318 : i32
          %add3A_320 = arith.constant 9 : i32
          %add3A_321 = arith.addi %mul3A_319, %add3A_320 : i32
          %broadcast_in_dim3A_322 = arith.constant 9 : i32
          %broadcast_in_dim3A_323 = vector.broadcast %broadcast_in_dim3A_322 : i32 to vector<16xi32>
          %reshape3A_324 = vector.shape_cast %broadcast_in_dim3A_323 : vector<16xi32> to vector<16x1xi32>
          %gather3A_325 = vector.shape_cast %reshape3A_324 : vector<16x1xi32> to vector<16xi32>
          %gather3A_326 = tpu.dynamic_gather %mul3A_49[%gather3A_325] in [0] : vector<16xf32>, vector<16xi32> -> vector<16xf32>
          %get3A_327 = arith.index_cast %add3A_321 : i32 to index
          %get3A_328 = arith.constant 0 : index
          %get3A_329 = tpu.vector_load %arg13[%get3A_327, %get3A_328] {strides = array<i32>} : memref<128x48xf32, #tpu.memory_space<vmem>>, vector<16xf32>,
          %mul3A_330 = arith.mulf %get3A_329, %gather3A_326 : vector<16xf32>
          %swap3A_331 = arith.index_cast %add3A_321 : i32 to index
          %swap3A_332 = arith.constant 0 : index
          %swap3A_333 = tpu.vector_load %arg13[%swap3A_331, %swap3A_332] {strides = array<i32>} : memref<128x48xf32, #tpu.memory_space<vmem>>, vector<16xf32>,
          tpu.vector_store %arg13[%swap3A_331, %swap3A_332], %mul3A_330 {strides = array<i32>} : memref<128x48xf32, #tpu.memory_space<vmem>>, vector<16xf32>,
          %get3A_334 = arith.index_cast %add3A_321 : i32 to index
          %get3A_335 = arith.constant 16 : index
          %get3A_336 = tpu.vector_load %arg13[%get3A_334, %get3A_335] {strides = array<i32>} : memref<128x48xf32, #tpu.memory_space<vmem>>, vector<16xf32>,
          %mul3A_337 = arith.mulf %get3A_336, %gather3A_326 : vector<16xf32>
          %swap3A_338 = arith.index_cast %add3A_321 : i32 to index
          %swap3A_339 = arith.constant 16 : index
          %swap3A_340 = tpu.vector_load %arg13[%swap3A_338, %swap3A_339] {strides = array<i32>} : memref<128x48xf32, #tpu.memory_space<vmem>>, vector<16xf32>,
          tpu.vector_store %arg13[%swap3A_338, %swap3A_339], %mul3A_337 {strides = array<i32>} : memref<128x48xf32, #tpu.memory_space<vmem>>, vector<16xf32>,
          %get3A_341 = arith.index_cast %add3A_321 : i32 to index
          %get3A_342 = arith.constant 32 : index
          %get3A_343 = tpu.vector_load %arg13[%get3A_341, %get3A_342] {strides = array<i32>} : memref<128x48xf32, #tpu.memory_space<vmem>>, vector<16xf32>,
          %mul3A_344 = arith.mulf %get3A_343, %gather3A_326 : vector<16xf32>
          %swap3A_345 = arith.index_cast %add3A_321 : i32 to index
          %swap3A_346 = arith.constant 32 : index
          %swap3A_347 = tpu.vector_load %arg13[%swap3A_345, %swap3A_346] {strides = array<i32>} : memref<128x48xf32, #tpu.memory_space<vmem>>, vector<16xf32>,
          tpu.vector_store %arg13[%swap3A_345, %swap3A_346], %mul3A_344 {strides = array<i32>} : memref<128x48xf32, #tpu.memory_space<vmem>>, vector<16xf32>,
          %mul3A_348 = arith.constant 16 : i32
          %mul3A_349 = arith.muli %scan3A_41, %mul3A_348 : i32
          %add3A_350 = arith.constant 10 : i32
          %add3A_351 = arith.addi %mul3A_349, %add3A_350 : i32
          %broadcast_in_dim3A_352 = arith.constant 10 : i32
          %broadcast_in_dim3A_353 = vector.broadcast %broadcast_in_dim3A_352 : i32 to vector<16xi32>
          %reshape3A_354 = vector.shape_cast %broadcast_in_dim3A_353 : vector<16xi32> to vector<16x1xi32>
          %gather3A_355 = vector.shape_cast %reshape3A_354 : vector<16x1xi32> to vector<16xi32>
          %gather3A_356 = tpu.dynamic_gather %mul3A_49[%gather3A_355] in [0] : vector<16xf32>, vector<16xi32> -> vector<16xf32>
          %get3A_357 = arith.index_cast %add3A_351 : i32 to index
          %get3A_358 = arith.constant 0 : index
          %get3A_359 = tpu.vector_load %arg13[%get3A_357, %get3A_358] {strides = array<i32>} : memref<128x48xf32, #tpu.memory_space<vmem>>, vector<16xf32>,
          %mul3A_360 = arith.mulf %get3A_359, %gather3A_356 : vector<16xf32>
          %swap3A_361 = arith.index_cast %add3A_351 : i32 to index
          %swap3A_362 = arith.constant 0 : index
          %swap3A_363 = tpu.vector_load %arg13[%swap3A_361, %swap3A_362] {strides = array<i32>} : memref<128x48xf32, #tpu.memory_space<vmem>>, vector<16xf32>,
          tpu.vector_store %arg13[%swap3A_361, %swap3A_362], %mul3A_360 {strides = array<i32>} : memref<128x48xf32, #tpu.memory_space<vmem>>, vector<16xf32>,
          %get3A_364 = arith.index_cast %add3A_351 : i32 to index
          %get3A_365 = arith.constant 16 : index
          %get3A_366 = tpu.vector_load %arg13[%get3A_364, %get3A_365] {strides = array<i32>} : memref<128x48xf32, #tpu.memory_space<vmem>>, vector<16xf32>,
          %mul3A_367 = arith.mulf %get3A_366, %gather3A_356 : vector<16xf32>
          %swap3A_368 = arith.index_cast %add3A_351 : i32 to index
          %swap3A_369 = arith.constant 16 : index
          %swap3A_370 = tpu.vector_load %arg13[%swap3A_368, %swap3A_369] {strides = array<i32>} : memref<128x48xf32, #tpu.memory_space<vmem>>, vector<16xf32>,
          tpu.vector_store %arg13[%swap3A_368, %swap3A_369], %mul3A_367 {strides = array<i32>} : memref<128x48xf32, #tpu.memory_space<vmem>>, vector<16xf32>,
          %get3A_371 = arith.index_cast %add3A_351 : i32 to index
          %get3A_372 = arith.constant 32 : index
          %get3A_373 = tpu.vector_load %arg13[%get3A_371, %get3A_372] {strides = array<i32>} : memref<128x48xf32, #tpu.memory_space<vmem>>, vector<16xf32>,
          %mul3A_374 = arith.mulf %get3A_373, %gather3A_356 : vector<16xf32>
          %swap3A_375 = arith.index_cast %add3A_351 : i32 to index
          %swap3A_376 = arith.constant 32 : index
          %swap3A_377 = tpu.vector_load %arg13[%swap3A_375, %swap3A_376] {strides = array<i32>} : memref<128x48xf32, #tpu.memory_space<vmem>>, vector<16xf32>,
          tpu.vector_store %arg13[%swap3A_375, %swap3A_376], %mul3A_374 {strides = array<i32>} : memref<128x48xf32, #tpu.memory_space<vmem>>, vector<16xf32>,
          %mul3A_378 = arith.constant 16 : i32
          %mul3A_379 = arith.muli %scan3A_41, %mul3A_378 : i32
          %add3A_380 = arith.constant 11 : i32
          %add3A_381 = arith.addi %mul3A_379, %add3A_380 : i32
          %broadcast_in_dim3A_382 = arith.constant 11 : i32
          %broadcast_in_dim3A_383 = vector.broadcast %broadcast_in_dim3A_382 : i32 to vector<16xi32>
          %reshape3A_384 = vector.shape_cast %broadcast_in_dim3A_383 : vector<16xi32> to vector<16x1xi32>
          %gather3A_385 = vector.shape_cast %reshape3A_384 : vector<16x1xi32> to vector<16xi32>
          %gather3A_386 = tpu.dynamic_gather %mul3A_49[%gather3A_385] in [0] : vector<16xf32>, vector<16xi32> -> vector<16xf32>
          %get3A_387 = arith.index_cast %add3A_381 : i32 to index
          %get3A_388 = arith.constant 0 : index
          %get3A_389 = tpu.vector_load %arg13[%get3A_387, %get3A_388] {strides = array<i32>} : memref<128x48xf32, #tpu.memory_space<vmem>>, vector<16xf32>,
          %mul3A_390 = arith.mulf %get3A_389, %gather3A_386 : vector<16xf32>
          %swap3A_391 = arith.index_cast %add3A_381 : i32 to index
          %swap3A_392 = arith.constant 0 : index
          %swap3A_393 = tpu.vector_load %arg13[%swap3A_391, %swap3A_392] {strides = array<i32>} : memref<128x48xf32, #tpu.memory_space<vmem>>, vector<16xf32>,
          tpu.vector_store %arg13[%swap3A_391, %swap3A_392], %mul3A_390 {strides = array<i32>} : memref<128x48xf32, #tpu.memory_space<vmem>>, vector<16xf32>,
          %get3A_394 = arith.index_cast %add3A_381 : i32 to index
          %get3A_395 = arith.constant 16 : index
          %get3A_396 = tpu.vector_load %arg13[%get3A_394, %get3A_395] {strides = array<i32>} : memref<128x48xf32, #tpu.memory_space<vmem>>, vector<16xf32>,
          %mul3A_397 = arith.mulf %get3A_396, %gather3A_386 : vector<16xf32>
          %swap3A_398 = arith.index_cast %add3A_381 : i32 to index
          %swap3A_399 = arith.constant 16 : index
          %swap3A_400 = tpu.vector_load %arg13[%swap3A_398, %swap3A_399] {strides = array<i32>} : memref<128x48xf32, #tpu.memory_space<vmem>>, vector<16xf32>,
          tpu.vector_store %arg13[%swap3A_398, %swap3A_399], %mul3A_397 {strides = array<i32>} : memref<128x48xf32, #tpu.memory_space<vmem>>, vector<16xf32>,
          %get3A_401 = arith.index_cast %add3A_381 : i32 to index
          %get3A_402 = arith.constant 32 : index
          %get3A_403 = tpu.vector_load %arg13[%get3A_401, %get3A_402] {strides = array<i32>} : memref<128x48xf32, #tpu.memory_space<vmem>>, vector<16xf32>,
          %mul3A_404 = arith.mulf %get3A_403, %gather3A_386 : vector<16xf32>
          %swap3A_405 = arith.index_cast %add3A_381 : i32 to index
          %swap3A_406 = arith.constant 32 : index
          %swap3A_407 = tpu.vector_load %arg13[%swap3A_405, %swap3A_406] {strides = array<i32>} : memref<128x48xf32, #tpu.memory_space<vmem>>, vector<16xf32>,
          tpu.vector_store %arg13[%swap3A_405, %swap3A_406], %mul3A_404 {strides = array<i32>} : memref<128x48xf32, #tpu.memory_space<vmem>>, vector<16xf32>,
          %mul3A_408 = arith.constant 16 : i32
          %mul3A_409 = arith.muli %scan3A_41, %mul3A_408 : i32
          %add3A_410 = arith.constant 12 : i32
          %add3A_411 = arith.addi %mul3A_409, %add3A_410 : i32
          %broadcast_in_dim3A_412 = arith.constant 12 : i32
          %broadcast_in_dim3A_413 = vector.broadcast %broadcast_in_dim3A_412 : i32 to vector<16xi32>
          %reshape3A_414 = vector.shape_cast %broadcast_in_dim3A_413 : vector<16xi32> to vector<16x1xi32>
          %gather3A_415 = vector.shape_cast %reshape3A_414 : vector<16x1xi32> to vector<16xi32>
          %gather3A_416 = tpu.dynamic_gather %mul3A_49[%gather3A_415] in [0] : vector<16xf32>, vector<16xi32> -> vector<16xf32>
          %get3A_417 = arith.index_cast %add3A_411 : i32 to index
          %get3A_418 = arith.constant 0 : index
          %get3A_419 = tpu.vector_load %arg13[%get3A_417, %get3A_418] {strides = array<i32>} : memref<128x48xf32, #tpu.memory_space<vmem>>, vector<16xf32>,
          %mul3A_420 = arith.mulf %get3A_419, %gather3A_416 : vector<16xf32>
          %swap3A_421 = arith.index_cast %add3A_411 : i32 to index
          %swap3A_422 = arith.constant 0 : index
          %swap3A_423 = tpu.vector_load %arg13[%swap3A_421, %swap3A_422] {strides = array<i32>} : memref<128x48xf32, #tpu.memory_space<vmem>>, vector<16xf32>,
          tpu.vector_store %arg13[%swap3A_421, %swap3A_422], %mul3A_420 {strides = array<i32>} : memref<128x48xf32, #tpu.memory_space<vmem>>, vector<16xf32>,
          %get3A_424 = arith.index_cast %add3A_411 : i32 to index
          %get3A_425 = arith.constant 16 : index
          %get3A_426 = tpu.vector_load %arg13[%get3A_424, %get3A_425] {strides = array<i32>} : memref<128x48xf32, #tpu.memory_space<vmem>>, vector<16xf32>,
          %mul3A_427 = arith.mulf %get3A_426, %gather3A_416 : vector<16xf32>
          %swap3A_428 = arith.index_cast %add3A_411 : i32 to index
          %swap3A_429 = arith.constant 16 : index
          %swap3A_430 = tpu.vector_load %arg13[%swap3A_428, %swap3A_429] {strides = array<i32>} : memref<128x48xf32, #tpu.memory_space<vmem>>, vector<16xf32>,
          tpu.vector_store %arg13[%swap3A_428, %swap3A_429], %mul3A_427 {strides = array<i32>} : memref<128x48xf32, #tpu.memory_space<vmem>>, vector<16xf32>,
          %get3A_431 = arith.index_cast %add3A_411 : i32 to index
          %get3A_432 = arith.constant 32 : index
          %get3A_433 = tpu.vector_load %arg13[%get3A_431, %get3A_432] {strides = array<i32>} : memref<128x48xf32, #tpu.memory_space<vmem>>, vector<16xf32>,
          %mul3A_434 = arith.mulf %get3A_433, %gather3A_416 : vector<16xf32>
          %swap3A_435 = arith.index_cast %add3A_411 : i32 to index
          %swap3A_436 = arith.constant 32 : index
          %swap3A_437 = tpu.vector_load %arg13[%swap3A_435, %swap3A_436] {strides = array<i32>} : memref<128x48xf32, #tpu.memory_space<vmem>>, vector<16xf32>,
          tpu.vector_store %arg13[%swap3A_435, %swap3A_436], %mul3A_434 {strides = array<i32>} : memref<128x48xf32, #tpu.memory_space<vmem>>, vector<16xf32>,
          %mul3A_438 = arith.constant 16 : i32
          %mul3A_439 = arith.muli %scan3A_41, %mul3A_438 : i32
          %add3A_440 = arith.constant 13 : i32
          %add3A_441 = arith.addi %mul3A_439, %add3A_440 : i32
          %broadcast_in_dim3A_442 = arith.constant 13 : i32
          %broadcast_in_dim3A_443 = vector.broadcast %broadcast_in_dim3A_442 : i32 to vector<16xi32>
          %reshape3A_444 = vector.shape_cast %broadcast_in_dim3A_443 : vector<16xi32> to vector<16x1xi32>
          %gather3A_445 = vector.shape_cast %reshape3A_444 : vector<16x1xi32> to vector<16xi32>
          %gather3A_446 = tpu.dynamic_gather %mul3A_49[%gather3A_445] in [0] : vector<16xf32>, vector<16xi32> -> vector<16xf32>
          %get3A_447 = arith.index_cast %add3A_441 : i32 to index
          %get3A_448 = arith.constant 0 : index
          %get3A_449 = tpu.vector_load %arg13[%get3A_447, %get3A_448] {strides = array<i32>} : memref<128x48xf32, #tpu.memory_space<vmem>>, vector<16xf32>,
          %mul3A_450 = arith.mulf %get3A_449, %gather3A_446 : vector<16xf32>
          %swap3A_451 = arith.index_cast %add3A_441 : i32 to index
          %swap3A_452 = arith.constant 0 : index
          %swap3A_453 = tpu.vector_load %arg13[%swap3A_451, %swap3A_452] {strides = array<i32>} : memref<128x48xf32, #tpu.memory_space<vmem>>, vector<16xf32>,
          tpu.vector_store %arg13[%swap3A_451, %swap3A_452], %mul3A_450 {strides = array<i32>} : memref<128x48xf32, #tpu.memory_space<vmem>>, vector<16xf32>,
          %get3A_454 = arith.index_cast %add3A_441 : i32 to index
          %get3A_455 = arith.constant 16 : index
          %get3A_456 = tpu.vector_load %arg13[%get3A_454, %get3A_455] {strides = array<i32>} : memref<128x48xf32, #tpu.memory_space<vmem>>, vector<16xf32>,
          %mul3A_457 = arith.mulf %get3A_456, %gather3A_446 : vector<16xf32>
          %swap3A_458 = arith.index_cast %add3A_441 : i32 to index
          %swap3A_459 = arith.constant 16 : index
          %swap3A_460 = tpu.vector_load %arg13[%swap3A_458, %swap3A_459] {strides = array<i32>} : memref<128x48xf32, #tpu.memory_space<vmem>>, vector<16xf32>,
          tpu.vector_store %arg13[%swap3A_458, %swap3A_459], %mul3A_457 {strides = array<i32>} : memref<128x48xf32, #tpu.memory_space<vmem>>, vector<16xf32>,
          %get3A_461 = arith.index_cast %add3A_441 : i32 to index
          %get3A_462 = arith.constant 32 : index
          %get3A_463 = tpu.vector_load %arg13[%get3A_461, %get3A_462] {strides = array<i32>} : memref<128x48xf32, #tpu.memory_space<vmem>>, vector<16xf32>,
          %mul3A_464 = arith.mulf %get3A_463, %gather3A_446 : vector<16xf32>
          %swap3A_465 = arith.index_cast %add3A_441 : i32 to index
          %swap3A_466 = arith.constant 32 : index
          %swap3A_467 = tpu.vector_load %arg13[%swap3A_465, %swap3A_466] {strides = array<i32>} : memref<128x48xf32, #tpu.memory_space<vmem>>, vector<16xf32>,
          tpu.vector_store %arg13[%swap3A_465, %swap3A_466], %mul3A_464 {strides = array<i32>} : memref<128x48xf32, #tpu.memory_space<vmem>>, vector<16xf32>,
          %mul3A_468 = arith.constant 16 : i32
          %mul3A_469 = arith.muli %scan3A_41, %mul3A_468 : i32
          %add3A_470 = arith.constant 14 : i32
          %add3A_471 = arith.addi %mul3A_469, %add3A_470 : i32
          %broadcast_in_dim3A_472 = arith.constant 14 : i32
          %broadcast_in_dim3A_473 = vector.broadcast %broadcast_in_dim3A_472 : i32 to vector<16xi32>
          %reshape3A_474 = vector.shape_cast %broadcast_in_dim3A_473 : vector<16xi32> to vector<16x1xi32>
          %gather3A_475 = vector.shape_cast %reshape3A_474 : vector<16x1xi32> to vector<16xi32>
          %gather3A_476 = tpu.dynamic_gather %mul3A_49[%gather3A_475] in [0] : vector<16xf32>, vector<16xi32> -> vector<16xf32>
          %get3A_477 = arith.index_cast %add3A_471 : i32 to index
          %get3A_478 = arith.constant 0 : index
          %get3A_479 = tpu.vector_load %arg13[%get3A_477, %get3A_478] {strides = array<i32>} : memref<128x48xf32, #tpu.memory_space<vmem>>, vector<16xf32>,
          %mul3A_480 = arith.mulf %get3A_479, %gather3A_476 : vector<16xf32>
          %swap3A_481 = arith.index_cast %add3A_471 : i32 to index
          %swap3A_482 = arith.constant 0 : index
          %swap3A_483 = tpu.vector_load %arg13[%swap3A_481, %swap3A_482] {strides = array<i32>} : memref<128x48xf32, #tpu.memory_space<vmem>>, vector<16xf32>,
          tpu.vector_store %arg13[%swap3A_481, %swap3A_482], %mul3A_480 {strides = array<i32>} : memref<128x48xf32, #tpu.memory_space<vmem>>, vector<16xf32>,
          %get3A_484 = arith.index_cast %add3A_471 : i32 to index
          %get3A_485 = arith.constant 16 : index
          %get3A_486 = tpu.vector_load %arg13[%get3A_484, %get3A_485] {strides = array<i32>} : memref<128x48xf32, #tpu.memory_space<vmem>>, vector<16xf32>,
          %mul3A_487 = arith.mulf %get3A_486, %gather3A_476 : vector<16xf32>
          %swap3A_488 = arith.index_cast %add3A_471 : i32 to index
          %swap3A_489 = arith.constant 16 : index
          %swap3A_490 = tpu.vector_load %arg13[%swap3A_488, %swap3A_489] {strides = array<i32>} : memref<128x48xf32, #tpu.memory_space<vmem>>, vector<16xf32>,
          tpu.vector_store %arg13[%swap3A_488, %swap3A_489], %mul3A_487 {strides = array<i32>} : memref<128x48xf32, #tpu.memory_space<vmem>>, vector<16xf32>,
          %get3A_491 = arith.index_cast %add3A_471 : i32 to index
          %get3A_492 = arith.constant 32 : index
          %get3A_493 = tpu.vector_load %arg13[%get3A_491, %get3A_492] {strides = array<i32>} : memref<128x48xf32, #tpu.memory_space<vmem>>, vector<16xf32>,
          %mul3A_494 = arith.mulf %get3A_493, %gather3A_476 : vector<16xf32>
          %swap3A_495 = arith.index_cast %add3A_471 : i32 to index
          %swap3A_496 = arith.constant 32 : index
          %swap3A_497 = tpu.vector_load %arg13[%swap3A_495, %swap3A_496] {strides = array<i32>} : memref<128x48xf32, #tpu.memory_space<vmem>>, vector<16xf32>,
          tpu.vector_store %arg13[%swap3A_495, %swap3A_496], %mul3A_494 {strides = array<i32>} : memref<128x48xf32, #tpu.memory_space<vmem>>, vector<16xf32>,
          %mul3A_498 = arith.constant 16 : i32
          %mul3A_499 = arith.muli %scan3A_41, %mul3A_498 : i32
          %add3A_500 = arith.constant 15 : i32
          %add3A_501 = arith.addi %mul3A_499, %add3A_500 : i32
          %broadcast_in_dim3A_502 = arith.constant 15 : i32
          %broadcast_in_dim3A_503 = vector.broadcast %broadcast_in_dim3A_502 : i32 to vector<16xi32>
          %reshape3A_504 = vector.shape_cast %broadcast_in_dim3A_503 : vector<16xi32> to vector<16x1xi32>
          %gather3A_505 = vector.shape_cast %reshape3A_504 : vector<16x1xi32> to vector<16xi32>
          %gather3A_506 = tpu.dynamic_gather %mul3A_49[%gather3A_505] in [0] : vector<16xf32>, vector<16xi32> -> vector<16xf32>
          %get3A_507 = arith.index_cast %add3A_501 : i32 to index
          %get3A_508 = arith.constant 0 : index
          %get3A_509 = tpu.vector_load %arg13[%get3A_507, %get3A_508] {strides = array<i32>} : memref<128x48xf32, #tpu.memory_space<vmem>>, vector<16xf32>,
          %mul3A_510 = arith.mulf %get3A_509, %gather3A_506 : vector<16xf32>
          %swap3A_511 = arith.index_cast %add3A_501 : i32 to index
          %swap3A_512 = arith.constant 0 : index
          %swap3A_513 = tpu.vector_load %arg13[%swap3A_511, %swap3A_512] {strides = array<i32>} : memref<128x48xf32, #tpu.memory_space<vmem>>, vector<16xf32>,
          tpu.vector_store %arg13[%swap3A_511, %swap3A_512], %mul3A_510 {strides = array<i32>} : memref<128x48xf32, #tpu.memory_space<vmem>>, vector<16xf32>,
          %get3A_514 = arith.index_cast %add3A_501 : i32 to index
          %get3A_515 = arith.constant 16 : index
          %get3A_516 = tpu.vector_load %arg13[%get3A_514, %get3A_515] {strides = array<i32>} : memref<128x48xf32, #tpu.memory_space<vmem>>, vector<16xf32>,
          %mul3A_517 = arith.mulf %get3A_516, %gather3A_506 : vector<16xf32>
          %swap3A_518 = arith.index_cast %add3A_501 : i32 to index
          %swap3A_519 = arith.constant 16 : index
          %swap3A_520 = tpu.vector_load %arg13[%swap3A_518, %swap3A_519] {strides = array<i32>} : memref<128x48xf32, #tpu.memory_space<vmem>>, vector<16xf32>,
          tpu.vector_store %arg13[%swap3A_518, %swap3A_519], %mul3A_517 {strides = array<i32>} : memref<128x48xf32, #tpu.memory_space<vmem>>, vector<16xf32>,
          %get3A_521 = arith.index_cast %add3A_501 : i32 to index
          %get3A_522 = arith.constant 32 : index
          %get3A_523 = tpu.vector_load %arg13[%get3A_521, %get3A_522] {strides = array<i32>} : memref<128x48xf32, #tpu.memory_space<vmem>>, vector<16xf32>,
          %mul3A_524 = arith.mulf %get3A_523, %gather3A_506 : vector<16xf32>
          %swap3A_525 = arith.index_cast %add3A_501 : i32 to index
          %swap3A_526 = arith.constant 32 : index
          %swap3A_527 = tpu.vector_load %arg13[%swap3A_525, %swap3A_526] {strides = array<i32>} : memref<128x48xf32, #tpu.memory_space<vmem>>, vector<16xf32>,
          tpu.vector_store %arg13[%swap3A_525, %swap3A_526], %mul3A_524 {strides = array<i32>} : memref<128x48xf32, #tpu.memory_space<vmem>>, vector<16xf32>,
        }
        %scan3A_40 = arith.constant 8 : i32
        "tpu.region"() ({
          %run_scoped3A = tpu.sem_alloc : memref<!tpu.dma_semaphore, #tpu.memory_space<semaphore_mem>>
          %dma_start3A = arith.constant 0 : i32
          %dma_start3A_41 = arith.constant 0 : i32
          %dma_start3A_42 = tpu.memref_slice %arg15[%dma_start3A, %dma_start3A_41] : memref<10240x48xf32, #tpu.memory_space<vmem_shared>> -> memref<10240x48xf32, #tpu.memory_space<vmem_shared>>
          tpu.enqueue_indirect_dma source(%arg13 : memref<128x48xf32, #tpu.memory_space<vmem>>) target(%dma_start3A_42 : memref<10240x48xf32, #tpu.memory_space<vmem_shared>>) offsets(%arg10 : memref<128xi32, #tpu.memory_space<vmem>>) semaphore(%run_scoped3A : memref<!tpu.dma_semaphore, #tpu.memory_space<semaphore_mem>>) {add = true}
          %dma_wait3A = arith.constant 0 : i32
          %dma_wait3A_43 = arith.constant 0 : i32
          %dma_wait3A_44 = tpu.memref_slice %arg15[%dma_wait3A, %dma_wait3A_43] : memref<10240x48xf32, #tpu.memory_space<vmem_shared>> -> memref<10240x48xf32, #tpu.memory_space<vmem_shared>>
          tpu.wait_indirect_dma semaphore(%run_scoped3A : memref<!tpu.dma_semaphore, #tpu.memory_space<semaphore_mem>>) src(%arg13 : memref<128x48xf32, #tpu.memory_space<vmem>>) dst(%dma_wait3A_44 : memref<10240x48xf32, #tpu.memory_space<vmem_shared>>)
          tpu.yield
        }) : () -> ()
      } else {
      }
    }
    %scan3A_14 = arith.constant 79 : i32
    %barrier3A_15 = arith.constant 0 : index
    tpu.barrier barrier_id(%barrier3A_15)
    %mul3A_16 = arith.constant 640 : i32
    %mul3A_17 = arith.muli %arg1, %mul3A_16 : i32
    "tpu.region"() ({
      %run_scoped3A = tpu.sem_alloc : memref<!tpu.dma_semaphore, #tpu.memory_space<semaphore_mem>>
      %dma_start3A = arith.constant 0 : i32
      %dma_start3A_25 = tpu.memref_slice %arg15[%mul3A_17, %dma_start3A] : memref<10240x48xf32, #tpu.memory_space<vmem_shared>> -> memref<640x48xf32, #tpu.memory_space<vmem_shared>>
      %dma_start3A_26 = arith.constant 0 : i32
      %dma_start3A_27 = tpu.memref_slice %arg15[%mul3A_17, %dma_start3A_26] : memref<10240x48xf32, #tpu.memory_space<vmem_shared>> -> memref<640x48xf32, #tpu.memory_space<vmem_shared>>
      tpu.enqueue_dma source(%dma_start3A_27 : memref<640x48xf32, #tpu.memory_space<vmem_shared>>) target(%arg14 : memref<640x48xf32, #tpu.memory_space<vmem>>) target_semaphore(%run_scoped3A : memref<!tpu.dma_semaphore, #tpu.memory_space<semaphore_mem>>)
      %dma_wait3A = arith.constant 0 : i32
      %dma_wait3A_28 = tpu.memref_slice %arg15[%mul3A_17, %dma_wait3A] : memref<10240x48xf32, #tpu.memory_space<vmem_shared>> -> memref<640x48xf32, #tpu.memory_space<vmem_shared>>
      %dma_wait3A_29 = arith.constant 0 : i32
      %dma_wait3A_30 = tpu.memref_slice %arg15[%mul3A_17, %dma_wait3A_29] : memref<10240x48xf32, #tpu.memory_space<vmem_shared>> -> memref<640x48xf32, #tpu.memory_space<vmem_shared>>
      tpu.wait_dma2 semaphore(%run_scoped3A : memref<!tpu.dma_semaphore, #tpu.memory_space<semaphore_mem>>) src(%dma_wait3A_30 : memref<640x48xf32, #tpu.memory_space<vmem_shared>>) dst(%arg14 : memref<640x48xf32, #tpu.memory_space<vmem>>)
      tpu.yield
    }) : () -> ()
    %eq3A = arith.constant 0 : i32
    %eq3A_18 = arith.cmpi eq, %arg0, %eq3A : i32
    %convert_element_type3A = arith.extui %eq3A_18 : i1 to i32
    %cond3A = arith.constant 0 : i32
    %cond3A_19 = arith.cmpi ne, %convert_element_type3A, %cond3A : i32
    scf.if %cond3A_19 {
      %mul3A_25 = arith.constant 640 : i32
      %mul3A_26 = arith.muli %arg1, %mul3A_25 : i32
      "tpu.region"() ({
        %run_scoped3A = tpu.sem_alloc : memref<!tpu.dma_semaphore, #tpu.memory_space<semaphore_mem>>
        %dma_start3A = arith.constant 0 : i32
        %dma_start3A_27 = tpu.memref_slice %arg7[%mul3A_26, %dma_start3A] : memref<10240x48xf32, #tpu.memory_space<hbm>> -> memref<640x48xf32, #tpu.memory_space<hbm>>
        %dma_start3A_28 = arith.constant 0 : i32
        %dma_start3A_29 = tpu.memref_slice %arg7[%mul3A_26, %dma_start3A_28] : memref<10240x48xf32, #tpu.memory_space<hbm>> -> memref<640x48xf32, #tpu.memory_space<hbm>>
        tpu.enqueue_dma source(%arg14 : memref<640x48xf32, #tpu.memory_space<vmem>>) target(%dma_start3A_29 : memref<640x48xf32, #tpu.memory_space<hbm>>) target_semaphore(%run_scoped3A : memref<!tpu.dma_semaphore, #tpu.memory_space<semaphore_mem>>)
        %dma_wait3A = arith.constant 0 : i32
        %dma_wait3A_30 = tpu.memref_slice %arg7[%mul3A_26, %dma_wait3A] : memref<10240x48xf32, #tpu.memory_space<hbm>> -> memref<640x48xf32, #tpu.memory_space<hbm>>
        %dma_wait3A_31 = arith.constant 0 : i32
        %dma_wait3A_32 = tpu.memref_slice %arg7[%mul3A_26, %dma_wait3A_31] : memref<10240x48xf32, #tpu.memory_space<hbm>> -> memref<640x48xf32, #tpu.memory_space<hbm>>
        tpu.wait_dma2 semaphore(%run_scoped3A : memref<!tpu.dma_semaphore, #tpu.memory_space<semaphore_mem>>) src(%arg14 : memref<640x48xf32, #tpu.memory_space<vmem>>) dst(%dma_wait3A_32 : memref<640x48xf32, #tpu.memory_space<hbm>>)
        tpu.yield
      }) : () -> ()
    } else {
    }
    %eq3A_20 = arith.constant 1 : i32
    %eq3A_21 = arith.cmpi eq, %arg0, %eq3A_20 : i32
    %convert_element_type3A_22 = arith.extui %eq3A_21 : i1 to i32
    %cond3A_23 = arith.constant 0 : i32
    %cond3A_24 = arith.cmpi ne, %convert_element_type3A_22, %cond3A_23 : i32
    scf.if %cond3A_24 {
      %mul3A_25 = arith.constant 640 : i32
      %mul3A_26 = arith.muli %arg1, %mul3A_25 : i32
      "tpu.region"() ({
        %run_scoped3A = tpu.sem_alloc : memref<!tpu.dma_semaphore, #tpu.memory_space<semaphore_mem>>
        %dma_start3A = arith.constant 0 : i32
        %dma_start3A_27 = tpu.memref_slice %arg8[%mul3A_26, %dma_start3A] : memref<10240x48xf32, #tpu.memory_space<hbm>> -> memref<640x48xf32, #tpu.memory_space<hbm>>
        %dma_start3A_28 = arith.constant 0 : i32
        %dma_start3A_29 = tpu.memref_slice %arg8[%mul3A_26, %dma_start3A_28] : memref<10240x48xf32, #tpu.memory_space<hbm>> -> memref<640x48xf32, #tpu.memory_space<hbm>>
        tpu.enqueue_dma source(%arg14 : memref<640x48xf32, #tpu.memory_space<vmem>>) target(%dma_start3A_29 : memref<640x48xf32, #tpu.memory_space<hbm>>) target_semaphore(%run_scoped3A : memref<!tpu.dma_semaphore, #tpu.memory_space<semaphore_mem>>)
        %dma_wait3A = arith.constant 0 : i32
        %dma_wait3A_30 = tpu.memref_slice %arg8[%mul3A_26, %dma_wait3A] : memref<10240x48xf32, #tpu.memory_space<hbm>> -> memref<640x48xf32, #tpu.memory_space<hbm>>
        %dma_wait3A_31 = arith.constant 0 : i32
        %dma_wait3A_32 = tpu.memref_slice %arg8[%mul3A_26, %dma_wait3A_31] : memref<10240x48xf32, #tpu.memory_space<hbm>> -> memref<640x48xf32, #tpu.memory_space<hbm>>
        tpu.wait_dma2 semaphore(%run_scoped3A : memref<!tpu.dma_semaphore, #tpu.memory_space<semaphore_mem>>) src(%arg14 : memref<640x48xf32, #tpu.memory_space<vmem>>) dst(%dma_wait3A_32 : memref<640x48xf32, #tpu.memory_space<hbm>>)
        tpu.yield
      }) : () -> ()
    } else {
    }
    return
  }
}

#map = affine_map<(d0, d1) -> (0)>
#map1 = affine_map<(d0, d1) -> (0, 0)>
module attributes {stable_mosaic.version = 14 : i64} {
  func.func @_sca1_body(%arg0: i32, %arg1: i32, %arg2: memref<320000xi32, #tpu.memory_space<hbm>>, %arg3: memref<320000xi32, #tpu.memory_space<hbm>>, %arg4: memref<10240x16xf32, #tpu.memory_space<hbm>>, %arg5: memref<10240x16xf32, #tpu.memory_space<hbm>>, %arg6: memref<320000x16xf32, #tpu.memory_space<hbm>>, %arg7: memref<10240x16xf32, #tpu.memory_space<hbm>>, %arg8: memref<10240x16xf32, #tpu.memory_space<hbm>>, %arg9: memref<128xi32, #tpu.memory_space<vmem>>, %arg10: memref<128xi32, #tpu.memory_space<vmem>>, %arg11: memref<128x16xf32, #tpu.memory_space<vmem>>, %arg12: memref<128x16xf32, #tpu.memory_space<vmem>>, %arg13: memref<128x16xf32, #tpu.memory_space<vmem>>, %arg14: memref<640x16xf32, #tpu.memory_space<vmem>>, %arg15: memref<10240x16xf32, #tpu.memory_space<vmem_shared>>) attributes {dimension_semantics = [#tpu.dimension_semantics<core_parallel>, #tpu.dimension_semantics<subcore_parallel>], iteration_bounds = array<i64: 2, 16>, scalar_prefetch = 0 : i64, scratch_operands = 7 : i64, tpu.core_type = #tpu.core_type<sc_vector_subcore>, window_params = [{transform_indices = #map}, {transform_indices = #map}, {transform_indices = #map1}, {transform_indices = #map1}, {transform_indices = #map1}, {transform_indices = #map1}, {transform_indices = #map1}]} {
    %mul3A = arith.constant 16 : i32
    %mul3A_0 = arith.muli %arg0, %mul3A : i32
    %add3A = arith.addi %mul3A_0, %arg1 : i32
    %broadcast_in_dim3A = arith.constant 0.000000e+00 : f32
    %broadcast_in_dim3A_1 = vector.broadcast %broadcast_in_dim3A : f32 to vector<16xf32>
    %scan3A = arith.constant 0 : i32
    %scan3A_2 = arith.constant 0 : i32
    %scan3A_3 = arith.constant 640 : i32
    %scan3A_4 = arith.addi %scan3A_2, %scan3A_3 : i32
    %scan3A_5 = arith.constant 1 : i32
    scf.for %scan3A_25 = %scan3A_2 to %scan3A_4 step %scan3A_5  : i32 {
      %swap3A = arith.index_cast %scan3A_25 : i32 to index
      %swap3A_26 = arith.constant 0 : index
      %swap3A_27 = tpu.vector_load %arg14[%swap3A, %swap3A_26] {strides = array<i32>} : memref<640x16xf32, #tpu.memory_space<vmem>>, vector<16xf32>,
      tpu.vector_store %arg14[%swap3A, %swap3A_26], %broadcast_in_dim3A_1 {strides = array<i32>} : memref<640x16xf32, #tpu.memory_space<vmem>>, vector<16xf32>,
    }
    %scan3A_6 = arith.constant 640 : i32
    %mul3A_7 = arith.constant 640 : i32
    %mul3A_8 = arith.muli %arg1, %mul3A_7 : i32
    "tpu.region"() ({
      %run_scoped3A = tpu.sem_alloc : memref<!tpu.dma_semaphore, #tpu.memory_space<semaphore_mem>>
      %dma_start3A = arith.constant 0 : i32
      %dma_start3A_25 = tpu.memref_slice %arg15[%mul3A_8, %dma_start3A] : memref<10240x16xf32, #tpu.memory_space<vmem_shared>> -> memref<640x16xf32, #tpu.memory_space<vmem_shared>>
      %dma_start3A_26 = arith.constant 0 : i32
      %dma_start3A_27 = tpu.memref_slice %arg15[%mul3A_8, %dma_start3A_26] : memref<10240x16xf32, #tpu.memory_space<vmem_shared>> -> memref<640x16xf32, #tpu.memory_space<vmem_shared>>
      tpu.enqueue_dma source(%arg14 : memref<640x16xf32, #tpu.memory_space<vmem>>) target(%dma_start3A_27 : memref<640x16xf32, #tpu.memory_space<vmem_shared>>) target_semaphore(%run_scoped3A : memref<!tpu.dma_semaphore, #tpu.memory_space<semaphore_mem>>)
      %dma_wait3A = arith.constant 0 : i32
      %dma_wait3A_28 = tpu.memref_slice %arg15[%mul3A_8, %dma_wait3A] : memref<10240x16xf32, #tpu.memory_space<vmem_shared>> -> memref<640x16xf32, #tpu.memory_space<vmem_shared>>
      %dma_wait3A_29 = arith.constant 0 : i32
      %dma_wait3A_30 = tpu.memref_slice %arg15[%mul3A_8, %dma_wait3A_29] : memref<10240x16xf32, #tpu.memory_space<vmem_shared>> -> memref<640x16xf32, #tpu.memory_space<vmem_shared>>
      tpu.wait_dma2 semaphore(%run_scoped3A : memref<!tpu.dma_semaphore, #tpu.memory_space<semaphore_mem>>) src(%arg14 : memref<640x16xf32, #tpu.memory_space<vmem>>) dst(%dma_wait3A_30 : memref<640x16xf32, #tpu.memory_space<vmem_shared>>)
      tpu.yield
    }) : () -> ()
    %barrier3A = arith.constant 0 : index
    tpu.barrier barrier_id(%barrier3A)
    %scan3A_9 = arith.constant 0 : i32
    %scan3A_10 = arith.constant 0 : i32
    %scan3A_11 = arith.constant 79 : i32
    %scan3A_12 = arith.addi %scan3A_10, %scan3A_11 : i32
    %scan3A_13 = arith.constant 1 : i32
    scf.for %scan3A_25 = %scan3A_10 to %scan3A_12 step %scan3A_13  : i32 {
      %mul3A_26 = arith.constant 32 : i32
      %mul3A_27 = arith.muli %scan3A_25, %mul3A_26 : i32
      %add3A_28 = arith.addi %add3A, %mul3A_27 : i32
      %lt3A = arith.constant 2500 : i32
      %lt3A_29 = arith.cmpi slt, %add3A_28, %lt3A : i32
      %convert_element_type3A_30 = arith.extui %lt3A_29 : i1 to i32
      %cond3A_31 = arith.constant 0 : i32
      %cond3A_32 = arith.cmpi ne, %convert_element_type3A_30, %cond3A_31 : i32
      scf.if %cond3A_32 {
        %mul3A_33 = arith.constant 128 : i32
        %mul3A_34 = arith.muli %add3A_28, %mul3A_33 : i32
        "tpu.region"() ({
          %run_scoped3A = tpu.sem_alloc : memref<!tpu.dma_semaphore, #tpu.memory_space<semaphore_mem>>
          %dma_start3A = tpu.memref_slice %arg2[%mul3A_34] : memref<320000xi32, #tpu.memory_space<hbm>> -> memref<128xi32, #tpu.memory_space<hbm>>
          %dma_start3A_41 = tpu.memref_slice %arg2[%mul3A_34] : memref<320000xi32, #tpu.memory_space<hbm>> -> memref<128xi32, #tpu.memory_space<hbm>>
          tpu.enqueue_dma source(%dma_start3A_41 : memref<128xi32, #tpu.memory_space<hbm>>) target(%arg9 : memref<128xi32, #tpu.memory_space<vmem>>) target_semaphore(%run_scoped3A : memref<!tpu.dma_semaphore, #tpu.memory_space<semaphore_mem>>)
          %dma_wait3A = tpu.memref_slice %arg2[%mul3A_34] : memref<320000xi32, #tpu.memory_space<hbm>> -> memref<128xi32, #tpu.memory_space<hbm>>
          %dma_wait3A_42 = tpu.memref_slice %arg2[%mul3A_34] : memref<320000xi32, #tpu.memory_space<hbm>> -> memref<128xi32, #tpu.memory_space<hbm>>
          tpu.wait_dma2 semaphore(%run_scoped3A : memref<!tpu.dma_semaphore, #tpu.memory_space<semaphore_mem>>) src(%dma_wait3A_42 : memref<128xi32, #tpu.memory_space<hbm>>) dst(%arg9 : memref<128xi32, #tpu.memory_space<vmem>>)
          tpu.yield
        }) : () -> ()
        "tpu.region"() ({
          %run_scoped3A = tpu.sem_alloc : memref<!tpu.dma_semaphore, #tpu.memory_space<semaphore_mem>>
          %dma_start3A = tpu.memref_slice %arg3[%mul3A_34] : memref<320000xi32, #tpu.memory_space<hbm>> -> memref<128xi32, #tpu.memory_space<hbm>>
          %dma_start3A_41 = tpu.memref_slice %arg3[%mul3A_34] : memref<320000xi32, #tpu.memory_space<hbm>> -> memref<128xi32, #tpu.memory_space<hbm>>
          tpu.enqueue_dma source(%dma_start3A_41 : memref<128xi32, #tpu.memory_space<hbm>>) target(%arg10 : memref<128xi32, #tpu.memory_space<vmem>>) target_semaphore(%run_scoped3A : memref<!tpu.dma_semaphore, #tpu.memory_space<semaphore_mem>>)
          %dma_wait3A = tpu.memref_slice %arg3[%mul3A_34] : memref<320000xi32, #tpu.memory_space<hbm>> -> memref<128xi32, #tpu.memory_space<hbm>>
          %dma_wait3A_42 = tpu.memref_slice %arg3[%mul3A_34] : memref<320000xi32, #tpu.memory_space<hbm>> -> memref<128xi32, #tpu.memory_space<hbm>>
          tpu.wait_dma2 semaphore(%run_scoped3A : memref<!tpu.dma_semaphore, #tpu.memory_space<semaphore_mem>>) src(%dma_wait3A_42 : memref<128xi32, #tpu.memory_space<hbm>>) dst(%arg10 : memref<128xi32, #tpu.memory_space<vmem>>)
          tpu.yield
        }) : () -> ()
        "tpu.region"() ({
          %run_scoped3A = tpu.sem_alloc : memref<!tpu.dma_semaphore, #tpu.memory_space<semaphore_mem>>
          %dma_start3A = arith.constant 0 : i32
          %dma_start3A_41 = arith.constant 0 : i32
          %dma_start3A_42 = tpu.memref_slice %arg4[%dma_start3A, %dma_start3A_41] : memref<10240x16xf32, #tpu.memory_space<hbm>> -> memref<10240x16xf32, #tpu.memory_space<hbm>>
          tpu.enqueue_indirect_dma source(%dma_start3A_42 : memref<10240x16xf32, #tpu.memory_space<hbm>>) target(%arg11 : memref<128x16xf32, #tpu.memory_space<vmem>>) offsets(%arg9 : memref<128xi32, #tpu.memory_space<vmem>>) semaphore(%run_scoped3A : memref<!tpu.dma_semaphore, #tpu.memory_space<semaphore_mem>>)
          %dma_wait3A = arith.constant 0 : i32
          %dma_wait3A_43 = arith.constant 0 : i32
          %dma_wait3A_44 = tpu.memref_slice %arg4[%dma_wait3A, %dma_wait3A_43] : memref<10240x16xf32, #tpu.memory_space<hbm>> -> memref<10240x16xf32, #tpu.memory_space<hbm>>
          tpu.wait_indirect_dma semaphore(%run_scoped3A : memref<!tpu.dma_semaphore, #tpu.memory_space<semaphore_mem>>) src(%dma_wait3A_44 : memref<10240x16xf32, #tpu.memory_space<hbm>>) dst(%arg11 : memref<128x16xf32, #tpu.memory_space<vmem>>)
          tpu.yield
        }) : () -> ()
        "tpu.region"() ({
          %run_scoped3A = tpu.sem_alloc : memref<!tpu.dma_semaphore, #tpu.memory_space<semaphore_mem>>
          %dma_start3A = arith.constant 0 : i32
          %dma_start3A_41 = arith.constant 0 : i32
          %dma_start3A_42 = tpu.memref_slice %arg5[%dma_start3A, %dma_start3A_41] : memref<10240x16xf32, #tpu.memory_space<hbm>> -> memref<10240x16xf32, #tpu.memory_space<hbm>>
          tpu.enqueue_indirect_dma source(%dma_start3A_42 : memref<10240x16xf32, #tpu.memory_space<hbm>>) target(%arg12 : memref<128x16xf32, #tpu.memory_space<vmem>>) offsets(%arg10 : memref<128xi32, #tpu.memory_space<vmem>>) semaphore(%run_scoped3A : memref<!tpu.dma_semaphore, #tpu.memory_space<semaphore_mem>>)
          %dma_wait3A = arith.constant 0 : i32
          %dma_wait3A_43 = arith.constant 0 : i32
          %dma_wait3A_44 = tpu.memref_slice %arg5[%dma_wait3A, %dma_wait3A_43] : memref<10240x16xf32, #tpu.memory_space<hbm>> -> memref<10240x16xf32, #tpu.memory_space<hbm>>
          tpu.wait_indirect_dma semaphore(%run_scoped3A : memref<!tpu.dma_semaphore, #tpu.memory_space<semaphore_mem>>) src(%dma_wait3A_44 : memref<10240x16xf32, #tpu.memory_space<hbm>>) dst(%arg12 : memref<128x16xf32, #tpu.memory_space<vmem>>)
          tpu.yield
        }) : () -> ()
        %scan3A_35 = arith.constant 0 : i32
        %scan3A_36 = arith.constant 0 : i32
        %scan3A_37 = arith.constant 128 : i32
        %scan3A_38 = arith.addi %scan3A_36, %scan3A_37 : i32
        %scan3A_39 = arith.constant 1 : i32
        scf.for %scan3A_41 = %scan3A_36 to %scan3A_38 step %scan3A_39  : i32 {
          %get3A = arith.index_cast %scan3A_41 : i32 to index
          %get3A_42 = arith.constant 0 : index
          %get3A_43 = tpu.vector_load %arg11[%get3A, %get3A_42] {strides = array<i32>} : memref<128x16xf32, #tpu.memory_space<vmem>>, vector<16xf32>,
          %get3A_44 = arith.index_cast %scan3A_41 : i32 to index
          %get3A_45 = arith.constant 0 : index
          %get3A_46 = tpu.vector_load %arg12[%get3A_44, %get3A_45] {strides = array<i32>} : memref<128x16xf32, #tpu.memory_space<vmem>>, vector<16xf32>,
          %add3A_47 = arith.addf %get3A_43, %get3A_46 : vector<16xf32>
          %ge3A = arith.constant 0.000000e+00 : f32
          %ge3A_48 = vector.broadcast %ge3A : f32 to vector<16xf32>
          %ge3A_49 = arith.cmpf oge, %add3A_47, %ge3A_48 : vector<16xf32>
          %mul3A_50 = arith.constant 2.000000e-01 : f32
          %mul3A_51 = vector.broadcast %mul3A_50 : f32 to vector<16xf32>
          %mul3A_52 = arith.mulf %add3A_47, %mul3A_51 : vector<16xf32>
          %select_n3A = arith.select %ge3A_49, %add3A_47, %mul3A_52 : vector<16xi1>, vector<16xf32>
          %exp3A = math.exp %select_n3A : vector<16xf32>
          %swap3A = arith.index_cast %scan3A_41 : i32 to index
          %swap3A_53 = arith.constant 0 : index
          %swap3A_54 = tpu.vector_load %arg13[%swap3A, %swap3A_53] {strides = array<i32>} : memref<128x16xf32, #tpu.memory_space<vmem>>, vector<16xf32>,
          tpu.vector_store %arg13[%swap3A, %swap3A_53], %exp3A {strides = array<i32>} : memref<128x16xf32, #tpu.memory_space<vmem>>, vector<16xf32>,
        }
        %scan3A_40 = arith.constant 128 : i32
        "tpu.region"() ({
          %run_scoped3A = tpu.sem_alloc : memref<!tpu.dma_semaphore, #tpu.memory_space<semaphore_mem>>
          %dma_start3A = arith.constant 0 : i32
          %dma_start3A_41 = tpu.memref_slice %arg6[%mul3A_34, %dma_start3A] : memref<320000x16xf32, #tpu.memory_space<hbm>> -> memref<128x16xf32, #tpu.memory_space<hbm>>
          %dma_start3A_42 = arith.constant 0 : i32
          %dma_start3A_43 = tpu.memref_slice %arg6[%mul3A_34, %dma_start3A_42] : memref<320000x16xf32, #tpu.memory_space<hbm>> -> memref<128x16xf32, #tpu.memory_space<hbm>>
          tpu.enqueue_dma source(%arg13 : memref<128x16xf32, #tpu.memory_space<vmem>>) target(%dma_start3A_43 : memref<128x16xf32, #tpu.memory_space<hbm>>) target_semaphore(%run_scoped3A : memref<!tpu.dma_semaphore, #tpu.memory_space<semaphore_mem>>)
          %dma_wait3A = arith.constant 0 : i32
          %dma_wait3A_44 = tpu.memref_slice %arg6[%mul3A_34, %dma_wait3A] : memref<320000x16xf32, #tpu.memory_space<hbm>> -> memref<128x16xf32, #tpu.memory_space<hbm>>
          %dma_wait3A_45 = arith.constant 0 : i32
          %dma_wait3A_46 = tpu.memref_slice %arg6[%mul3A_34, %dma_wait3A_45] : memref<320000x16xf32, #tpu.memory_space<hbm>> -> memref<128x16xf32, #tpu.memory_space<hbm>>
          tpu.wait_dma2 semaphore(%run_scoped3A : memref<!tpu.dma_semaphore, #tpu.memory_space<semaphore_mem>>) src(%arg13 : memref<128x16xf32, #tpu.memory_space<vmem>>) dst(%dma_wait3A_46 : memref<128x16xf32, #tpu.memory_space<hbm>>)
          tpu.yield
        }) : () -> ()
        "tpu.region"() ({
          %run_scoped3A = tpu.sem_alloc : memref<!tpu.dma_semaphore, #tpu.memory_space<semaphore_mem>>
          %dma_start3A = arith.constant 0 : i32
          %dma_start3A_41 = arith.constant 0 : i32
          %dma_start3A_42 = tpu.memref_slice %arg15[%dma_start3A, %dma_start3A_41] : memref<10240x16xf32, #tpu.memory_space<vmem_shared>> -> memref<10240x16xf32, #tpu.memory_space<vmem_shared>>
          tpu.enqueue_indirect_dma source(%arg13 : memref<128x16xf32, #tpu.memory_space<vmem>>) target(%dma_start3A_42 : memref<10240x16xf32, #tpu.memory_space<vmem_shared>>) offsets(%arg10 : memref<128xi32, #tpu.memory_space<vmem>>) semaphore(%run_scoped3A : memref<!tpu.dma_semaphore, #tpu.memory_space<semaphore_mem>>) {add = true}
          %dma_wait3A = arith.constant 0 : i32
          %dma_wait3A_43 = arith.constant 0 : i32
          %dma_wait3A_44 = tpu.memref_slice %arg15[%dma_wait3A, %dma_wait3A_43] : memref<10240x16xf32, #tpu.memory_space<vmem_shared>> -> memref<10240x16xf32, #tpu.memory_space<vmem_shared>>
          tpu.wait_indirect_dma semaphore(%run_scoped3A : memref<!tpu.dma_semaphore, #tpu.memory_space<semaphore_mem>>) src(%arg13 : memref<128x16xf32, #tpu.memory_space<vmem>>) dst(%dma_wait3A_44 : memref<10240x16xf32, #tpu.memory_space<vmem_shared>>)
          tpu.yield
        }) : () -> ()
      } else {
      }
    }
    %scan3A_14 = arith.constant 79 : i32
    %barrier3A_15 = arith.constant 0 : index
    tpu.barrier barrier_id(%barrier3A_15)
    %mul3A_16 = arith.constant 640 : i32
    %mul3A_17 = arith.muli %arg1, %mul3A_16 : i32
    "tpu.region"() ({
      %run_scoped3A = tpu.sem_alloc : memref<!tpu.dma_semaphore, #tpu.memory_space<semaphore_mem>>
      %dma_start3A = arith.constant 0 : i32
      %dma_start3A_25 = tpu.memref_slice %arg15[%mul3A_17, %dma_start3A] : memref<10240x16xf32, #tpu.memory_space<vmem_shared>> -> memref<640x16xf32, #tpu.memory_space<vmem_shared>>
      %dma_start3A_26 = arith.constant 0 : i32
      %dma_start3A_27 = tpu.memref_slice %arg15[%mul3A_17, %dma_start3A_26] : memref<10240x16xf32, #tpu.memory_space<vmem_shared>> -> memref<640x16xf32, #tpu.memory_space<vmem_shared>>
      tpu.enqueue_dma source(%dma_start3A_27 : memref<640x16xf32, #tpu.memory_space<vmem_shared>>) target(%arg14 : memref<640x16xf32, #tpu.memory_space<vmem>>) target_semaphore(%run_scoped3A : memref<!tpu.dma_semaphore, #tpu.memory_space<semaphore_mem>>)
      %dma_wait3A = arith.constant 0 : i32
      %dma_wait3A_28 = tpu.memref_slice %arg15[%mul3A_17, %dma_wait3A] : memref<10240x16xf32, #tpu.memory_space<vmem_shared>> -> memref<640x16xf32, #tpu.memory_space<vmem_shared>>
      %dma_wait3A_29 = arith.constant 0 : i32
      %dma_wait3A_30 = tpu.memref_slice %arg15[%mul3A_17, %dma_wait3A_29] : memref<10240x16xf32, #tpu.memory_space<vmem_shared>> -> memref<640x16xf32, #tpu.memory_space<vmem_shared>>
      tpu.wait_dma2 semaphore(%run_scoped3A : memref<!tpu.dma_semaphore, #tpu.memory_space<semaphore_mem>>) src(%dma_wait3A_30 : memref<640x16xf32, #tpu.memory_space<vmem_shared>>) dst(%arg14 : memref<640x16xf32, #tpu.memory_space<vmem>>)
      tpu.yield
    }) : () -> ()
    %eq3A = arith.constant 0 : i32
    %eq3A_18 = arith.cmpi eq, %arg0, %eq3A : i32
    %convert_element_type3A = arith.extui %eq3A_18 : i1 to i32
    %cond3A = arith.constant 0 : i32
    %cond3A_19 = arith.cmpi ne, %convert_element_type3A, %cond3A : i32
    scf.if %cond3A_19 {
      %mul3A_25 = arith.constant 640 : i32
      %mul3A_26 = arith.muli %arg1, %mul3A_25 : i32
      "tpu.region"() ({
        %run_scoped3A = tpu.sem_alloc : memref<!tpu.dma_semaphore, #tpu.memory_space<semaphore_mem>>
        %dma_start3A = arith.constant 0 : i32
        %dma_start3A_27 = tpu.memref_slice %arg7[%mul3A_26, %dma_start3A] : memref<10240x16xf32, #tpu.memory_space<hbm>> -> memref<640x16xf32, #tpu.memory_space<hbm>>
        %dma_start3A_28 = arith.constant 0 : i32
        %dma_start3A_29 = tpu.memref_slice %arg7[%mul3A_26, %dma_start3A_28] : memref<10240x16xf32, #tpu.memory_space<hbm>> -> memref<640x16xf32, #tpu.memory_space<hbm>>
        tpu.enqueue_dma source(%arg14 : memref<640x16xf32, #tpu.memory_space<vmem>>) target(%dma_start3A_29 : memref<640x16xf32, #tpu.memory_space<hbm>>) target_semaphore(%run_scoped3A : memref<!tpu.dma_semaphore, #tpu.memory_space<semaphore_mem>>)
        %dma_wait3A = arith.constant 0 : i32
        %dma_wait3A_30 = tpu.memref_slice %arg7[%mul3A_26, %dma_wait3A] : memref<10240x16xf32, #tpu.memory_space<hbm>> -> memref<640x16xf32, #tpu.memory_space<hbm>>
        %dma_wait3A_31 = arith.constant 0 : i32
        %dma_wait3A_32 = tpu.memref_slice %arg7[%mul3A_26, %dma_wait3A_31] : memref<10240x16xf32, #tpu.memory_space<hbm>> -> memref<640x16xf32, #tpu.memory_space<hbm>>
        tpu.wait_dma2 semaphore(%run_scoped3A : memref<!tpu.dma_semaphore, #tpu.memory_space<semaphore_mem>>) src(%arg14 : memref<640x16xf32, #tpu.memory_space<vmem>>) dst(%dma_wait3A_32 : memref<640x16xf32, #tpu.memory_space<hbm>>)
        tpu.yield
      }) : () -> ()
    } else {
    }
    %eq3A_20 = arith.constant 1 : i32
    %eq3A_21 = arith.cmpi eq, %arg0, %eq3A_20 : i32
    %convert_element_type3A_22 = arith.extui %eq3A_21 : i1 to i32
    %cond3A_23 = arith.constant 0 : i32
    %cond3A_24 = arith.cmpi ne, %convert_element_type3A_22, %cond3A_23 : i32
    scf.if %cond3A_24 {
      %mul3A_25 = arith.constant 640 : i32
      %mul3A_26 = arith.muli %arg1, %mul3A_25 : i32
      "tpu.region"() ({
        %run_scoped3A = tpu.sem_alloc : memref<!tpu.dma_semaphore, #tpu.memory_space<semaphore_mem>>
        %dma_start3A = arith.constant 0 : i32
        %dma_start3A_27 = tpu.memref_slice %arg8[%mul3A_26, %dma_start3A] : memref<10240x16xf32, #tpu.memory_space<hbm>> -> memref<640x16xf32, #tpu.memory_space<hbm>>
        %dma_start3A_28 = arith.constant 0 : i32
        %dma_start3A_29 = tpu.memref_slice %arg8[%mul3A_26, %dma_start3A_28] : memref<10240x16xf32, #tpu.memory_space<hbm>> -> memref<640x16xf32, #tpu.memory_space<hbm>>
        tpu.enqueue_dma source(%arg14 : memref<640x16xf32, #tpu.memory_space<vmem>>) target(%dma_start3A_29 : memref<640x16xf32, #tpu.memory_space<hbm>>) target_semaphore(%run_scoped3A : memref<!tpu.dma_semaphore, #tpu.memory_space<semaphore_mem>>)
        %dma_wait3A = arith.constant 0 : i32
        %dma_wait3A_30 = tpu.memref_slice %arg8[%mul3A_26, %dma_wait3A] : memref<10240x16xf32, #tpu.memory_space<hbm>> -> memref<640x16xf32, #tpu.memory_space<hbm>>
        %dma_wait3A_31 = arith.constant 0 : i32
        %dma_wait3A_32 = tpu.memref_slice %arg8[%mul3A_26, %dma_wait3A_31] : memref<10240x16xf32, #tpu.memory_space<hbm>> -> memref<640x16xf32, #tpu.memory_space<hbm>>
        tpu.wait_dma2 semaphore(%run_scoped3A : memref<!tpu.dma_semaphore, #tpu.memory_space<semaphore_mem>>) src(%arg14 : memref<640x16xf32, #tpu.memory_space<vmem>>) dst(%dma_wait3A_32 : memref<640x16xf32, #tpu.memory_space<hbm>>)
        tpu.yield
      }) : () -> ()
    } else {
    }
    return
  }
}

#map = affine_map<(d0, d1) -> (0)>
#map1 = affine_map<(d0, d1) -> (0, 0)>
module attributes {stable_mosaic.version = 14 : i64} {
  func.func @_sca2_body(%arg0: i32, %arg1: i32, %arg2: memref<320000xi32, #tpu.memory_space<hbm>>, %arg3: memref<320000xi32, #tpu.memory_space<hbm>>, %arg4: memref<10240xf32, #tpu.memory_space<hbm>>, %arg5: memref<10240xf32, #tpu.memory_space<hbm>>, %arg6: memref<320000xf32, #tpu.memory_space<hbm>>, %arg7: memref<10240x16xf32, #tpu.memory_space<hbm>>, %arg8: memref<10240x16xf32, #tpu.memory_space<hbm>>, %arg9: memref<128xi32, #tpu.memory_space<vmem>>, %arg10: memref<128xi32, #tpu.memory_space<vmem>>, %arg11: memref<10240xf32, #tpu.memory_space<vmem>>, %arg12: memref<10240xf32, #tpu.memory_space<vmem>>, %arg13: memref<128xf32, #tpu.memory_space<vmem>>, %arg14: memref<128x16xf32, #tpu.memory_space<vmem>>, %arg15: memref<640x16xf32, #tpu.memory_space<vmem>>, %arg16: memref<10240x16xf32, #tpu.memory_space<vmem_shared>>) attributes {dimension_semantics = [#tpu.dimension_semantics<core_parallel>, #tpu.dimension_semantics<subcore_parallel>], iteration_bounds = array<i64: 2, 16>, scalar_prefetch = 0 : i64, scratch_operands = 8 : i64, tpu.core_type = #tpu.core_type<sc_vector_subcore>, window_params = [{transform_indices = #map}, {transform_indices = #map}, {transform_indices = #map}, {transform_indices = #map}, {transform_indices = #map}, {transform_indices = #map1}, {transform_indices = #map1}]} {
    %mul3A = arith.constant 16 : i32
    %mul3A_0 = arith.muli %arg0, %mul3A : i32
    %add3A = arith.addi %mul3A_0, %arg1 : i32
    %broadcast_in_dim3A = arith.constant 0.000000e+00 : f32
    %broadcast_in_dim3A_1 = vector.broadcast %broadcast_in_dim3A : f32 to vector<16xf32>
    %iota3A = tpu.iota {dimensions = array<i32: 0>} : vector<16xi32>
    %eq3A = arith.constant 0 : i32
    %eq3A_2 = vector.broadcast %eq3A : i32 to vector<16xi32>
    %eq3A_3 = arith.cmpi eq, %iota3A, %eq3A_2 : vector<16xi32>
    "tpu.region"() ({
      %run_scoped3A = tpu.sem_alloc : memref<!tpu.dma_semaphore, #tpu.memory_space<semaphore_mem>>
      tpu.enqueue_dma source(%arg4 : memref<10240xf32, #tpu.memory_space<hbm>>) target(%arg11 : memref<10240xf32, #tpu.memory_space<vmem>>) target_semaphore(%run_scoped3A : memref<!tpu.dma_semaphore, #tpu.memory_space<semaphore_mem>>)
      tpu.wait_dma2 semaphore(%run_scoped3A : memref<!tpu.dma_semaphore, #tpu.memory_space<semaphore_mem>>) src(%arg4 : memref<10240xf32, #tpu.memory_space<hbm>>) dst(%arg11 : memref<10240xf32, #tpu.memory_space<vmem>>)
      tpu.yield
    }) : () -> ()
    "tpu.region"() ({
      %run_scoped3A = tpu.sem_alloc : memref<!tpu.dma_semaphore, #tpu.memory_space<semaphore_mem>>
      tpu.enqueue_dma source(%arg5 : memref<10240xf32, #tpu.memory_space<hbm>>) target(%arg12 : memref<10240xf32, #tpu.memory_space<vmem>>) target_semaphore(%run_scoped3A : memref<!tpu.dma_semaphore, #tpu.memory_space<semaphore_mem>>)
      tpu.wait_dma2 semaphore(%run_scoped3A : memref<!tpu.dma_semaphore, #tpu.memory_space<semaphore_mem>>) src(%arg5 : memref<10240xf32, #tpu.memory_space<hbm>>) dst(%arg12 : memref<10240xf32, #tpu.memory_space<vmem>>)
      tpu.yield
    }) : () -> ()
    %scan3A = arith.constant 0 : i32
    %scan3A_4 = arith.constant 0 : i32
    %scan3A_5 = arith.constant 640 : i32
    %scan3A_6 = arith.addi %scan3A_4, %scan3A_5 : i32
    %scan3A_7 = arith.constant 1 : i32
    scf.for %scan3A_28 = %scan3A_4 to %scan3A_6 step %scan3A_7  : i32 {
      %swap3A = arith.index_cast %scan3A_28 : i32 to index
      %swap3A_29 = arith.constant 0 : index
      %swap3A_30 = tpu.vector_load %arg15[%swap3A, %swap3A_29] {strides = array<i32>} : memref<640x16xf32, #tpu.memory_space<vmem>>, vector<16xf32>,
      tpu.vector_store %arg15[%swap3A, %swap3A_29], %broadcast_in_dim3A_1 {strides = array<i32>} : memref<640x16xf32, #tpu.memory_space<vmem>>, vector<16xf32>,
    }
    %scan3A_8 = arith.constant 640 : i32
    %mul3A_9 = arith.constant 640 : i32
    %mul3A_10 = arith.muli %arg1, %mul3A_9 : i32
    "tpu.region"() ({
      %run_scoped3A = tpu.sem_alloc : memref<!tpu.dma_semaphore, #tpu.memory_space<semaphore_mem>>
      %dma_start3A = arith.constant 0 : i32
      %dma_start3A_28 = tpu.memref_slice %arg16[%mul3A_10, %dma_start3A] : memref<10240x16xf32, #tpu.memory_space<vmem_shared>> -> memref<640x16xf32, #tpu.memory_space<vmem_shared>>
      %dma_start3A_29 = arith.constant 0 : i32
      %dma_start3A_30 = tpu.memref_slice %arg16[%mul3A_10, %dma_start3A_29] : memref<10240x16xf32, #tpu.memory_space<vmem_shared>> -> memref<640x16xf32, #tpu.memory_space<vmem_shared>>
      tpu.enqueue_dma source(%arg15 : memref<640x16xf32, #tpu.memory_space<vmem>>) target(%dma_start3A_30 : memref<640x16xf32, #tpu.memory_space<vmem_shared>>) target_semaphore(%run_scoped3A : memref<!tpu.dma_semaphore, #tpu.memory_space<semaphore_mem>>)
      %dma_wait3A = arith.constant 0 : i32
      %dma_wait3A_31 = tpu.memref_slice %arg16[%mul3A_10, %dma_wait3A] : memref<10240x16xf32, #tpu.memory_space<vmem_shared>> -> memref<640x16xf32, #tpu.memory_space<vmem_shared>>
      %dma_wait3A_32 = arith.constant 0 : i32
      %dma_wait3A_33 = tpu.memref_slice %arg16[%mul3A_10, %dma_wait3A_32] : memref<10240x16xf32, #tpu.memory_space<vmem_shared>> -> memref<640x16xf32, #tpu.memory_space<vmem_shared>>
      tpu.wait_dma2 semaphore(%run_scoped3A : memref<!tpu.dma_semaphore, #tpu.memory_space<semaphore_mem>>) src(%arg15 : memref<640x16xf32, #tpu.memory_space<vmem>>) dst(%dma_wait3A_33 : memref<640x16xf32, #tpu.memory_space<vmem_shared>>)
      tpu.yield
    }) : () -> ()
    %barrier3A = arith.constant 0 : index
    tpu.barrier barrier_id(%barrier3A)
    %scan3A_11 = arith.constant 0 : i32
    %scan3A_12 = arith.constant 0 : i32
    %scan3A_13 = arith.constant 79 : i32
    %scan3A_14 = arith.addi %scan3A_12, %scan3A_13 : i32
    %scan3A_15 = arith.constant 1 : i32
    scf.for %scan3A_28 = %scan3A_12 to %scan3A_14 step %scan3A_15  : i32 {
      %mul3A_29 = arith.constant 32 : i32
      %mul3A_30 = arith.muli %scan3A_28, %mul3A_29 : i32
      %add3A_31 = arith.addi %add3A, %mul3A_30 : i32
      %lt3A = arith.constant 2500 : i32
      %lt3A_32 = arith.cmpi slt, %add3A_31, %lt3A : i32
      %convert_element_type3A_33 = arith.extui %lt3A_32 : i1 to i32
      %cond3A_34 = arith.constant 0 : i32
      %cond3A_35 = arith.cmpi ne, %convert_element_type3A_33, %cond3A_34 : i32
      scf.if %cond3A_35 {
        %mul3A_36 = arith.constant 128 : i32
        %mul3A_37 = arith.muli %add3A_31, %mul3A_36 : i32
        "tpu.region"() ({
          %run_scoped3A = tpu.sem_alloc : memref<!tpu.dma_semaphore, #tpu.memory_space<semaphore_mem>>
          %dma_start3A = tpu.memref_slice %arg2[%mul3A_37] : memref<320000xi32, #tpu.memory_space<hbm>> -> memref<128xi32, #tpu.memory_space<hbm>>
          %dma_start3A_44 = tpu.memref_slice %arg2[%mul3A_37] : memref<320000xi32, #tpu.memory_space<hbm>> -> memref<128xi32, #tpu.memory_space<hbm>>
          tpu.enqueue_dma source(%dma_start3A_44 : memref<128xi32, #tpu.memory_space<hbm>>) target(%arg9 : memref<128xi32, #tpu.memory_space<vmem>>) target_semaphore(%run_scoped3A : memref<!tpu.dma_semaphore, #tpu.memory_space<semaphore_mem>>)
          %dma_wait3A = tpu.memref_slice %arg2[%mul3A_37] : memref<320000xi32, #tpu.memory_space<hbm>> -> memref<128xi32, #tpu.memory_space<hbm>>
          %dma_wait3A_45 = tpu.memref_slice %arg2[%mul3A_37] : memref<320000xi32, #tpu.memory_space<hbm>> -> memref<128xi32, #tpu.memory_space<hbm>>
          tpu.wait_dma2 semaphore(%run_scoped3A : memref<!tpu.dma_semaphore, #tpu.memory_space<semaphore_mem>>) src(%dma_wait3A_45 : memref<128xi32, #tpu.memory_space<hbm>>) dst(%arg9 : memref<128xi32, #tpu.memory_space<vmem>>)
          tpu.yield
        }) : () -> ()
        "tpu.region"() ({
          %run_scoped3A = tpu.sem_alloc : memref<!tpu.dma_semaphore, #tpu.memory_space<semaphore_mem>>
          %dma_start3A = tpu.memref_slice %arg3[%mul3A_37] : memref<320000xi32, #tpu.memory_space<hbm>> -> memref<128xi32, #tpu.memory_space<hbm>>
          %dma_start3A_44 = tpu.memref_slice %arg3[%mul3A_37] : memref<320000xi32, #tpu.memory_space<hbm>> -> memref<128xi32, #tpu.memory_space<hbm>>
          tpu.enqueue_dma source(%dma_start3A_44 : memref<128xi32, #tpu.memory_space<hbm>>) target(%arg10 : memref<128xi32, #tpu.memory_space<vmem>>) target_semaphore(%run_scoped3A : memref<!tpu.dma_semaphore, #tpu.memory_space<semaphore_mem>>)
          %dma_wait3A = tpu.memref_slice %arg3[%mul3A_37] : memref<320000xi32, #tpu.memory_space<hbm>> -> memref<128xi32, #tpu.memory_space<hbm>>
          %dma_wait3A_45 = tpu.memref_slice %arg3[%mul3A_37] : memref<320000xi32, #tpu.memory_space<hbm>> -> memref<128xi32, #tpu.memory_space<hbm>>
          tpu.wait_dma2 semaphore(%run_scoped3A : memref<!tpu.dma_semaphore, #tpu.memory_space<semaphore_mem>>) src(%dma_wait3A_45 : memref<128xi32, #tpu.memory_space<hbm>>) dst(%arg10 : memref<128xi32, #tpu.memory_space<vmem>>)
          tpu.yield
        }) : () -> ()
        %scan3A_38 = arith.constant 0 : i32
        %scan3A_39 = arith.constant 0 : i32
        %scan3A_40 = arith.constant 8 : i32
        %scan3A_41 = arith.addi %scan3A_39, %scan3A_40 : i32
        %scan3A_42 = arith.constant 1 : i32
        scf.for %scan3A_44 = %scan3A_39 to %scan3A_41 step %scan3A_42  : i32 {
          %mul3A_45 = arith.constant 16 : i32
          %mul3A_46 = arith.muli %scan3A_44, %mul3A_45 : i32
          %get3A = arith.index_cast %mul3A_46 : i32 to index
          %get3A_47 = tpu.vector_load %arg9[%get3A] {strides = array<i32>} : memref<128xi32, #tpu.memory_space<vmem>>, vector<16xi32>,
          %mul3A_48 = arith.constant 16 : i32
          %mul3A_49 = arith.muli %scan3A_44, %mul3A_48 : i32
          %get3A_50 = arith.index_cast %mul3A_49 : i32 to index
          %get3A_51 = tpu.vector_load %arg10[%get3A_50] {strides = array<i32>} : memref<128xi32, #tpu.memory_space<vmem>>, vector<16xi32>,
          %gather3A = tpu.vector_load_idx %arg11[%get3A_47] : memref<10240xf32, #tpu.memory_space<vmem>>[vector<16xi32>], vector<16xf32>,
          %gather3A_52 = tpu.vector_load_idx %arg12[%get3A_51] : memref<10240xf32, #tpu.memory_space<vmem>>[vector<16xi32>], vector<16xf32>,
          %add3A_53 = arith.addf %gather3A, %gather3A_52 : vector<16xf32>
          %ge3A = arith.constant 0.000000e+00 : f32
          %ge3A_54 = vector.broadcast %ge3A : f32 to vector<16xf32>
          %ge3A_55 = arith.cmpf oge, %add3A_53, %ge3A_54 : vector<16xf32>
          %mul3A_56 = arith.constant 2.000000e-01 : f32
          %mul3A_57 = vector.broadcast %mul3A_56 : f32 to vector<16xf32>
          %mul3A_58 = arith.mulf %add3A_53, %mul3A_57 : vector<16xf32>
          %select_n3A = arith.select %ge3A_55, %add3A_53, %mul3A_58 : vector<16xi1>, vector<16xf32>
          %exp3A = math.exp %select_n3A : vector<16xf32>
          %mul3A_59 = arith.constant 16 : i32
          %mul3A_60 = arith.muli %scan3A_44, %mul3A_59 : i32
          %swap3A = arith.index_cast %mul3A_60 : i32 to index
          %swap3A_61 = tpu.vector_load %arg13[%swap3A] {strides = array<i32>} : memref<128xf32, #tpu.memory_space<vmem>>, vector<16xf32>,
          tpu.vector_store %arg13[%swap3A], %exp3A {strides = array<i32>} : memref<128xf32, #tpu.memory_space<vmem>>, vector<16xf32>,
          %broadcast_in_dim3A_62 = arith.constant 0 : i32
          %broadcast_in_dim3A_63 = vector.broadcast %broadcast_in_dim3A_62 : i32 to vector<16xi32>
          %reshape3A = vector.shape_cast %broadcast_in_dim3A_63 : vector<16xi32> to vector<16x1xi32>
          %gather3A_64 = vector.shape_cast %reshape3A : vector<16x1xi32> to vector<16xi32>
          %gather3A_65 = tpu.dynamic_gather %exp3A[%gather3A_64] in [0] : vector<16xf32>, vector<16xi32> -> vector<16xf32>
          %jit3A = arith.constant 0.000000e+00 : f32
          %broadcast_in_dim3A_66 = vector.broadcast %jit3A : f32 to vector<16xf32>
          %select_n3A_67 = arith.select %eq3A_3, %gather3A_65, %broadcast_in_dim3A_66 : vector<16xi1>, vector<16xf32>
          %mul3A_68 = arith.constant 16 : i32
          %mul3A_69 = arith.muli %scan3A_44, %mul3A_68 : i32
          %add3A_70 = arith.constant 0 : i32
          %add3A_71 = arith.addi %mul3A_69, %add3A_70 : i32
          %swap3A_72 = arith.index_cast %add3A_71 : i32 to index
          %swap3A_73 = arith.constant 0 : index
          %swap3A_74 = tpu.vector_load %arg14[%swap3A_72, %swap3A_73] {strides = array<i32>} : memref<128x16xf32, #tpu.memory_space<vmem>>, vector<16xf32>,
          tpu.vector_store %arg14[%swap3A_72, %swap3A_73], %select_n3A_67 {strides = array<i32>} : memref<128x16xf32, #tpu.memory_space<vmem>>, vector<16xf32>,
          %broadcast_in_dim3A_75 = arith.constant 1 : i32
          %broadcast_in_dim3A_76 = vector.broadcast %broadcast_in_dim3A_75 : i32 to vector<16xi32>
          %reshape3A_77 = vector.shape_cast %broadcast_in_dim3A_76 : vector<16xi32> to vector<16x1xi32>
          %gather3A_78 = vector.shape_cast %reshape3A_77 : vector<16x1xi32> to vector<16xi32>
          %gather3A_79 = tpu.dynamic_gather %exp3A[%gather3A_78] in [0] : vector<16xf32>, vector<16xi32> -> vector<16xf32>
          %jit3A_80 = arith.constant 0.000000e+00 : f32
          %broadcast_in_dim3A_81 = vector.broadcast %jit3A_80 : f32 to vector<16xf32>
          %select_n3A_82 = arith.select %eq3A_3, %gather3A_79, %broadcast_in_dim3A_81 : vector<16xi1>, vector<16xf32>
          %mul3A_83 = arith.constant 16 : i32
          %mul3A_84 = arith.muli %scan3A_44, %mul3A_83 : i32
          %add3A_85 = arith.constant 1 : i32
          %add3A_86 = arith.addi %mul3A_84, %add3A_85 : i32
          %swap3A_87 = arith.index_cast %add3A_86 : i32 to index
          %swap3A_88 = arith.constant 0 : index
          %swap3A_89 = tpu.vector_load %arg14[%swap3A_87, %swap3A_88] {strides = array<i32>} : memref<128x16xf32, #tpu.memory_space<vmem>>, vector<16xf32>,
          tpu.vector_store %arg14[%swap3A_87, %swap3A_88], %select_n3A_82 {strides = array<i32>} : memref<128x16xf32, #tpu.memory_space<vmem>>, vector<16xf32>,
          %broadcast_in_dim3A_90 = arith.constant 2 : i32
          %broadcast_in_dim3A_91 = vector.broadcast %broadcast_in_dim3A_90 : i32 to vector<16xi32>
          %reshape3A_92 = vector.shape_cast %broadcast_in_dim3A_91 : vector<16xi32> to vector<16x1xi32>
          %gather3A_93 = vector.shape_cast %reshape3A_92 : vector<16x1xi32> to vector<16xi32>
          %gather3A_94 = tpu.dynamic_gather %exp3A[%gather3A_93] in [0] : vector<16xf32>, vector<16xi32> -> vector<16xf32>
          %jit3A_95 = arith.constant 0.000000e+00 : f32
          %broadcast_in_dim3A_96 = vector.broadcast %jit3A_95 : f32 to vector<16xf32>
          %select_n3A_97 = arith.select %eq3A_3, %gather3A_94, %broadcast_in_dim3A_96 : vector<16xi1>, vector<16xf32>
          %mul3A_98 = arith.constant 16 : i32
          %mul3A_99 = arith.muli %scan3A_44, %mul3A_98 : i32
          %add3A_100 = arith.constant 2 : i32
          %add3A_101 = arith.addi %mul3A_99, %add3A_100 : i32
          %swap3A_102 = arith.index_cast %add3A_101 : i32 to index
          %swap3A_103 = arith.constant 0 : index
          %swap3A_104 = tpu.vector_load %arg14[%swap3A_102, %swap3A_103] {strides = array<i32>} : memref<128x16xf32, #tpu.memory_space<vmem>>, vector<16xf32>,
          tpu.vector_store %arg14[%swap3A_102, %swap3A_103], %select_n3A_97 {strides = array<i32>} : memref<128x16xf32, #tpu.memory_space<vmem>>, vector<16xf32>,
          %broadcast_in_dim3A_105 = arith.constant 3 : i32
          %broadcast_in_dim3A_106 = vector.broadcast %broadcast_in_dim3A_105 : i32 to vector<16xi32>
          %reshape3A_107 = vector.shape_cast %broadcast_in_dim3A_106 : vector<16xi32> to vector<16x1xi32>
          %gather3A_108 = vector.shape_cast %reshape3A_107 : vector<16x1xi32> to vector<16xi32>
          %gather3A_109 = tpu.dynamic_gather %exp3A[%gather3A_108] in [0] : vector<16xf32>, vector<16xi32> -> vector<16xf32>
          %jit3A_110 = arith.constant 0.000000e+00 : f32
          %broadcast_in_dim3A_111 = vector.broadcast %jit3A_110 : f32 to vector<16xf32>
          %select_n3A_112 = arith.select %eq3A_3, %gather3A_109, %broadcast_in_dim3A_111 : vector<16xi1>, vector<16xf32>
          %mul3A_113 = arith.constant 16 : i32
          %mul3A_114 = arith.muli %scan3A_44, %mul3A_113 : i32
          %add3A_115 = arith.constant 3 : i32
          %add3A_116 = arith.addi %mul3A_114, %add3A_115 : i32
          %swap3A_117 = arith.index_cast %add3A_116 : i32 to index
          %swap3A_118 = arith.constant 0 : index
          %swap3A_119 = tpu.vector_load %arg14[%swap3A_117, %swap3A_118] {strides = array<i32>} : memref<128x16xf32, #tpu.memory_space<vmem>>, vector<16xf32>,
          tpu.vector_store %arg14[%swap3A_117, %swap3A_118], %select_n3A_112 {strides = array<i32>} : memref<128x16xf32, #tpu.memory_space<vmem>>, vector<16xf32>,
          %broadcast_in_dim3A_120 = arith.constant 4 : i32
          %broadcast_in_dim3A_121 = vector.broadcast %broadcast_in_dim3A_120 : i32 to vector<16xi32>
          %reshape3A_122 = vector.shape_cast %broadcast_in_dim3A_121 : vector<16xi32> to vector<16x1xi32>
          %gather3A_123 = vector.shape_cast %reshape3A_122 : vector<16x1xi32> to vector<16xi32>
          %gather3A_124 = tpu.dynamic_gather %exp3A[%gather3A_123] in [0] : vector<16xf32>, vector<16xi32> -> vector<16xf32>
          %jit3A_125 = arith.constant 0.000000e+00 : f32
          %broadcast_in_dim3A_126 = vector.broadcast %jit3A_125 : f32 to vector<16xf32>
          %select_n3A_127 = arith.select %eq3A_3, %gather3A_124, %broadcast_in_dim3A_126 : vector<16xi1>, vector<16xf32>
          %mul3A_128 = arith.constant 16 : i32
          %mul3A_129 = arith.muli %scan3A_44, %mul3A_128 : i32
          %add3A_130 = arith.constant 4 : i32
          %add3A_131 = arith.addi %mul3A_129, %add3A_130 : i32
          %swap3A_132 = arith.index_cast %add3A_131 : i32 to index
          %swap3A_133 = arith.constant 0 : index
          %swap3A_134 = tpu.vector_load %arg14[%swap3A_132, %swap3A_133] {strides = array<i32>} : memref<128x16xf32, #tpu.memory_space<vmem>>, vector<16xf32>,
          tpu.vector_store %arg14[%swap3A_132, %swap3A_133], %select_n3A_127 {strides = array<i32>} : memref<128x16xf32, #tpu.memory_space<vmem>>, vector<16xf32>,
          %broadcast_in_dim3A_135 = arith.constant 5 : i32
          %broadcast_in_dim3A_136 = vector.broadcast %broadcast_in_dim3A_135 : i32 to vector<16xi32>
          %reshape3A_137 = vector.shape_cast %broadcast_in_dim3A_136 : vector<16xi32> to vector<16x1xi32>
          %gather3A_138 = vector.shape_cast %reshape3A_137 : vector<16x1xi32> to vector<16xi32>
          %gather3A_139 = tpu.dynamic_gather %exp3A[%gather3A_138] in [0] : vector<16xf32>, vector<16xi32> -> vector<16xf32>
          %jit3A_140 = arith.constant 0.000000e+00 : f32
          %broadcast_in_dim3A_141 = vector.broadcast %jit3A_140 : f32 to vector<16xf32>
          %select_n3A_142 = arith.select %eq3A_3, %gather3A_139, %broadcast_in_dim3A_141 : vector<16xi1>, vector<16xf32>
          %mul3A_143 = arith.constant 16 : i32
          %mul3A_144 = arith.muli %scan3A_44, %mul3A_143 : i32
          %add3A_145 = arith.constant 5 : i32
          %add3A_146 = arith.addi %mul3A_144, %add3A_145 : i32
          %swap3A_147 = arith.index_cast %add3A_146 : i32 to index
          %swap3A_148 = arith.constant 0 : index
          %swap3A_149 = tpu.vector_load %arg14[%swap3A_147, %swap3A_148] {strides = array<i32>} : memref<128x16xf32, #tpu.memory_space<vmem>>, vector<16xf32>,
          tpu.vector_store %arg14[%swap3A_147, %swap3A_148], %select_n3A_142 {strides = array<i32>} : memref<128x16xf32, #tpu.memory_space<vmem>>, vector<16xf32>,
          %broadcast_in_dim3A_150 = arith.constant 6 : i32
          %broadcast_in_dim3A_151 = vector.broadcast %broadcast_in_dim3A_150 : i32 to vector<16xi32>
          %reshape3A_152 = vector.shape_cast %broadcast_in_dim3A_151 : vector<16xi32> to vector<16x1xi32>
          %gather3A_153 = vector.shape_cast %reshape3A_152 : vector<16x1xi32> to vector<16xi32>
          %gather3A_154 = tpu.dynamic_gather %exp3A[%gather3A_153] in [0] : vector<16xf32>, vector<16xi32> -> vector<16xf32>
          %jit3A_155 = arith.constant 0.000000e+00 : f32
          %broadcast_in_dim3A_156 = vector.broadcast %jit3A_155 : f32 to vector<16xf32>
          %select_n3A_157 = arith.select %eq3A_3, %gather3A_154, %broadcast_in_dim3A_156 : vector<16xi1>, vector<16xf32>
          %mul3A_158 = arith.constant 16 : i32
          %mul3A_159 = arith.muli %scan3A_44, %mul3A_158 : i32
          %add3A_160 = arith.constant 6 : i32
          %add3A_161 = arith.addi %mul3A_159, %add3A_160 : i32
          %swap3A_162 = arith.index_cast %add3A_161 : i32 to index
          %swap3A_163 = arith.constant 0 : index
          %swap3A_164 = tpu.vector_load %arg14[%swap3A_162, %swap3A_163] {strides = array<i32>} : memref<128x16xf32, #tpu.memory_space<vmem>>, vector<16xf32>,
          tpu.vector_store %arg14[%swap3A_162, %swap3A_163], %select_n3A_157 {strides = array<i32>} : memref<128x16xf32, #tpu.memory_space<vmem>>, vector<16xf32>,
          %broadcast_in_dim3A_165 = arith.constant 7 : i32
          %broadcast_in_dim3A_166 = vector.broadcast %broadcast_in_dim3A_165 : i32 to vector<16xi32>
          %reshape3A_167 = vector.shape_cast %broadcast_in_dim3A_166 : vector<16xi32> to vector<16x1xi32>
          %gather3A_168 = vector.shape_cast %reshape3A_167 : vector<16x1xi32> to vector<16xi32>
          %gather3A_169 = tpu.dynamic_gather %exp3A[%gather3A_168] in [0] : vector<16xf32>, vector<16xi32> -> vector<16xf32>
          %jit3A_170 = arith.constant 0.000000e+00 : f32
          %broadcast_in_dim3A_171 = vector.broadcast %jit3A_170 : f32 to vector<16xf32>
          %select_n3A_172 = arith.select %eq3A_3, %gather3A_169, %broadcast_in_dim3A_171 : vector<16xi1>, vector<16xf32>
          %mul3A_173 = arith.constant 16 : i32
          %mul3A_174 = arith.muli %scan3A_44, %mul3A_173 : i32
          %add3A_175 = arith.constant 7 : i32
          %add3A_176 = arith.addi %mul3A_174, %add3A_175 : i32
          %swap3A_177 = arith.index_cast %add3A_176 : i32 to index
          %swap3A_178 = arith.constant 0 : index
          %swap3A_179 = tpu.vector_load %arg14[%swap3A_177, %swap3A_178] {strides = array<i32>} : memref<128x16xf32, #tpu.memory_space<vmem>>, vector<16xf32>,
          tpu.vector_store %arg14[%swap3A_177, %swap3A_178], %select_n3A_172 {strides = array<i32>} : memref<128x16xf32, #tpu.memory_space<vmem>>, vector<16xf32>,
          %broadcast_in_dim3A_180 = arith.constant 8 : i32
          %broadcast_in_dim3A_181 = vector.broadcast %broadcast_in_dim3A_180 : i32 to vector<16xi32>
          %reshape3A_182 = vector.shape_cast %broadcast_in_dim3A_181 : vector<16xi32> to vector<16x1xi32>
          %gather3A_183 = vector.shape_cast %reshape3A_182 : vector<16x1xi32> to vector<16xi32>
          %gather3A_184 = tpu.dynamic_gather %exp3A[%gather3A_183] in [0] : vector<16xf32>, vector<16xi32> -> vector<16xf32>
          %jit3A_185 = arith.constant 0.000000e+00 : f32
          %broadcast_in_dim3A_186 = vector.broadcast %jit3A_185 : f32 to vector<16xf32>
          %select_n3A_187 = arith.select %eq3A_3, %gather3A_184, %broadcast_in_dim3A_186 : vector<16xi1>, vector<16xf32>
          %mul3A_188 = arith.constant 16 : i32
          %mul3A_189 = arith.muli %scan3A_44, %mul3A_188 : i32
          %add3A_190 = arith.constant 8 : i32
          %add3A_191 = arith.addi %mul3A_189, %add3A_190 : i32
          %swap3A_192 = arith.index_cast %add3A_191 : i32 to index
          %swap3A_193 = arith.constant 0 : index
          %swap3A_194 = tpu.vector_load %arg14[%swap3A_192, %swap3A_193] {strides = array<i32>} : memref<128x16xf32, #tpu.memory_space<vmem>>, vector<16xf32>,
          tpu.vector_store %arg14[%swap3A_192, %swap3A_193], %select_n3A_187 {strides = array<i32>} : memref<128x16xf32, #tpu.memory_space<vmem>>, vector<16xf32>,
          %broadcast_in_dim3A_195 = arith.constant 9 : i32
          %broadcast_in_dim3A_196 = vector.broadcast %broadcast_in_dim3A_195 : i32 to vector<16xi32>
          %reshape3A_197 = vector.shape_cast %broadcast_in_dim3A_196 : vector<16xi32> to vector<16x1xi32>
          %gather3A_198 = vector.shape_cast %reshape3A_197 : vector<16x1xi32> to vector<16xi32>
          %gather3A_199 = tpu.dynamic_gather %exp3A[%gather3A_198] in [0] : vector<16xf32>, vector<16xi32> -> vector<16xf32>
          %jit3A_200 = arith.constant 0.000000e+00 : f32
          %broadcast_in_dim3A_201 = vector.broadcast %jit3A_200 : f32 to vector<16xf32>
          %select_n3A_202 = arith.select %eq3A_3, %gather3A_199, %broadcast_in_dim3A_201 : vector<16xi1>, vector<16xf32>
          %mul3A_203 = arith.constant 16 : i32
          %mul3A_204 = arith.muli %scan3A_44, %mul3A_203 : i32
          %add3A_205 = arith.constant 9 : i32
          %add3A_206 = arith.addi %mul3A_204, %add3A_205 : i32
          %swap3A_207 = arith.index_cast %add3A_206 : i32 to index
          %swap3A_208 = arith.constant 0 : index
          %swap3A_209 = tpu.vector_load %arg14[%swap3A_207, %swap3A_208] {strides = array<i32>} : memref<128x16xf32, #tpu.memory_space<vmem>>, vector<16xf32>,
          tpu.vector_store %arg14[%swap3A_207, %swap3A_208], %select_n3A_202 {strides = array<i32>} : memref<128x16xf32, #tpu.memory_space<vmem>>, vector<16xf32>,
          %broadcast_in_dim3A_210 = arith.constant 10 : i32
          %broadcast_in_dim3A_211 = vector.broadcast %broadcast_in_dim3A_210 : i32 to vector<16xi32>
          %reshape3A_212 = vector.shape_cast %broadcast_in_dim3A_211 : vector<16xi32> to vector<16x1xi32>
          %gather3A_213 = vector.shape_cast %reshape3A_212 : vector<16x1xi32> to vector<16xi32>
          %gather3A_214 = tpu.dynamic_gather %exp3A[%gather3A_213] in [0] : vector<16xf32>, vector<16xi32> -> vector<16xf32>
          %jit3A_215 = arith.constant 0.000000e+00 : f32
          %broadcast_in_dim3A_216 = vector.broadcast %jit3A_215 : f32 to vector<16xf32>
          %select_n3A_217 = arith.select %eq3A_3, %gather3A_214, %broadcast_in_dim3A_216 : vector<16xi1>, vector<16xf32>
          %mul3A_218 = arith.constant 16 : i32
          %mul3A_219 = arith.muli %scan3A_44, %mul3A_218 : i32
          %add3A_220 = arith.constant 10 : i32
          %add3A_221 = arith.addi %mul3A_219, %add3A_220 : i32
          %swap3A_222 = arith.index_cast %add3A_221 : i32 to index
          %swap3A_223 = arith.constant 0 : index
          %swap3A_224 = tpu.vector_load %arg14[%swap3A_222, %swap3A_223] {strides = array<i32>} : memref<128x16xf32, #tpu.memory_space<vmem>>, vector<16xf32>,
          tpu.vector_store %arg14[%swap3A_222, %swap3A_223], %select_n3A_217 {strides = array<i32>} : memref<128x16xf32, #tpu.memory_space<vmem>>, vector<16xf32>,
          %broadcast_in_dim3A_225 = arith.constant 11 : i32
          %broadcast_in_dim3A_226 = vector.broadcast %broadcast_in_dim3A_225 : i32 to vector<16xi32>
          %reshape3A_227 = vector.shape_cast %broadcast_in_dim3A_226 : vector<16xi32> to vector<16x1xi32>
          %gather3A_228 = vector.shape_cast %reshape3A_227 : vector<16x1xi32> to vector<16xi32>
          %gather3A_229 = tpu.dynamic_gather %exp3A[%gather3A_228] in [0] : vector<16xf32>, vector<16xi32> -> vector<16xf32>
          %jit3A_230 = arith.constant 0.000000e+00 : f32
          %broadcast_in_dim3A_231 = vector.broadcast %jit3A_230 : f32 to vector<16xf32>
          %select_n3A_232 = arith.select %eq3A_3, %gather3A_229, %broadcast_in_dim3A_231 : vector<16xi1>, vector<16xf32>
          %mul3A_233 = arith.constant 16 : i32
          %mul3A_234 = arith.muli %scan3A_44, %mul3A_233 : i32
          %add3A_235 = arith.constant 11 : i32
          %add3A_236 = arith.addi %mul3A_234, %add3A_235 : i32
          %swap3A_237 = arith.index_cast %add3A_236 : i32 to index
          %swap3A_238 = arith.constant 0 : index
          %swap3A_239 = tpu.vector_load %arg14[%swap3A_237, %swap3A_238] {strides = array<i32>} : memref<128x16xf32, #tpu.memory_space<vmem>>, vector<16xf32>,
          tpu.vector_store %arg14[%swap3A_237, %swap3A_238], %select_n3A_232 {strides = array<i32>} : memref<128x16xf32, #tpu.memory_space<vmem>>, vector<16xf32>,
          %broadcast_in_dim3A_240 = arith.constant 12 : i32
          %broadcast_in_dim3A_241 = vector.broadcast %broadcast_in_dim3A_240 : i32 to vector<16xi32>
          %reshape3A_242 = vector.shape_cast %broadcast_in_dim3A_241 : vector<16xi32> to vector<16x1xi32>
          %gather3A_243 = vector.shape_cast %reshape3A_242 : vector<16x1xi32> to vector<16xi32>
          %gather3A_244 = tpu.dynamic_gather %exp3A[%gather3A_243] in [0] : vector<16xf32>, vector<16xi32> -> vector<16xf32>
          %jit3A_245 = arith.constant 0.000000e+00 : f32
          %broadcast_in_dim3A_246 = vector.broadcast %jit3A_245 : f32 to vector<16xf32>
          %select_n3A_247 = arith.select %eq3A_3, %gather3A_244, %broadcast_in_dim3A_246 : vector<16xi1>, vector<16xf32>
          %mul3A_248 = arith.constant 16 : i32
          %mul3A_249 = arith.muli %scan3A_44, %mul3A_248 : i32
          %add3A_250 = arith.constant 12 : i32
          %add3A_251 = arith.addi %mul3A_249, %add3A_250 : i32
          %swap3A_252 = arith.index_cast %add3A_251 : i32 to index
          %swap3A_253 = arith.constant 0 : index
          %swap3A_254 = tpu.vector_load %arg14[%swap3A_252, %swap3A_253] {strides = array<i32>} : memref<128x16xf32, #tpu.memory_space<vmem>>, vector<16xf32>,
          tpu.vector_store %arg14[%swap3A_252, %swap3A_253], %select_n3A_247 {strides = array<i32>} : memref<128x16xf32, #tpu.memory_space<vmem>>, vector<16xf32>,
          %broadcast_in_dim3A_255 = arith.constant 13 : i32
          %broadcast_in_dim3A_256 = vector.broadcast %broadcast_in_dim3A_255 : i32 to vector<16xi32>
          %reshape3A_257 = vector.shape_cast %broadcast_in_dim3A_256 : vector<16xi32> to vector<16x1xi32>
          %gather3A_258 = vector.shape_cast %reshape3A_257 : vector<16x1xi32> to vector<16xi32>
          %gather3A_259 = tpu.dynamic_gather %exp3A[%gather3A_258] in [0] : vector<16xf32>, vector<16xi32> -> vector<16xf32>
          %jit3A_260 = arith.constant 0.000000e+00 : f32
          %broadcast_in_dim3A_261 = vector.broadcast %jit3A_260 : f32 to vector<16xf32>
          %select_n3A_262 = arith.select %eq3A_3, %gather3A_259, %broadcast_in_dim3A_261 : vector<16xi1>, vector<16xf32>
          %mul3A_263 = arith.constant 16 : i32
          %mul3A_264 = arith.muli %scan3A_44, %mul3A_263 : i32
          %add3A_265 = arith.constant 13 : i32
          %add3A_266 = arith.addi %mul3A_264, %add3A_265 : i32
          %swap3A_267 = arith.index_cast %add3A_266 : i32 to index
          %swap3A_268 = arith.constant 0 : index
          %swap3A_269 = tpu.vector_load %arg14[%swap3A_267, %swap3A_268] {strides = array<i32>} : memref<128x16xf32, #tpu.memory_space<vmem>>, vector<16xf32>,
          tpu.vector_store %arg14[%swap3A_267, %swap3A_268], %select_n3A_262 {strides = array<i32>} : memref<128x16xf32, #tpu.memory_space<vmem>>, vector<16xf32>,
          %broadcast_in_dim3A_270 = arith.constant 14 : i32
          %broadcast_in_dim3A_271 = vector.broadcast %broadcast_in_dim3A_270 : i32 to vector<16xi32>
          %reshape3A_272 = vector.shape_cast %broadcast_in_dim3A_271 : vector<16xi32> to vector<16x1xi32>
          %gather3A_273 = vector.shape_cast %reshape3A_272 : vector<16x1xi32> to vector<16xi32>
          %gather3A_274 = tpu.dynamic_gather %exp3A[%gather3A_273] in [0] : vector<16xf32>, vector<16xi32> -> vector<16xf32>
          %jit3A_275 = arith.constant 0.000000e+00 : f32
          %broadcast_in_dim3A_276 = vector.broadcast %jit3A_275 : f32 to vector<16xf32>
          %select_n3A_277 = arith.select %eq3A_3, %gather3A_274, %broadcast_in_dim3A_276 : vector<16xi1>, vector<16xf32>
          %mul3A_278 = arith.constant 16 : i32
          %mul3A_279 = arith.muli %scan3A_44, %mul3A_278 : i32
          %add3A_280 = arith.constant 14 : i32
          %add3A_281 = arith.addi %mul3A_279, %add3A_280 : i32
          %swap3A_282 = arith.index_cast %add3A_281 : i32 to index
          %swap3A_283 = arith.constant 0 : index
          %swap3A_284 = tpu.vector_load %arg14[%swap3A_282, %swap3A_283] {strides = array<i32>} : memref<128x16xf32, #tpu.memory_space<vmem>>, vector<16xf32>,
          tpu.vector_store %arg14[%swap3A_282, %swap3A_283], %select_n3A_277 {strides = array<i32>} : memref<128x16xf32, #tpu.memory_space<vmem>>, vector<16xf32>,
          %broadcast_in_dim3A_285 = arith.constant 15 : i32
          %broadcast_in_dim3A_286 = vector.broadcast %broadcast_in_dim3A_285 : i32 to vector<16xi32>
          %reshape3A_287 = vector.shape_cast %broadcast_in_dim3A_286 : vector<16xi32> to vector<16x1xi32>
          %gather3A_288 = vector.shape_cast %reshape3A_287 : vector<16x1xi32> to vector<16xi32>
          %gather3A_289 = tpu.dynamic_gather %exp3A[%gather3A_288] in [0] : vector<16xf32>, vector<16xi32> -> vector<16xf32>
          %jit3A_290 = arith.constant 0.000000e+00 : f32
          %broadcast_in_dim3A_291 = vector.broadcast %jit3A_290 : f32 to vector<16xf32>
          %select_n3A_292 = arith.select %eq3A_3, %gather3A_289, %broadcast_in_dim3A_291 : vector<16xi1>, vector<16xf32>
          %mul3A_293 = arith.constant 16 : i32
          %mul3A_294 = arith.muli %scan3A_44, %mul3A_293 : i32
          %add3A_295 = arith.constant 15 : i32
          %add3A_296 = arith.addi %mul3A_294, %add3A_295 : i32
          %swap3A_297 = arith.index_cast %add3A_296 : i32 to index
          %swap3A_298 = arith.constant 0 : index
          %swap3A_299 = tpu.vector_load %arg14[%swap3A_297, %swap3A_298] {strides = array<i32>} : memref<128x16xf32, #tpu.memory_space<vmem>>, vector<16xf32>,
          tpu.vector_store %arg14[%swap3A_297, %swap3A_298], %select_n3A_292 {strides = array<i32>} : memref<128x16xf32, #tpu.memory_space<vmem>>, vector<16xf32>,
        }
        %scan3A_43 = arith.constant 8 : i32
        "tpu.region"() ({
          %run_scoped3A = tpu.sem_alloc : memref<!tpu.dma_semaphore, #tpu.memory_space<semaphore_mem>>
          %dma_start3A = tpu.memref_slice %arg6[%mul3A_37] : memref<320000xf32, #tpu.memory_space<hbm>> -> memref<128xf32, #tpu.memory_space<hbm>>
          %dma_start3A_44 = tpu.memref_slice %arg6[%mul3A_37] : memref<320000xf32, #tpu.memory_space<hbm>> -> memref<128xf32, #tpu.memory_space<hbm>>
          tpu.enqueue_dma source(%arg13 : memref<128xf32, #tpu.memory_space<vmem>>) target(%dma_start3A_44 : memref<128xf32, #tpu.memory_space<hbm>>) target_semaphore(%run_scoped3A : memref<!tpu.dma_semaphore, #tpu.memory_space<semaphore_mem>>)
          %dma_wait3A = tpu.memref_slice %arg6[%mul3A_37] : memref<320000xf32, #tpu.memory_space<hbm>> -> memref<128xf32, #tpu.memory_space<hbm>>
          %dma_wait3A_45 = tpu.memref_slice %arg6[%mul3A_37] : memref<320000xf32, #tpu.memory_space<hbm>> -> memref<128xf32, #tpu.memory_space<hbm>>
          tpu.wait_dma2 semaphore(%run_scoped3A : memref<!tpu.dma_semaphore, #tpu.memory_space<semaphore_mem>>) src(%arg13 : memref<128xf32, #tpu.memory_space<vmem>>) dst(%dma_wait3A_45 : memref<128xf32, #tpu.memory_space<hbm>>)
          tpu.yield
        }) : () -> ()
        "tpu.region"() ({
          %run_scoped3A = tpu.sem_alloc : memref<!tpu.dma_semaphore, #tpu.memory_space<semaphore_mem>>
          %dma_start3A = arith.constant 0 : i32
          %dma_start3A_44 = arith.constant 0 : i32
          %dma_start3A_45 = tpu.memref_slice %arg16[%dma_start3A, %dma_start3A_44] : memref<10240x16xf32, #tpu.memory_space<vmem_shared>> -> memref<10240x16xf32, #tpu.memory_space<vmem_shared>>
          tpu.enqueue_indirect_dma source(%arg14 : memref<128x16xf32, #tpu.memory_space<vmem>>) target(%dma_start3A_45 : memref<10240x16xf32, #tpu.memory_space<vmem_shared>>) offsets(%arg10 : memref<128xi32, #tpu.memory_space<vmem>>) semaphore(%run_scoped3A : memref<!tpu.dma_semaphore, #tpu.memory_space<semaphore_mem>>) {add = true}
          %dma_wait3A = arith.constant 0 : i32
          %dma_wait3A_46 = arith.constant 0 : i32
          %dma_wait3A_47 = tpu.memref_slice %arg16[%dma_wait3A, %dma_wait3A_46] : memref<10240x16xf32, #tpu.memory_space<vmem_shared>> -> memref<10240x16xf32, #tpu.memory_space<vmem_shared>>
          tpu.wait_indirect_dma semaphore(%run_scoped3A : memref<!tpu.dma_semaphore, #tpu.memory_space<semaphore_mem>>) src(%arg14 : memref<128x16xf32, #tpu.memory_space<vmem>>) dst(%dma_wait3A_47 : memref<10240x16xf32, #tpu.memory_space<vmem_shared>>)
          tpu.yield
        }) : () -> ()
      } else {
      }
    }
    %scan3A_16 = arith.constant 79 : i32
    %barrier3A_17 = arith.constant 0 : index
    tpu.barrier barrier_id(%barrier3A_17)
    %mul3A_18 = arith.constant 640 : i32
    %mul3A_19 = arith.muli %arg1, %mul3A_18 : i32
    "tpu.region"() ({
      %run_scoped3A = tpu.sem_alloc : memref<!tpu.dma_semaphore, #tpu.memory_space<semaphore_mem>>
      %dma_start3A = arith.constant 0 : i32
      %dma_start3A_28 = tpu.memref_slice %arg16[%mul3A_19, %dma_start3A] : memref<10240x16xf32, #tpu.memory_space<vmem_shared>> -> memref<640x16xf32, #tpu.memory_space<vmem_shared>>
      %dma_start3A_29 = arith.constant 0 : i32
      %dma_start3A_30 = tpu.memref_slice %arg16[%mul3A_19, %dma_start3A_29] : memref<10240x16xf32, #tpu.memory_space<vmem_shared>> -> memref<640x16xf32, #tpu.memory_space<vmem_shared>>
      tpu.enqueue_dma source(%dma_start3A_30 : memref<640x16xf32, #tpu.memory_space<vmem_shared>>) target(%arg15 : memref<640x16xf32, #tpu.memory_space<vmem>>) target_semaphore(%run_scoped3A : memref<!tpu.dma_semaphore, #tpu.memory_space<semaphore_mem>>)
      %dma_wait3A = arith.constant 0 : i32
      %dma_wait3A_31 = tpu.memref_slice %arg16[%mul3A_19, %dma_wait3A] : memref<10240x16xf32, #tpu.memory_space<vmem_shared>> -> memref<640x16xf32, #tpu.memory_space<vmem_shared>>
      %dma_wait3A_32 = arith.constant 0 : i32
      %dma_wait3A_33 = tpu.memref_slice %arg16[%mul3A_19, %dma_wait3A_32] : memref<10240x16xf32, #tpu.memory_space<vmem_shared>> -> memref<640x16xf32, #tpu.memory_space<vmem_shared>>
      tpu.wait_dma2 semaphore(%run_scoped3A : memref<!tpu.dma_semaphore, #tpu.memory_space<semaphore_mem>>) src(%dma_wait3A_33 : memref<640x16xf32, #tpu.memory_space<vmem_shared>>) dst(%arg15 : memref<640x16xf32, #tpu.memory_space<vmem>>)
      tpu.yield
    }) : () -> ()
    %eq3A_20 = arith.constant 0 : i32
    %eq3A_21 = arith.cmpi eq, %arg0, %eq3A_20 : i32
    %convert_element_type3A = arith.extui %eq3A_21 : i1 to i32
    %cond3A = arith.constant 0 : i32
    %cond3A_22 = arith.cmpi ne, %convert_element_type3A, %cond3A : i32
    scf.if %cond3A_22 {
      %mul3A_28 = arith.constant 640 : i32
      %mul3A_29 = arith.muli %arg1, %mul3A_28 : i32
      "tpu.region"() ({
        %run_scoped3A = tpu.sem_alloc : memref<!tpu.dma_semaphore, #tpu.memory_space<semaphore_mem>>
        %dma_start3A = arith.constant 0 : i32
        %dma_start3A_30 = tpu.memref_slice %arg7[%mul3A_29, %dma_start3A] : memref<10240x16xf32, #tpu.memory_space<hbm>> -> memref<640x16xf32, #tpu.memory_space<hbm>>
        %dma_start3A_31 = arith.constant 0 : i32
        %dma_start3A_32 = tpu.memref_slice %arg7[%mul3A_29, %dma_start3A_31] : memref<10240x16xf32, #tpu.memory_space<hbm>> -> memref<640x16xf32, #tpu.memory_space<hbm>>
        tpu.enqueue_dma source(%arg15 : memref<640x16xf32, #tpu.memory_space<vmem>>) target(%dma_start3A_32 : memref<640x16xf32, #tpu.memory_space<hbm>>) target_semaphore(%run_scoped3A : memref<!tpu.dma_semaphore, #tpu.memory_space<semaphore_mem>>)
        %dma_wait3A = arith.constant 0 : i32
        %dma_wait3A_33 = tpu.memref_slice %arg7[%mul3A_29, %dma_wait3A] : memref<10240x16xf32, #tpu.memory_space<hbm>> -> memref<640x16xf32, #tpu.memory_space<hbm>>
        %dma_wait3A_34 = arith.constant 0 : i32
        %dma_wait3A_35 = tpu.memref_slice %arg7[%mul3A_29, %dma_wait3A_34] : memref<10240x16xf32, #tpu.memory_space<hbm>> -> memref<640x16xf32, #tpu.memory_space<hbm>>
        tpu.wait_dma2 semaphore(%run_scoped3A : memref<!tpu.dma_semaphore, #tpu.memory_space<semaphore_mem>>) src(%arg15 : memref<640x16xf32, #tpu.memory_space<vmem>>) dst(%dma_wait3A_35 : memref<640x16xf32, #tpu.memory_space<hbm>>)
        tpu.yield
      }) : () -> ()
    } else {
    }
    %eq3A_23 = arith.constant 1 : i32
    %eq3A_24 = arith.cmpi eq, %arg0, %eq3A_23 : i32
    %convert_element_type3A_25 = arith.extui %eq3A_24 : i1 to i32
    %cond3A_26 = arith.constant 0 : i32
    %cond3A_27 = arith.cmpi ne, %convert_element_type3A_25, %cond3A_26 : i32
    scf.if %cond3A_27 {
      %mul3A_28 = arith.constant 640 : i32
      %mul3A_29 = arith.muli %arg1, %mul3A_28 : i32
      "tpu.region"() ({
        %run_scoped3A = tpu.sem_alloc : memref<!tpu.dma_semaphore, #tpu.memory_space<semaphore_mem>>
        %dma_start3A = arith.constant 0 : i32
        %dma_start3A_30 = tpu.memref_slice %arg8[%mul3A_29, %dma_start3A] : memref<10240x16xf32, #tpu.memory_space<hbm>> -> memref<640x16xf32, #tpu.memory_space<hbm>>
        %dma_start3A_31 = arith.constant 0 : i32
        %dma_start3A_32 = tpu.memref_slice %arg8[%mul3A_29, %dma_start3A_31] : memref<10240x16xf32, #tpu.memory_space<hbm>> -> memref<640x16xf32, #tpu.memory_space<hbm>>
        tpu.enqueue_dma source(%arg15 : memref<640x16xf32, #tpu.memory_space<vmem>>) target(%dma_start3A_32 : memref<640x16xf32, #tpu.memory_space<hbm>>) target_semaphore(%run_scoped3A : memref<!tpu.dma_semaphore, #tpu.memory_space<semaphore_mem>>)
        %dma_wait3A = arith.constant 0 : i32
        %dma_wait3A_33 = tpu.memref_slice %arg8[%mul3A_29, %dma_wait3A] : memref<10240x16xf32, #tpu.memory_space<hbm>> -> memref<640x16xf32, #tpu.memory_space<hbm>>
        %dma_wait3A_34 = arith.constant 0 : i32
        %dma_wait3A_35 = tpu.memref_slice %arg8[%mul3A_29, %dma_wait3A_34] : memref<10240x16xf32, #tpu.memory_space<hbm>> -> memref<640x16xf32, #tpu.memory_space<hbm>>
        tpu.wait_dma2 semaphore(%run_scoped3A : memref<!tpu.dma_semaphore, #tpu.memory_space<semaphore_mem>>) src(%arg15 : memref<640x16xf32, #tpu.memory_space<vmem>>) dst(%dma_wait3A_35 : memref<640x16xf32, #tpu.memory_space<hbm>>)
        tpu.yield
      }) : () -> ()
    } else {
    }
    return
  }
}

#map = affine_map<(d0, d1) -> (0)>
#map1 = affine_map<(d0, d1) -> (0, 0)>
module attributes {stable_mosaic.version = 14 : i64} {
  func.func @_scb1_body(%arg0: i32, %arg1: i32, %arg2: memref<320000xi32, #tpu.memory_space<hbm>>, %arg3: memref<320000xi32, #tpu.memory_space<hbm>>, %arg4: memref<320000x16xf32, #tpu.memory_space<hbm>>, %arg5: memref<10240x16xf32, #tpu.memory_space<hbm>>, %arg6: memref<10240x64xf32, #tpu.memory_space<hbm>>, %arg7: memref<10240x64xf32, #tpu.memory_space<hbm>>, %arg8: memref<10240x64xf32, #tpu.memory_space<hbm>>, %arg9: memref<128xi32, #tpu.memory_space<vmem>>, %arg10: memref<128xi32, #tpu.memory_space<vmem>>, %arg11: memref<128x16xf32, #tpu.memory_space<vmem>>, %arg12: memref<128x16xf32, #tpu.memory_space<vmem>>, %arg13: memref<128x64xf32, #tpu.memory_space<vmem>>, %arg14: memref<640x64xf32, #tpu.memory_space<vmem>>, %arg15: memref<10240x64xf32, #tpu.memory_space<vmem_shared>>) attributes {dimension_semantics = [#tpu.dimension_semantics<core_parallel>, #tpu.dimension_semantics<subcore_parallel>], iteration_bounds = array<i64: 2, 16>, scalar_prefetch = 0 : i64, scratch_operands = 7 : i64, tpu.core_type = #tpu.core_type<sc_vector_subcore>, window_params = [{transform_indices = #map}, {transform_indices = #map}, {transform_indices = #map1}, {transform_indices = #map1}, {transform_indices = #map1}, {transform_indices = #map1}, {transform_indices = #map1}]} {
    %mul3A = arith.constant 16 : i32
    %mul3A_0 = arith.muli %arg0, %mul3A : i32
    %add3A = arith.addi %mul3A_0, %arg1 : i32
    %broadcast_in_dim3A = arith.constant 0.000000e+00 : f32
    %broadcast_in_dim3A_1 = vector.broadcast %broadcast_in_dim3A : f32 to vector<16xf32>
    %scan3A = arith.constant 0 : i32
    %scan3A_2 = arith.constant 0 : i32
    %scan3A_3 = arith.constant 640 : i32
    %scan3A_4 = arith.addi %scan3A_2, %scan3A_3 : i32
    %scan3A_5 = arith.constant 1 : i32
    scf.for %scan3A_39 = %scan3A_2 to %scan3A_4 step %scan3A_5  : i32 {
      %swap3A = arith.index_cast %scan3A_39 : i32 to index
      %swap3A_40 = arith.constant 0 : index
      %swap3A_41 = tpu.vector_load %arg14[%swap3A, %swap3A_40] {strides = array<i32>} : memref<640x64xf32, #tpu.memory_space<vmem>>, vector<16xf32>,
      tpu.vector_store %arg14[%swap3A, %swap3A_40], %broadcast_in_dim3A_1 {strides = array<i32>} : memref<640x64xf32, #tpu.memory_space<vmem>>, vector<16xf32>,
      %swap3A_42 = arith.index_cast %scan3A_39 : i32 to index
      %swap3A_43 = arith.constant 16 : index
      %swap3A_44 = tpu.vector_load %arg14[%swap3A_42, %swap3A_43] {strides = array<i32>} : memref<640x64xf32, #tpu.memory_space<vmem>>, vector<16xf32>,
      tpu.vector_store %arg14[%swap3A_42, %swap3A_43], %broadcast_in_dim3A_1 {strides = array<i32>} : memref<640x64xf32, #tpu.memory_space<vmem>>, vector<16xf32>,
      %swap3A_45 = arith.index_cast %scan3A_39 : i32 to index
      %swap3A_46 = arith.constant 32 : index
      %swap3A_47 = tpu.vector_load %arg14[%swap3A_45, %swap3A_46] {strides = array<i32>} : memref<640x64xf32, #tpu.memory_space<vmem>>, vector<16xf32>,
      tpu.vector_store %arg14[%swap3A_45, %swap3A_46], %broadcast_in_dim3A_1 {strides = array<i32>} : memref<640x64xf32, #tpu.memory_space<vmem>>, vector<16xf32>,
      %swap3A_48 = arith.index_cast %scan3A_39 : i32 to index
      %swap3A_49 = arith.constant 48 : index
      %swap3A_50 = tpu.vector_load %arg14[%swap3A_48, %swap3A_49] {strides = array<i32>} : memref<640x64xf32, #tpu.memory_space<vmem>>, vector<16xf32>,
      tpu.vector_store %arg14[%swap3A_48, %swap3A_49], %broadcast_in_dim3A_1 {strides = array<i32>} : memref<640x64xf32, #tpu.memory_space<vmem>>, vector<16xf32>,
    }
    %scan3A_6 = arith.constant 640 : i32
    %mul3A_7 = arith.constant 640 : i32
    %mul3A_8 = arith.muli %arg1, %mul3A_7 : i32
    "tpu.region"() ({
      %run_scoped3A = tpu.sem_alloc : memref<!tpu.dma_semaphore, #tpu.memory_space<semaphore_mem>>
      %dma_start3A = arith.constant 0 : i32
      %dma_start3A_39 = tpu.memref_slice %arg15[%mul3A_8, %dma_start3A] : memref<10240x64xf32, #tpu.memory_space<vmem_shared>> -> memref<640x64xf32, #tpu.memory_space<vmem_shared>>
      %dma_start3A_40 = arith.constant 0 : i32
      %dma_start3A_41 = tpu.memref_slice %arg15[%mul3A_8, %dma_start3A_40] : memref<10240x64xf32, #tpu.memory_space<vmem_shared>> -> memref<640x64xf32, #tpu.memory_space<vmem_shared>>
      tpu.enqueue_dma source(%arg14 : memref<640x64xf32, #tpu.memory_space<vmem>>) target(%dma_start3A_41 : memref<640x64xf32, #tpu.memory_space<vmem_shared>>) target_semaphore(%run_scoped3A : memref<!tpu.dma_semaphore, #tpu.memory_space<semaphore_mem>>)
      %dma_wait3A = arith.constant 0 : i32
      %dma_wait3A_42 = tpu.memref_slice %arg15[%mul3A_8, %dma_wait3A] : memref<10240x64xf32, #tpu.memory_space<vmem_shared>> -> memref<640x64xf32, #tpu.memory_space<vmem_shared>>
      %dma_wait3A_43 = arith.constant 0 : i32
      %dma_wait3A_44 = tpu.memref_slice %arg15[%mul3A_8, %dma_wait3A_43] : memref<10240x64xf32, #tpu.memory_space<vmem_shared>> -> memref<640x64xf32, #tpu.memory_space<vmem_shared>>
      tpu.wait_dma2 semaphore(%run_scoped3A : memref<!tpu.dma_semaphore, #tpu.memory_space<semaphore_mem>>) src(%arg14 : memref<640x64xf32, #tpu.memory_space<vmem>>) dst(%dma_wait3A_44 : memref<640x64xf32, #tpu.memory_space<vmem_shared>>)
      tpu.yield
    }) : () -> ()
    %barrier3A = arith.constant 0 : index
    tpu.barrier barrier_id(%barrier3A)
    %iota3A = tpu.iota {dimensions = array<i32: 0>} : vector<16xi32>
    %shift_right_arithmetic3A = arith.constant 3 : i32
    %shift_right_arithmetic3A_9 = vector.broadcast %shift_right_arithmetic3A : i32 to vector<16xi32>
    %shift_right_arithmetic3A_10 = arith.shrsi %iota3A, %shift_right_arithmetic3A_9 : vector<16xi32>
    %add3A_11 = arith.constant 0 : i32
    %add3A_12 = vector.broadcast %add3A_11 : i32 to vector<16xi32>
    %add3A_13 = arith.addi %shift_right_arithmetic3A_10, %add3A_12 : vector<16xi32>
    %add3A_14 = arith.constant 2 : i32
    %add3A_15 = vector.broadcast %add3A_14 : i32 to vector<16xi32>
    %add3A_16 = arith.addi %shift_right_arithmetic3A_10, %add3A_15 : vector<16xi32>
    %add3A_17 = arith.constant 4 : i32
    %add3A_18 = vector.broadcast %add3A_17 : i32 to vector<16xi32>
    %add3A_19 = arith.addi %shift_right_arithmetic3A_10, %add3A_18 : vector<16xi32>
    %add3A_20 = arith.constant 6 : i32
    %add3A_21 = vector.broadcast %add3A_20 : i32 to vector<16xi32>
    %add3A_22 = arith.addi %shift_right_arithmetic3A_10, %add3A_21 : vector<16xi32>
    %scan3A_23 = arith.constant 0 : i32
    %scan3A_24 = arith.constant 0 : i32
    %scan3A_25 = arith.constant 79 : i32
    %scan3A_26 = arith.addi %scan3A_24, %scan3A_25 : i32
    %scan3A_27 = arith.constant 1 : i32
    scf.for %scan3A_39 = %scan3A_24 to %scan3A_26 step %scan3A_27  : i32 {
      %mul3A_40 = arith.constant 32 : i32
      %mul3A_41 = arith.muli %scan3A_39, %mul3A_40 : i32
      %add3A_42 = arith.addi %add3A, %mul3A_41 : i32
      %lt3A = arith.constant 2500 : i32
      %lt3A_43 = arith.cmpi slt, %add3A_42, %lt3A : i32
      %convert_element_type3A_44 = arith.extui %lt3A_43 : i1 to i32
      %cond3A_45 = arith.constant 0 : i32
      %cond3A_46 = arith.cmpi ne, %convert_element_type3A_44, %cond3A_45 : i32
      scf.if %cond3A_46 {
        %mul3A_47 = arith.constant 128 : i32
        %mul3A_48 = arith.muli %add3A_42, %mul3A_47 : i32
        "tpu.region"() ({
          %run_scoped3A = tpu.sem_alloc : memref<!tpu.dma_semaphore, #tpu.memory_space<semaphore_mem>>
          %dma_start3A = tpu.memref_slice %arg2[%mul3A_48] : memref<320000xi32, #tpu.memory_space<hbm>> -> memref<128xi32, #tpu.memory_space<hbm>>
          %dma_start3A_55 = tpu.memref_slice %arg2[%mul3A_48] : memref<320000xi32, #tpu.memory_space<hbm>> -> memref<128xi32, #tpu.memory_space<hbm>>
          tpu.enqueue_dma source(%dma_start3A_55 : memref<128xi32, #tpu.memory_space<hbm>>) target(%arg9 : memref<128xi32, #tpu.memory_space<vmem>>) target_semaphore(%run_scoped3A : memref<!tpu.dma_semaphore, #tpu.memory_space<semaphore_mem>>)
          %dma_wait3A = tpu.memref_slice %arg2[%mul3A_48] : memref<320000xi32, #tpu.memory_space<hbm>> -> memref<128xi32, #tpu.memory_space<hbm>>
          %dma_wait3A_56 = tpu.memref_slice %arg2[%mul3A_48] : memref<320000xi32, #tpu.memory_space<hbm>> -> memref<128xi32, #tpu.memory_space<hbm>>
          tpu.wait_dma2 semaphore(%run_scoped3A : memref<!tpu.dma_semaphore, #tpu.memory_space<semaphore_mem>>) src(%dma_wait3A_56 : memref<128xi32, #tpu.memory_space<hbm>>) dst(%arg9 : memref<128xi32, #tpu.memory_space<vmem>>)
          tpu.yield
        }) : () -> ()
        "tpu.region"() ({
          %run_scoped3A = tpu.sem_alloc : memref<!tpu.dma_semaphore, #tpu.memory_space<semaphore_mem>>
          %dma_start3A = tpu.memref_slice %arg3[%mul3A_48] : memref<320000xi32, #tpu.memory_space<hbm>> -> memref<128xi32, #tpu.memory_space<hbm>>
          %dma_start3A_55 = tpu.memref_slice %arg3[%mul3A_48] : memref<320000xi32, #tpu.memory_space<hbm>> -> memref<128xi32, #tpu.memory_space<hbm>>
          tpu.enqueue_dma source(%dma_start3A_55 : memref<128xi32, #tpu.memory_space<hbm>>) target(%arg10 : memref<128xi32, #tpu.memory_space<vmem>>) target_semaphore(%run_scoped3A : memref<!tpu.dma_semaphore, #tpu.memory_space<semaphore_mem>>)
          %dma_wait3A = tpu.memref_slice %arg3[%mul3A_48] : memref<320000xi32, #tpu.memory_space<hbm>> -> memref<128xi32, #tpu.memory_space<hbm>>
          %dma_wait3A_56 = tpu.memref_slice %arg3[%mul3A_48] : memref<320000xi32, #tpu.memory_space<hbm>> -> memref<128xi32, #tpu.memory_space<hbm>>
          tpu.wait_dma2 semaphore(%run_scoped3A : memref<!tpu.dma_semaphore, #tpu.memory_space<semaphore_mem>>) src(%dma_wait3A_56 : memref<128xi32, #tpu.memory_space<hbm>>) dst(%arg10 : memref<128xi32, #tpu.memory_space<vmem>>)
          tpu.yield
        }) : () -> ()
        "tpu.region"() ({
          %run_scoped3A = tpu.sem_alloc : memref<!tpu.dma_semaphore, #tpu.memory_space<semaphore_mem>>
          %dma_start3A = arith.constant 0 : i32
          %dma_start3A_55 = tpu.memref_slice %arg4[%mul3A_48, %dma_start3A] : memref<320000x16xf32, #tpu.memory_space<hbm>> -> memref<128x16xf32, #tpu.memory_space<hbm>>
          %dma_start3A_56 = arith.constant 0 : i32
          %dma_start3A_57 = tpu.memref_slice %arg4[%mul3A_48, %dma_start3A_56] : memref<320000x16xf32, #tpu.memory_space<hbm>> -> memref<128x16xf32, #tpu.memory_space<hbm>>
          tpu.enqueue_dma source(%dma_start3A_57 : memref<128x16xf32, #tpu.memory_space<hbm>>) target(%arg11 : memref<128x16xf32, #tpu.memory_space<vmem>>) target_semaphore(%run_scoped3A : memref<!tpu.dma_semaphore, #tpu.memory_space<semaphore_mem>>)
          %dma_wait3A = arith.constant 0 : i32
          %dma_wait3A_58 = tpu.memref_slice %arg4[%mul3A_48, %dma_wait3A] : memref<320000x16xf32, #tpu.memory_space<hbm>> -> memref<128x16xf32, #tpu.memory_space<hbm>>
          %dma_wait3A_59 = arith.constant 0 : i32
          %dma_wait3A_60 = tpu.memref_slice %arg4[%mul3A_48, %dma_wait3A_59] : memref<320000x16xf32, #tpu.memory_space<hbm>> -> memref<128x16xf32, #tpu.memory_space<hbm>>
          tpu.wait_dma2 semaphore(%run_scoped3A : memref<!tpu.dma_semaphore, #tpu.memory_space<semaphore_mem>>) src(%dma_wait3A_60 : memref<128x16xf32, #tpu.memory_space<hbm>>) dst(%arg11 : memref<128x16xf32, #tpu.memory_space<vmem>>)
          tpu.yield
        }) : () -> ()
        "tpu.region"() ({
          %run_scoped3A = tpu.sem_alloc : memref<!tpu.dma_semaphore, #tpu.memory_space<semaphore_mem>>
          %dma_start3A = arith.constant 0 : i32
          %dma_start3A_55 = arith.constant 0 : i32
          %dma_start3A_56 = tpu.memref_slice %arg5[%dma_start3A, %dma_start3A_55] : memref<10240x16xf32, #tpu.memory_space<hbm>> -> memref<10240x16xf32, #tpu.memory_space<hbm>>
          tpu.enqueue_indirect_dma source(%dma_start3A_56 : memref<10240x16xf32, #tpu.memory_space<hbm>>) target(%arg12 : memref<128x16xf32, #tpu.memory_space<vmem>>) offsets(%arg10 : memref<128xi32, #tpu.memory_space<vmem>>) semaphore(%run_scoped3A : memref<!tpu.dma_semaphore, #tpu.memory_space<semaphore_mem>>)
          %dma_wait3A = arith.constant 0 : i32
          %dma_wait3A_57 = arith.constant 0 : i32
          %dma_wait3A_58 = tpu.memref_slice %arg5[%dma_wait3A, %dma_wait3A_57] : memref<10240x16xf32, #tpu.memory_space<hbm>> -> memref<10240x16xf32, #tpu.memory_space<hbm>>
          tpu.wait_indirect_dma semaphore(%run_scoped3A : memref<!tpu.dma_semaphore, #tpu.memory_space<semaphore_mem>>) src(%dma_wait3A_58 : memref<10240x16xf32, #tpu.memory_space<hbm>>) dst(%arg12 : memref<128x16xf32, #tpu.memory_space<vmem>>)
          tpu.yield
        }) : () -> ()
        "tpu.region"() ({
          %run_scoped3A = tpu.sem_alloc : memref<!tpu.dma_semaphore, #tpu.memory_space<semaphore_mem>>
          %dma_start3A = arith.constant 0 : i32
          %dma_start3A_55 = arith.constant 0 : i32
          %dma_start3A_56 = tpu.memref_slice %arg6[%dma_start3A, %dma_start3A_55] : memref<10240x64xf32, #tpu.memory_space<hbm>> -> memref<10240x64xf32, #tpu.memory_space<hbm>>
          tpu.enqueue_indirect_dma source(%dma_start3A_56 : memref<10240x64xf32, #tpu.memory_space<hbm>>) target(%arg13 : memref<128x64xf32, #tpu.memory_space<vmem>>) offsets(%arg9 : memref<128xi32, #tpu.memory_space<vmem>>) semaphore(%run_scoped3A : memref<!tpu.dma_semaphore, #tpu.memory_space<semaphore_mem>>)
          %dma_wait3A = arith.constant 0 : i32
          %dma_wait3A_57 = arith.constant 0 : i32
          %dma_wait3A_58 = tpu.memref_slice %arg6[%dma_wait3A, %dma_wait3A_57] : memref<10240x64xf32, #tpu.memory_space<hbm>> -> memref<10240x64xf32, #tpu.memory_space<hbm>>
          tpu.wait_indirect_dma semaphore(%run_scoped3A : memref<!tpu.dma_semaphore, #tpu.memory_space<semaphore_mem>>) src(%dma_wait3A_58 : memref<10240x64xf32, #tpu.memory_space<hbm>>) dst(%arg13 : memref<128x64xf32, #tpu.memory_space<vmem>>)
          tpu.yield
        }) : () -> ()
        %scan3A_49 = arith.constant 0 : i32
        %scan3A_50 = arith.constant 0 : i32
        %scan3A_51 = arith.constant 128 : i32
        %scan3A_52 = arith.addi %scan3A_50, %scan3A_51 : i32
        %scan3A_53 = arith.constant 1 : i32
        scf.for %scan3A_55 = %scan3A_50 to %scan3A_52 step %scan3A_53  : i32 {
          %get3A = arith.index_cast %scan3A_55 : i32 to index
          %get3A_56 = arith.constant 0 : index
          %get3A_57 = tpu.vector_load %arg11[%get3A, %get3A_56] {strides = array<i32>} : memref<128x16xf32, #tpu.memory_space<vmem>>, vector<16xf32>,
          %get3A_58 = arith.index_cast %scan3A_55 : i32 to index
          %get3A_59 = arith.constant 0 : index
          %get3A_60 = tpu.vector_load %arg12[%get3A_58, %get3A_59] {strides = array<i32>} : memref<128x16xf32, #tpu.memory_space<vmem>>, vector<16xf32>,
          %mul3A_61 = arith.mulf %get3A_57, %get3A_60 : vector<16xf32>
          %reshape3A = vector.shape_cast %add3A_13 : vector<16xi32> to vector<16x1xi32>
          %gather3A = vector.shape_cast %reshape3A : vector<16x1xi32> to vector<16xi32>
          %gather3A_62 = tpu.dynamic_gather %mul3A_61[%gather3A] in [0] : vector<16xf32>, vector<16xi32> -> vector<16xf32>
          %get3A_63 = arith.index_cast %scan3A_55 : i32 to index
          %get3A_64 = arith.constant 0 : index
          %get3A_65 = tpu.vector_load %arg13[%get3A_63, %get3A_64] {strides = array<i32>} : memref<128x64xf32, #tpu.memory_space<vmem>>, vector<16xf32>,
          %mul3A_66 = arith.mulf %get3A_65, %gather3A_62 : vector<16xf32>
          %swap3A = arith.index_cast %scan3A_55 : i32 to index
          %swap3A_67 = arith.constant 0 : index
          %swap3A_68 = tpu.vector_load %arg13[%swap3A, %swap3A_67] {strides = array<i32>} : memref<128x64xf32, #tpu.memory_space<vmem>>, vector<16xf32>,
          tpu.vector_store %arg13[%swap3A, %swap3A_67], %mul3A_66 {strides = array<i32>} : memref<128x64xf32, #tpu.memory_space<vmem>>, vector<16xf32>,
          %reshape3A_69 = vector.shape_cast %add3A_16 : vector<16xi32> to vector<16x1xi32>
          %gather3A_70 = vector.shape_cast %reshape3A_69 : vector<16x1xi32> to vector<16xi32>
          %gather3A_71 = tpu.dynamic_gather %mul3A_61[%gather3A_70] in [0] : vector<16xf32>, vector<16xi32> -> vector<16xf32>
          %get3A_72 = arith.index_cast %scan3A_55 : i32 to index
          %get3A_73 = arith.constant 16 : index
          %get3A_74 = tpu.vector_load %arg13[%get3A_72, %get3A_73] {strides = array<i32>} : memref<128x64xf32, #tpu.memory_space<vmem>>, vector<16xf32>,
          %mul3A_75 = arith.mulf %get3A_74, %gather3A_71 : vector<16xf32>
          %swap3A_76 = arith.index_cast %scan3A_55 : i32 to index
          %swap3A_77 = arith.constant 16 : index
          %swap3A_78 = tpu.vector_load %arg13[%swap3A_76, %swap3A_77] {strides = array<i32>} : memref<128x64xf32, #tpu.memory_space<vmem>>, vector<16xf32>,
          tpu.vector_store %arg13[%swap3A_76, %swap3A_77], %mul3A_75 {strides = array<i32>} : memref<128x64xf32, #tpu.memory_space<vmem>>, vector<16xf32>,
          %reshape3A_79 = vector.shape_cast %add3A_19 : vector<16xi32> to vector<16x1xi32>
          %gather3A_80 = vector.shape_cast %reshape3A_79 : vector<16x1xi32> to vector<16xi32>
          %gather3A_81 = tpu.dynamic_gather %mul3A_61[%gather3A_80] in [0] : vector<16xf32>, vector<16xi32> -> vector<16xf32>
          %get3A_82 = arith.index_cast %scan3A_55 : i32 to index
          %get3A_83 = arith.constant 32 : index
          %get3A_84 = tpu.vector_load %arg13[%get3A_82, %get3A_83] {strides = array<i32>} : memref<128x64xf32, #tpu.memory_space<vmem>>, vector<16xf32>,
          %mul3A_85 = arith.mulf %get3A_84, %gather3A_81 : vector<16xf32>
          %swap3A_86 = arith.index_cast %scan3A_55 : i32 to index
          %swap3A_87 = arith.constant 32 : index
          %swap3A_88 = tpu.vector_load %arg13[%swap3A_86, %swap3A_87] {strides = array<i32>} : memref<128x64xf32, #tpu.memory_space<vmem>>, vector<16xf32>,
          tpu.vector_store %arg13[%swap3A_86, %swap3A_87], %mul3A_85 {strides = array<i32>} : memref<128x64xf32, #tpu.memory_space<vmem>>, vector<16xf32>,
          %reshape3A_89 = vector.shape_cast %add3A_22 : vector<16xi32> to vector<16x1xi32>
          %gather3A_90 = vector.shape_cast %reshape3A_89 : vector<16x1xi32> to vector<16xi32>
          %gather3A_91 = tpu.dynamic_gather %mul3A_61[%gather3A_90] in [0] : vector<16xf32>, vector<16xi32> -> vector<16xf32>
          %get3A_92 = arith.index_cast %scan3A_55 : i32 to index
          %get3A_93 = arith.constant 48 : index
          %get3A_94 = tpu.vector_load %arg13[%get3A_92, %get3A_93] {strides = array<i32>} : memref<128x64xf32, #tpu.memory_space<vmem>>, vector<16xf32>,
          %mul3A_95 = arith.mulf %get3A_94, %gather3A_91 : vector<16xf32>
          %swap3A_96 = arith.index_cast %scan3A_55 : i32 to index
          %swap3A_97 = arith.constant 48 : index
          %swap3A_98 = tpu.vector_load %arg13[%swap3A_96, %swap3A_97] {strides = array<i32>} : memref<128x64xf32, #tpu.memory_space<vmem>>, vector<16xf32>,
          tpu.vector_store %arg13[%swap3A_96, %swap3A_97], %mul3A_95 {strides = array<i32>} : memref<128x64xf32, #tpu.memory_space<vmem>>, vector<16xf32>,
        }
        %scan3A_54 = arith.constant 128 : i32
        "tpu.region"() ({
          %run_scoped3A = tpu.sem_alloc : memref<!tpu.dma_semaphore, #tpu.memory_space<semaphore_mem>>
          %dma_start3A = arith.constant 0 : i32
          %dma_start3A_55 = arith.constant 0 : i32
          %dma_start3A_56 = tpu.memref_slice %arg15[%dma_start3A, %dma_start3A_55] : memref<10240x64xf32, #tpu.memory_space<vmem_shared>> -> memref<10240x64xf32, #tpu.memory_space<vmem_shared>>
          tpu.enqueue_indirect_dma source(%arg13 : memref<128x64xf32, #tpu.memory_space<vmem>>) target(%dma_start3A_56 : memref<10240x64xf32, #tpu.memory_space<vmem_shared>>) offsets(%arg10 : memref<128xi32, #tpu.memory_space<vmem>>) semaphore(%run_scoped3A : memref<!tpu.dma_semaphore, #tpu.memory_space<semaphore_mem>>) {add = true}
          %dma_wait3A = arith.constant 0 : i32
          %dma_wait3A_57 = arith.constant 0 : i32
          %dma_wait3A_58 = tpu.memref_slice %arg15[%dma_wait3A, %dma_wait3A_57] : memref<10240x64xf32, #tpu.memory_space<vmem_shared>> -> memref<10240x64xf32, #tpu.memory_space<vmem_shared>>
          tpu.wait_indirect_dma semaphore(%run_scoped3A : memref<!tpu.dma_semaphore, #tpu.memory_space<semaphore_mem>>) src(%arg13 : memref<128x64xf32, #tpu.memory_space<vmem>>) dst(%dma_wait3A_58 : memref<10240x64xf32, #tpu.memory_space<vmem_shared>>)
          tpu.yield
        }) : () -> ()
      } else {
      }
    }
    %scan3A_28 = arith.constant 79 : i32
    %barrier3A_29 = arith.constant 0 : index
    tpu.barrier barrier_id(%barrier3A_29)
    %mul3A_30 = arith.constant 640 : i32
    %mul3A_31 = arith.muli %arg1, %mul3A_30 : i32
    "tpu.region"() ({
      %run_scoped3A = tpu.sem_alloc : memref<!tpu.dma_semaphore, #tpu.memory_space<semaphore_mem>>
      %dma_start3A = arith.constant 0 : i32
      %dma_start3A_39 = tpu.memref_slice %arg15[%mul3A_31, %dma_start3A] : memref<10240x64xf32, #tpu.memory_space<vmem_shared>> -> memref<640x64xf32, #tpu.memory_space<vmem_shared>>
      %dma_start3A_40 = arith.constant 0 : i32
      %dma_start3A_41 = tpu.memref_slice %arg15[%mul3A_31, %dma_start3A_40] : memref<10240x64xf32, #tpu.memory_space<vmem_shared>> -> memref<640x64xf32, #tpu.memory_space<vmem_shared>>
      tpu.enqueue_dma source(%dma_start3A_41 : memref<640x64xf32, #tpu.memory_space<vmem_shared>>) target(%arg14 : memref<640x64xf32, #tpu.memory_space<vmem>>) target_semaphore(%run_scoped3A : memref<!tpu.dma_semaphore, #tpu.memory_space<semaphore_mem>>)
      %dma_wait3A = arith.constant 0 : i32
      %dma_wait3A_42 = tpu.memref_slice %arg15[%mul3A_31, %dma_wait3A] : memref<10240x64xf32, #tpu.memory_space<vmem_shared>> -> memref<640x64xf32, #tpu.memory_space<vmem_shared>>
      %dma_wait3A_43 = arith.constant 0 : i32
      %dma_wait3A_44 = tpu.memref_slice %arg15[%mul3A_31, %dma_wait3A_43] : memref<10240x64xf32, #tpu.memory_space<vmem_shared>> -> memref<640x64xf32, #tpu.memory_space<vmem_shared>>
      tpu.wait_dma2 semaphore(%run_scoped3A : memref<!tpu.dma_semaphore, #tpu.memory_space<semaphore_mem>>) src(%dma_wait3A_44 : memref<640x64xf32, #tpu.memory_space<vmem_shared>>) dst(%arg14 : memref<640x64xf32, #tpu.memory_space<vmem>>)
      tpu.yield
    }) : () -> ()
    %eq3A = arith.constant 0 : i32
    %eq3A_32 = arith.cmpi eq, %arg0, %eq3A : i32
    %convert_element_type3A = arith.extui %eq3A_32 : i1 to i32
    %cond3A = arith.constant 0 : i32
    %cond3A_33 = arith.cmpi ne, %convert_element_type3A, %cond3A : i32
    scf.if %cond3A_33 {
      %mul3A_39 = arith.constant 640 : i32
      %mul3A_40 = arith.muli %arg1, %mul3A_39 : i32
      "tpu.region"() ({
        %run_scoped3A = tpu.sem_alloc : memref<!tpu.dma_semaphore, #tpu.memory_space<semaphore_mem>>
        %dma_start3A = arith.constant 0 : i32
        %dma_start3A_41 = tpu.memref_slice %arg7[%mul3A_40, %dma_start3A] : memref<10240x64xf32, #tpu.memory_space<hbm>> -> memref<640x64xf32, #tpu.memory_space<hbm>>
        %dma_start3A_42 = arith.constant 0 : i32
        %dma_start3A_43 = tpu.memref_slice %arg7[%mul3A_40, %dma_start3A_42] : memref<10240x64xf32, #tpu.memory_space<hbm>> -> memref<640x64xf32, #tpu.memory_space<hbm>>
        tpu.enqueue_dma source(%arg14 : memref<640x64xf32, #tpu.memory_space<vmem>>) target(%dma_start3A_43 : memref<640x64xf32, #tpu.memory_space<hbm>>) target_semaphore(%run_scoped3A : memref<!tpu.dma_semaphore, #tpu.memory_space<semaphore_mem>>)
        %dma_wait3A = arith.constant 0 : i32
        %dma_wait3A_44 = tpu.memref_slice %arg7[%mul3A_40, %dma_wait3A] : memref<10240x64xf32, #tpu.memory_space<hbm>> -> memref<640x64xf32, #tpu.memory_space<hbm>>
        %dma_wait3A_45 = arith.constant 0 : i32
        %dma_wait3A_46 = tpu.memref_slice %arg7[%mul3A_40, %dma_wait3A_45] : memref<10240x64xf32, #tpu.memory_space<hbm>> -> memref<640x64xf32, #tpu.memory_space<hbm>>
        tpu.wait_dma2 semaphore(%run_scoped3A : memref<!tpu.dma_semaphore, #tpu.memory_space<semaphore_mem>>) src(%arg14 : memref<640x64xf32, #tpu.memory_space<vmem>>) dst(%dma_wait3A_46 : memref<640x64xf32, #tpu.memory_space<hbm>>)
        tpu.yield
      }) : () -> ()
    } else {
    }
    %eq3A_34 = arith.constant 1 : i32
    %eq3A_35 = arith.cmpi eq, %arg0, %eq3A_34 : i32
    %convert_element_type3A_36 = arith.extui %eq3A_35 : i1 to i32
    %cond3A_37 = arith.constant 0 : i32
    %cond3A_38 = arith.cmpi ne, %convert_element_type3A_36, %cond3A_37 : i32
    scf.if %cond3A_38 {
      %mul3A_39 = arith.constant 640 : i32
      %mul3A_40 = arith.muli %arg1, %mul3A_39 : i32
      "tpu.region"() ({
        %run_scoped3A = tpu.sem_alloc : memref<!tpu.dma_semaphore, #tpu.memory_space<semaphore_mem>>
        %dma_start3A = arith.constant 0 : i32
        %dma_start3A_41 = tpu.memref_slice %arg8[%mul3A_40, %dma_start3A] : memref<10240x64xf32, #tpu.memory_space<hbm>> -> memref<640x64xf32, #tpu.memory_space<hbm>>
        %dma_start3A_42 = arith.constant 0 : i32
        %dma_start3A_43 = tpu.memref_slice %arg8[%mul3A_40, %dma_start3A_42] : memref<10240x64xf32, #tpu.memory_space<hbm>> -> memref<640x64xf32, #tpu.memory_space<hbm>>
        tpu.enqueue_dma source(%arg14 : memref<640x64xf32, #tpu.memory_space<vmem>>) target(%dma_start3A_43 : memref<640x64xf32, #tpu.memory_space<hbm>>) target_semaphore(%run_scoped3A : memref<!tpu.dma_semaphore, #tpu.memory_space<semaphore_mem>>)
        %dma_wait3A = arith.constant 0 : i32
        %dma_wait3A_44 = tpu.memref_slice %arg8[%mul3A_40, %dma_wait3A] : memref<10240x64xf32, #tpu.memory_space<hbm>> -> memref<640x64xf32, #tpu.memory_space<hbm>>
        %dma_wait3A_45 = arith.constant 0 : i32
        %dma_wait3A_46 = tpu.memref_slice %arg8[%mul3A_40, %dma_wait3A_45] : memref<10240x64xf32, #tpu.memory_space<hbm>> -> memref<640x64xf32, #tpu.memory_space<hbm>>
        tpu.wait_dma2 semaphore(%run_scoped3A : memref<!tpu.dma_semaphore, #tpu.memory_space<semaphore_mem>>) src(%arg14 : memref<640x64xf32, #tpu.memory_space<vmem>>) dst(%dma_wait3A_46 : memref<640x64xf32, #tpu.memory_space<hbm>>)
        tpu.yield
      }) : () -> ()
    } else {
    }
    return
  }
}

module attributes {stable_mosaic.version = 14 : i64} {
  func.func @_tc1_body(%arg0: i32, %arg1: memref<2048x128xf32, #tpu.memory_space<vmem>>, %arg2: memref<128x64xf32, #tpu.memory_space<vmem>>, %arg3: memref<64x16xf32, #tpu.memory_space<vmem>>, %arg4: memref<64x16xf32, #tpu.memory_space<vmem>>, %arg5: memref<2048x64xf32, #tpu.memory_space<vmem>>, %arg6: memref<2048x16xf32, #tpu.memory_space<vmem>>, %arg7: memref<2048x16xf32, #tpu.memory_space<vmem>>) attributes {dimension_semantics = [#tpu.dimension_semantics<arbitrary>], iteration_bounds = array<i64: 5>, scalar_prefetch = 0 : i64, scratch_operands = 0 : i64, tpu.core_type = #tpu.core_type<tc>, window_params = [{transform_indices = @transform_0, window_bounds = array<i64: 2048, 128>}, {pipeline_mode = #tpu.pipeline_mode<synchronous>, transform_indices = @transform_1, window_bounds = array<i64: 128, 64>}, {pipeline_mode = #tpu.pipeline_mode<synchronous>, transform_indices = @transform_2, window_bounds = array<i64: 64, 16>}, {pipeline_mode = #tpu.pipeline_mode<synchronous>, transform_indices = @transform_3, window_bounds = array<i64: 64, 16>}, {transform_indices = @transform_4, window_bounds = array<i64: 2048, 64>}, {transform_indices = @transform_5, window_bounds = array<i64: 2048, 16>}, {transform_indices = @transform_6, window_bounds = array<i64: 2048, 16>}]} {
    %get3A = arith.constant 0 : index
    %get3A_0 = arith.constant 0 : index
    %get3A_1 = vector.load %arg1[%get3A, %get3A_0] : memref<2048x128xf32, #tpu.memory_space<vmem>>, vector<2048x128xf32>
    %get3A_2 = arith.constant 0 : index
    %get3A_3 = arith.constant 0 : index
    %get3A_4 = vector.load %arg2[%get3A_2, %get3A_3] : memref<128x64xf32, #tpu.memory_space<vmem>>, vector<128x64xf32>
    %dot_general3A = arith.constant dense<0.000000e+00> : vector<2048x64xf32>
    %dot_general3A_5 = tpu.matmul %get3A_1, %get3A_4, %dot_general3A {dimension_numbers = #tpu.dot_dimension_numbers<[1], [0], [0], [1], [0, 0, 1, 1], [], []>, transpose_lhs_hint = false} : vector<2048x128xf32>, vector<128x64xf32>, vector<2048x64xf32> -> vector<2048x64xf32>
    %swap3A = arith.constant 0 : index
    %swap3A_6 = arith.constant 0 : index
    %swap3A_7 = vector.load %arg5[%swap3A, %swap3A_6] : memref<2048x64xf32, #tpu.memory_space<vmem>>, vector<2048x64xf32>
    tpu.vector_store %arg5[%swap3A, %swap3A_6], %dot_general3A_5 {strides = array<i32>} : memref<2048x64xf32, #tpu.memory_space<vmem>>, vector<2048x64xf32>,
    %get3A_8 = arith.constant 0 : index
    %get3A_9 = arith.constant 0 : index
    %get3A_10 = vector.load %arg3[%get3A_8, %get3A_9] : memref<64x16xf32, #tpu.memory_space<vmem>>, vector<64x16xf32>
    %dot_general3A_11 = arith.constant dense<0.000000e+00> : vector<2048x16xf32>
    %dot_general3A_12 = tpu.matmul %dot_general3A_5, %get3A_10, %dot_general3A_11 {dimension_numbers = #tpu.dot_dimension_numbers<[1], [0], [0], [1], [0, 0, 1, 1], [], []>, transpose_lhs_hint = false} : vector<2048x64xf32>, vector<64x16xf32>, vector<2048x16xf32> -> vector<2048x16xf32>
    %swap3A_13 = arith.constant 0 : index
    %swap3A_14 = arith.constant 0 : index
    %swap3A_15 = vector.load %arg6[%swap3A_13, %swap3A_14] : memref<2048x16xf32, #tpu.memory_space<vmem>>, vector<2048x16xf32>
    tpu.vector_store %arg6[%swap3A_13, %swap3A_14], %dot_general3A_12 {strides = array<i32>} : memref<2048x16xf32, #tpu.memory_space<vmem>>, vector<2048x16xf32>,
    %get3A_16 = arith.constant 0 : index
    %get3A_17 = arith.constant 0 : index
    %get3A_18 = vector.load %arg4[%get3A_16, %get3A_17] : memref<64x16xf32, #tpu.memory_space<vmem>>, vector<64x16xf32>
    %dot_general3A_19 = arith.constant dense<0.000000e+00> : vector<2048x16xf32>
    %dot_general3A_20 = tpu.matmul %dot_general3A_5, %get3A_18, %dot_general3A_19 {dimension_numbers = #tpu.dot_dimension_numbers<[1], [0], [0], [1], [0, 0, 1, 1], [], []>, transpose_lhs_hint = false} : vector<2048x64xf32>, vector<64x16xf32>, vector<2048x16xf32> -> vector<2048x16xf32>
    %swap3A_21 = arith.constant 0 : index
    %swap3A_22 = arith.constant 0 : index
    %swap3A_23 = vector.load %arg7[%swap3A_21, %swap3A_22] : memref<2048x16xf32, #tpu.memory_space<vmem>>, vector<2048x16xf32>
    tpu.vector_store %arg7[%swap3A_21, %swap3A_22], %dot_general3A_20 {strides = array<i32>} : memref<2048x16xf32, #tpu.memory_space<vmem>>, vector<2048x16xf32>,
    return
  }
  func.func @transform_0(%arg0: i32) -> (i32, i32) {
    %c0_i32 = arith.constant 0 : i32
    %c0_i32_0 = arith.constant 0 : i32
    return %arg0, %c0_i32 : i32, i32
  }
  func.func @transform_1(%arg0: i32) -> (i32, i32) {
    %c0_i32 = arith.constant 0 : i32
    %c0_i32_0 = arith.constant 0 : i32
    %c0_i32_1 = arith.constant 0 : i32
    return %c0_i32, %c0_i32_0 : i32, i32
  }
  func.func @transform_2(%arg0: i32) -> (i32, i32) {
    %c0_i32 = arith.constant 0 : i32
    %c0_i32_0 = arith.constant 0 : i32
    %c0_i32_1 = arith.constant 0 : i32
    return %c0_i32, %c0_i32_0 : i32, i32
  }
  func.func @transform_3(%arg0: i32) -> (i32, i32) {
    %c0_i32 = arith.constant 0 : i32
    %c0_i32_0 = arith.constant 0 : i32
    %c0_i32_1 = arith.constant 0 : i32
    return %c0_i32, %c0_i32_0 : i32, i32
  }
  func.func @transform_4(%arg0: i32) -> (i32, i32) {
    %c0_i32 = arith.constant 0 : i32
    %c0_i32_0 = arith.constant 0 : i32
    return %arg0, %c0_i32 : i32, i32
  }
  func.func @transform_5(%arg0: i32) -> (i32, i32) {
    %c0_i32 = arith.constant 0 : i32
    %c0_i32_0 = arith.constant 0 : i32
    return %arg0, %c0_i32 : i32, i32
  }
  func.func @transform_6(%arg0: i32) -> (i32, i32) {
    %c0_i32 = arith.constant 0 : i32
    %c0_i32_0 = arith.constant 0 : i32
    return %arg0, %c0_i32 : i32, i32
  }
}

module attributes {stable_mosaic.version = 14 : i64} {
  func.func @_tcr_body(%arg0: i32, %arg1: memref<2048x16xf32, #tpu.memory_space<vmem>>, %arg2: memref<2048x16xf32, #tpu.memory_space<vmem>>, %arg3: memref<2048x16xf32, #tpu.memory_space<vmem>>) attributes {dimension_semantics = [#tpu.dimension_semantics<arbitrary>], iteration_bounds = array<i64: 5>, scalar_prefetch = 0 : i64, scratch_operands = 0 : i64, tpu.core_type = #tpu.core_type<tc>, window_params = [{transform_indices = @transform_0, window_bounds = array<i64: 2048, 16>}, {transform_indices = @transform_1, window_bounds = array<i64: 2048, 16>}, {transform_indices = @transform_2, window_bounds = array<i64: 2048, 16>}]} {
    %get3A = arith.constant 0 : index
    %get3A_0 = arith.constant 0 : index
    %get3A_1 = vector.load %arg1[%get3A, %get3A_0] : memref<2048x16xf32, #tpu.memory_space<vmem>>, vector<2048x16xf32>
    %get3A_2 = arith.constant 0 : index
    %get3A_3 = arith.constant 0 : index
    %get3A_4 = vector.load %arg2[%get3A_2, %get3A_3] : memref<2048x16xf32, #tpu.memory_space<vmem>>, vector<2048x16xf32>
    %add3A = arith.addf %get3A_1, %get3A_4 : vector<2048x16xf32>
    %add3A_5 = arith.constant 1.000000e-16 : f32
    %add3A_6 = vector.broadcast %add3A_5 : f32 to vector<2048x16xf32>
    %add3A_7 = arith.addf %add3A, %add3A_6 : vector<2048x16xf32>
    %div3A = arith.constant 1.000000e+00 : f32
    %div3A_8 = vector.broadcast %div3A : f32 to vector<2048x16xf32>
    %div3A_9 = arith.divf %div3A_8, %add3A_7 : vector<2048x16xf32>
    %swap3A = arith.constant 0 : index
    %swap3A_10 = arith.constant 0 : index
    %swap3A_11 = vector.load %arg3[%swap3A, %swap3A_10] : memref<2048x16xf32, #tpu.memory_space<vmem>>, vector<2048x16xf32>
    tpu.vector_store %arg3[%swap3A, %swap3A_10], %div3A_9 {strides = array<i32>} : memref<2048x16xf32, #tpu.memory_space<vmem>>, vector<2048x16xf32>,
    return
  }
  func.func @transform_0(%arg0: i32) -> (i32, i32) {
    %c0_i32 = arith.constant 0 : i32
    %c0_i32_0 = arith.constant 0 : i32
    return %arg0, %c0_i32 : i32, i32
  }
  func.func @transform_1(%arg0: i32) -> (i32, i32) {
    %c0_i32 = arith.constant 0 : i32
    %c0_i32_0 = arith.constant 0 : i32
    return %arg0, %c0_i32 : i32, i32
  }
  func.func @transform_2(%arg0: i32) -> (i32, i32) {
    %c0_i32 = arith.constant 0 : i32
    %c0_i32_0 = arith.constant 0 : i32
    return %arg0, %c0_i32 : i32, i32
  }
}

module attributes {stable_mosaic.version = 14 : i64} {
  func.func @_tc2_body(%arg0: i32, %arg1: memref<2048x64xf32, #tpu.memory_space<vmem>>, %arg2: memref<2048x64xf32, #tpu.memory_space<vmem>>, %arg3: memref<1x64xf32, #tpu.memory_space<vmem>>, %arg4: memref<64x48xf32, #tpu.memory_space<vmem>>, %arg5: memref<48x1xf32, #tpu.memory_space<vmem>>, %arg6: memref<48x1xf32, #tpu.memory_space<vmem>>, %arg7: memref<2048x48xf32, #tpu.memory_space<vmem>>, %arg8: memref<2048x1xf32, #tpu.memory_space<vmem>>, %arg9: memref<2048x1xf32, #tpu.memory_space<vmem>>) attributes {dimension_semantics = [#tpu.dimension_semantics<arbitrary>], iteration_bounds = array<i64: 5>, scalar_prefetch = 0 : i64, scratch_operands = 0 : i64, tpu.core_type = #tpu.core_type<tc>, window_params = [{transform_indices = @transform_0, window_bounds = array<i64: 2048, 64>}, {transform_indices = @transform_1, window_bounds = array<i64: 2048, 64>}, {pipeline_mode = #tpu.pipeline_mode<synchronous>, transform_indices = @transform_2, window_bounds = array<i64: 1, 64>}, {pipeline_mode = #tpu.pipeline_mode<synchronous>, transform_indices = @transform_3, window_bounds = array<i64: 64, 48>}, {pipeline_mode = #tpu.pipeline_mode<synchronous>, transform_indices = @transform_4, window_bounds = array<i64: 48, 1>}, {pipeline_mode = #tpu.pipeline_mode<synchronous>, transform_indices = @transform_5, window_bounds = array<i64: 48, 1>}, {transform_indices = @transform_6, window_bounds = array<i64: 2048, 48>}, {transform_indices = @transform_7, window_bounds = array<i64: 2048, 1>}, {transform_indices = @transform_8, window_bounds = array<i64: 2048, 1>}]} {
    %get3A = arith.constant 0 : index
    %get3A_0 = arith.constant 0 : index
    %get3A_1 = vector.load %arg1[%get3A, %get3A_0] : memref<2048x64xf32, #tpu.memory_space<vmem>>, vector<2048x64xf32>
    %get3A_2 = arith.constant 0 : index
    %get3A_3 = arith.constant 0 : index
    %get3A_4 = vector.load %arg2[%get3A_2, %get3A_3] : memref<2048x64xf32, #tpu.memory_space<vmem>>, vector<2048x64xf32>
    %add3A = arith.addf %get3A_1, %get3A_4 : vector<2048x64xf32>
    %get3A_5 = arith.constant 0 : index
    %get3A_6 = arith.constant 0 : index
    %get3A_7 = vector.load %arg3[%get3A_5, %get3A_6] : memref<1x64xf32, #tpu.memory_space<vmem>>, vector<1x64xf32>
    %add3A_8 = vector.broadcast %get3A_7 : vector<1x64xf32> to vector<2048x64xf32>
    %add3A_9 = arith.addf %add3A, %add3A_8 : vector<2048x64xf32>
    %gt3A = arith.constant 0.000000e+00 : f32
    %gt3A_10 = vector.broadcast %gt3A : f32 to vector<2048x64xf32>
    %gt3A_11 = arith.cmpf ogt, %add3A_9, %gt3A_10 : vector<2048x64xf32>
    %exp3A = math.exp %add3A_9 : vector<2048x64xf32>
    %sub3A = arith.constant 1.000000e+00 : f32
    %sub3A_12 = vector.broadcast %sub3A : f32 to vector<2048x64xf32>
    %sub3A_13 = arith.subf %exp3A, %sub3A_12 : vector<2048x64xf32>
    %select_n3A = arith.select %gt3A_11, %add3A_9, %sub3A_13 : vector<2048x64xi1>, vector<2048x64xf32>
    %get3A_14 = arith.constant 0 : index
    %get3A_15 = arith.constant 0 : index
    %get3A_16 = vector.load %arg4[%get3A_14, %get3A_15] : memref<64x48xf32, #tpu.memory_space<vmem>>, vector<64x48xf32>
    %dot_general3A = arith.constant dense<0.000000e+00> : vector<2048x48xf32>
    %dot_general3A_17 = tpu.matmul %select_n3A, %get3A_16, %dot_general3A {dimension_numbers = #tpu.dot_dimension_numbers<[1], [0], [0], [1], [0, 0, 1, 1], [], []>, transpose_lhs_hint = false} : vector<2048x64xf32>, vector<64x48xf32>, vector<2048x48xf32> -> vector<2048x48xf32>
    %swap3A = arith.constant 0 : index
    %swap3A_18 = arith.constant 0 : index
    %swap3A_19 = vector.load %arg7[%swap3A, %swap3A_18] : memref<2048x48xf32, #tpu.memory_space<vmem>>, vector<2048x48xf32>
    tpu.vector_store %arg7[%swap3A, %swap3A_18], %dot_general3A_17 {strides = array<i32>} : memref<2048x48xf32, #tpu.memory_space<vmem>>, vector<2048x48xf32>,
    %get3A_20 = arith.constant 0 : index
    %get3A_21 = arith.constant 0 : index
    %get3A_22 = vector.load %arg5[%get3A_20, %get3A_21] : memref<48x1xf32, #tpu.memory_space<vmem>>, vector<48x1xf32>
    %dot_general3A_23 = arith.constant dense<0.000000e+00> : vector<2048x1xf32>
    %dot_general3A_24 = tpu.matmul %dot_general3A_17, %get3A_22, %dot_general3A_23 {dimension_numbers = #tpu.dot_dimension_numbers<[1], [0], [0], [1], [0, 0, 1, 1], [], []>, transpose_lhs_hint = false} : vector<2048x48xf32>, vector<48x1xf32>, vector<2048x1xf32> -> vector<2048x1xf32>
    %swap3A_25 = arith.constant 0 : index
    %swap3A_26 = arith.constant 0 : index
    %swap3A_27 = vector.load %arg8[%swap3A_25, %swap3A_26] : memref<2048x1xf32, #tpu.memory_space<vmem>>, vector<2048x1xf32>
    tpu.vector_store %arg8[%swap3A_25, %swap3A_26], %dot_general3A_24 {strides = array<i32>} : memref<2048x1xf32, #tpu.memory_space<vmem>>, vector<2048x1xf32>,
    %get3A_28 = arith.constant 0 : index
    %get3A_29 = arith.constant 0 : index
    %get3A_30 = vector.load %arg6[%get3A_28, %get3A_29] : memref<48x1xf32, #tpu.memory_space<vmem>>, vector<48x1xf32>
    %dot_general3A_31 = arith.constant dense<0.000000e+00> : vector<2048x1xf32>
    %dot_general3A_32 = tpu.matmul %dot_general3A_17, %get3A_30, %dot_general3A_31 {dimension_numbers = #tpu.dot_dimension_numbers<[1], [0], [0], [1], [0, 0, 1, 1], [], []>, transpose_lhs_hint = false} : vector<2048x48xf32>, vector<48x1xf32>, vector<2048x1xf32> -> vector<2048x1xf32>
    %swap3A_33 = arith.constant 0 : index
    %swap3A_34 = arith.constant 0 : index
    %swap3A_35 = vector.load %arg9[%swap3A_33, %swap3A_34] : memref<2048x1xf32, #tpu.memory_space<vmem>>, vector<2048x1xf32>
    tpu.vector_store %arg9[%swap3A_33, %swap3A_34], %dot_general3A_32 {strides = array<i32>} : memref<2048x1xf32, #tpu.memory_space<vmem>>, vector<2048x1xf32>,
    return
  }
  func.func @transform_0(%arg0: i32) -> (i32, i32) {
    %c0_i32 = arith.constant 0 : i32
    %c0_i32_0 = arith.constant 0 : i32
    return %arg0, %c0_i32 : i32, i32
  }
  func.func @transform_1(%arg0: i32) -> (i32, i32) {
    %c0_i32 = arith.constant 0 : i32
    %c0_i32_0 = arith.constant 0 : i32
    return %arg0, %c0_i32 : i32, i32
  }
  func.func @transform_2(%arg0: i32) -> (i32, i32) {
    %c0_i32 = arith.constant 0 : i32
    %c0_i32_0 = arith.constant 0 : i32
    %c0_i32_1 = arith.constant 0 : i32
    return %c0_i32, %c0_i32_0 : i32, i32
  }
  func.func @transform_3(%arg0: i32) -> (i32, i32) {
    %c0_i32 = arith.constant 0 : i32
    %c0_i32_0 = arith.constant 0 : i32
    %c0_i32_1 = arith.constant 0 : i32
    return %c0_i32, %c0_i32_0 : i32, i32
  }
  func.func @transform_4(%arg0: i32) -> (i32, i32) {
    %c0_i32 = arith.constant 0 : i32
    %c0_i32_0 = arith.constant 0 : i32
    %c0_i32_1 = arith.constant 0 : i32
    return %c0_i32, %c0_i32_0 : i32, i32
  }
  func.func @transform_5(%arg0: i32) -> (i32, i32) {
    %c0_i32 = arith.constant 0 : i32
    %c0_i32_0 = arith.constant 0 : i32
    %c0_i32_1 = arith.constant 0 : i32
    return %c0_i32, %c0_i32_0 : i32, i32
  }
  func.func @transform_6(%arg0: i32) -> (i32, i32) {
    %c0_i32 = arith.constant 0 : i32
    %c0_i32_0 = arith.constant 0 : i32
    return %arg0, %c0_i32 : i32, i32
  }
  func.func @transform_7(%arg0: i32) -> (i32, i32) {
    %c0_i32 = arith.constant 0 : i32
    %c0_i32_0 = arith.constant 0 : i32
    return %arg0, %c0_i32 : i32, i32
  }
  func.func @transform_8(%arg0: i32) -> (i32, i32) {
    %c0_i32 = arith.constant 0 : i32
    %c0_i32_0 = arith.constant 0 : i32
    return %arg0, %c0_i32 : i32, i32
  }
}

module attributes {stable_mosaic.version = 14 : i64} {
  func.func @_tc3_body(%arg0: i32, %arg1: memref<2048x48xf32, #tpu.memory_space<vmem>>, %arg2: memref<2048x48xf32, #tpu.memory_space<vmem>>, %arg3: memref<1x40xf32, #tpu.memory_space<vmem>>, %arg4: memref<2048x40xf32, #tpu.memory_space<vmem>>) attributes {dimension_semantics = [#tpu.dimension_semantics<arbitrary>], iteration_bounds = array<i64: 5>, scalar_prefetch = 0 : i64, scratch_operands = 0 : i64, tpu.core_type = #tpu.core_type<tc>, window_params = [{transform_indices = @transform_0, window_bounds = array<i64: 2048, 48>}, {transform_indices = @transform_1, window_bounds = array<i64: 2048, 48>}, {pipeline_mode = #tpu.pipeline_mode<synchronous>, transform_indices = @transform_2, window_bounds = array<i64: 1, 40>}, {transform_indices = @transform_3, window_bounds = array<i64: 2048, 40>}]} {
    %get3A = arith.constant 0 : index
    %get3A_0 = arith.constant 0 : index
    %get3A_1 = vector.load %arg1[%get3A, %get3A_0] : memref<2048x48xf32, #tpu.memory_space<vmem>>, vector<2048x48xf32>
    %get3A_2 = arith.constant 0 : index
    %get3A_3 = arith.constant 0 : index
    %get3A_4 = vector.load %arg2[%get3A_2, %get3A_3] : memref<2048x48xf32, #tpu.memory_space<vmem>>, vector<2048x48xf32>
    %add3A = arith.addf %get3A_1, %get3A_4 : vector<2048x48xf32>
    %slice3A = vector.extract_strided_slice %add3A {offsets = [0, 0], sizes = [2048, 40], strides = [1, 1]} : vector<2048x48xf32> to vector<2048x40xf32>
    %get3A_5 = arith.constant 0 : index
    %get3A_6 = arith.constant 0 : index
    %get3A_7 = vector.load %arg3[%get3A_5, %get3A_6] : memref<1x40xf32, #tpu.memory_space<vmem>>, vector<1x40xf32>
    %add3A_8 = vector.broadcast %get3A_7 : vector<1x40xf32> to vector<2048x40xf32>
    %add3A_9 = arith.addf %slice3A, %add3A_8 : vector<2048x40xf32>
    %swap3A = arith.constant 0 : index
    %swap3A_10 = arith.constant 0 : index
    %swap3A_11 = vector.load %arg4[%swap3A, %swap3A_10] : memref<2048x40xf32, #tpu.memory_space<vmem>>, vector<2048x40xf32>
    tpu.vector_store %arg4[%swap3A, %swap3A_10], %add3A_9 {strides = array<i32>} : memref<2048x40xf32, #tpu.memory_space<vmem>>, vector<2048x40xf32>,
    return
  }
  func.func @transform_0(%arg0: i32) -> (i32, i32) {
    %c0_i32 = arith.constant 0 : i32
    %c0_i32_0 = arith.constant 0 : i32
    return %arg0, %c0_i32 : i32, i32
  }
  func.func @transform_1(%arg0: i32) -> (i32, i32) {
    %c0_i32 = arith.constant 0 : i32
    %c0_i32_0 = arith.constant 0 : i32
    return %arg0, %c0_i32 : i32, i32
  }
  func.func @transform_2(%arg0: i32) -> (i32, i32) {
    %c0_i32 = arith.constant 0 : i32
    %c0_i32_0 = arith.constant 0 : i32
    %c0_i32_1 = arith.constant 0 : i32
    return %c0_i32, %c0_i32_0 : i32, i32
  }
  func.func @transform_3(%arg0: i32) -> (i32, i32) {
    %c0_i32 = arith.constant 0 : i32
    %c0_i32_0 = arith.constant 0 : i32
    return %arg0, %c0_i32 : i32, i32
  }
}

</mosaic_0001>

<sc_bundles>
// kernel: kernel.11.cloned.1.call-start
scs
__scs_entry_jumppad:
0x0: {  	(pc) =	sbr.rel $0x88, $3  }
0x1: {  	(tag) =	ssettag $0x0;
	lr =	simm.s32 $0x1  }
0x2: {  	[smem:$0x3F97] =	sst lr;
	_ =	strace $0xD0000000  }
0x3: {  	_ = 	snop  }
0x4: {  	_ = 	snop  }
0x5: {  	_ = 	snop  }
0x6: {  	_ = 	snop  }
0x7: {  	_ = 	snop  }
__scs_overlays_trampoline_lowered:
0x8: {  	[smem:$0x3FA6] =	sst s0  }
0x9: {  	[smem:$0x3FA7] =	sst s1  }
0xa: {  	[smem:$0x3FA8] =	sst s2  }
0xb: {  	[smem:$0x3FA9] =	sst s3  }
0xc: {  	[smem:$0x3FAA] =	sst s4  }
0xd: {  	[smem:$0x3FAB] =	sst s5  }
0xe: {  	[smem:$0x3FAC] =	sst s6  }
0xf: {  	[smem:$0x3FAD] =	sst s7  }
0x10: {  	[smem:$0x3FAE] =	sst s8  }
0x11: {  	[smem:$0x3FAF] =	sst s9;
	s0 =	simm.s32 @!p0 $0x0  }
0x12: {  	s1 =	sld [smem:$0x3F95];
	s0 =	simm.s32 @p0 $0x1  }
0x13: {  	[smem:$0x3FB0] =	sst s0;
	s0 =	simm.s32 @!p1 $0x0  }
0x14: {  	s2 =	sld [smem:$0x3F94];
	s0 =	simm.s32 @p1 $0x1  }
0x15: {  	[smem:$0x3FB1] =	sst s0;
	s0 =	simm.s32 @!p2 $0x0  }
0x16: {  	s3 =	sld [smem:$0x3FDB];
	s0 =	simm.s32 @p2 $0x1  }
0x17: {  	s4 =	simm.s32 $0x1BF5;
	[smem:$0x3FB3] =	sst s0  }
0x18: {  	s0 =	sld [smem:$0x3F96];
	_ =	swait.ge [sflag:s4], $0x0  }
0x19: {  	s7 =	sld [smem:$0x3F97]  }
0x1a: {  	s8 =	sadd.s32 $0xFFFFE003, lr  }
0x1b: {  	s9 =	sadd.s32 $0xFFFFFEF7, lr;
	s5 =	simm.s32 $0xFFFFFFFF;
	p2 =	slt.u32 s8, $0xFFFFF086  }
0x1c: {  	p1 =	slt.u32 s9, $0xF7A;
	s5 =	simm.s32 @!p2 $0x0  }
0x1d: {  	s5 =	simm.s32 @p1 $0x1;
	p0 =	seq.s32 s7, s2  }
0x1e: {  	s7 =	smul.u32 @!p0 $0xF7A, s2;
	p2 =	seq.s32 @!p0 s5, $0x0  }
0x1f: {  	s9 =	smul.u32 $0xF7A, s1;
	s8 =	simm.s32 @!p0 $0x1BF5;
	p2 =	por !p2, p0  }
0x20: {  	[sflag:s8] =	ssyncset.s32 @!p0 $0xFFFFF086;
	s6 =	sadd.s32 @!p0 s3, s7;
	s7 =	simm.s32 @!p0 $0x108  }
0x21: {  	s3 =	sadd.s32 s3, s9;
	s6 =	sadd.s32 @!p0 $0x88, s6;
	s7 =	simm.s32 @p2 $0x1082  }
0x22: {  	[simem:s7], [sflag:s8] =	dma.local @!p0 [hbm:s6], $0xF7A  }
0x23: {  	s9 =	sor.u32 $0xD0000000, s2;
	s6 =	simm.s32 $0x108;
	_ =	swait.ge @!p0 [sflag:s8], $0x0  }
0x24: {  	s3 =	sadd.s32 $0x88, s3;
	s6 =	simm.s32 @!p1 $0x1082;
	[sflag:s4] =	ssyncset.s32 $0xFFFFF086  }
0x25: {  	[simem:s6], [sflag:s4] =	dma.local [hbm:s3], $0xF7A  }
0x26: {  	[smem:$0x3F97] =	sst s1;
	(tag) =	ssettag s2;
	_ =	strace s9  }
0x27: {  	s1 =	sld [smem:$0x3FA7]  }
0x28: {  	s2 =	sld [smem:$0x3FA8]  }
0x29: {  	s4 =	sld [smem:$0x3FAA]  }
0x2a: {  	p0 =	seq.s32 s5, $0x0;
	s5 =	sld [smem:$0x3FAB]  }
0x2b: {  	s6 =	sld [smem:$0x3FAC]  }
0x2c: {  	s7 =	sld [smem:$0x3FAD]  }
0x2d: {  	s3 =	simm.s32 $0x108;
	s8 =	sld [smem:$0x3FAE]  }
0x2e: {  	s3 =	simm.s32 @!p0 $0x1082;
	s9 =	sld [smem:$0x3FAF]  }
0x2f: {  	lr =	sadd.s32 s0, s3;
	s0 =	sld [smem:$0x3FA6]  }
0x30: {  	s3 =	sld [smem:$0x3FA9]  }
0x31: {  	[smem:$0x3FB2] =	sst s10  }
0x32: {  	s10 =	sld [smem:$0x3FB0];
	_ =	sdelay $0x3  }
0x33: {  	p0 =	seq.s32 s10, $0x1;
	s10 =	sld [smem:$0x3FB2];
	_ =	sdelay $0x3  }
0x34: {  	[smem:$0x3FB2] =	sst s10  }
0x35: {  	s10 =	sld [smem:$0x3FB1];
	_ =	sdelay $0x3  }
0x36: {  	p1 =	seq.s32 s10, $0x1;
	s10 =	sld [smem:$0x3FB2];
	_ =	sdelay $0x3  }
0x37: {  	[smem:$0x3FB2] =	sst s10  }
0x38: {  	s10 =	sld [smem:$0x3FB3]  }
0x39: {  	_ = 	snop;
	(pc) =	sbr.ind lr, $3  }
0x3a: {  	_ = 	snop  }
0x3b: {  	_ = 	snop  }
0x3c: {  	p2 =	seq.s32 s10, $0x1;
	s10 =	sld [smem:$0x3FB2]  }
0x3d: {  	_ =	shalt  }
0x3e: {  	_ =	shalt  }
0x3f: {  	_ =	shalt  }
0x40: {  	_ =	shalt  }
0x41: {  	_ =	shalt  }
0x42: {  	_ =	shalt  }
0x43: {  	_ =	shalt  }
0x44: {  	_ =	shalt  }
0x45: {  	_ =	shalt  }
0x46: {  	_ =	shalt  }
0x47: {  	_ =	shalt  }
0x48: {  	_ =	shalt  }
0x49: {  	_ =	shalt  }
0x4a: {  	_ =	shalt  }
0x4b: {  	_ =	shalt  }
0x4c: {  	_ =	shalt  }
0x4d: {  	_ =	shalt  }
0x4e: {  	_ =	shalt  }
0x4f: {  	_ =	shalt  }
0x50: {  	_ =	shalt  }
0x51: {  	_ =	shalt  }
0x52: {  	_ =	shalt  }
0x53: {  	_ =	shalt  }
0x54: {  	_ =	shalt  }
0x55: {  	_ =	shalt  }
0x56: {  	_ =	shalt  }
0x57: {  	_ =	shalt  }
0x58: {  	_ =	shalt  }
0x59: {  	_ =	shalt  }
0x5a: {  	_ =	shalt  }
0x5b: {  	_ =	shalt  }
0x5c: {  	_ =	shalt  }
0x5d: {  	_ =	shalt  }
0x5e: {  	_ =	shalt  }
0x5f: {  	_ =	shalt  }
0x60: {  	_ =	shalt  }
0x61: {  	_ =	shalt  }
0x62: {  	_ =	shalt  }
0x63: {  	_ =	shalt  }
0x64: {  	_ =	shalt  }
0x65: {  	_ =	shalt  }
0x66: {  	_ =	shalt  }
0x67: {  	_ =	shalt  }
0x68: {  	_ =	shalt  }
0x69: {  	_ =	shalt  }
0x6a: {  	_ =	shalt  }
0x6b: {  	_ =	shalt  }
0x6c: {  	_ =	shalt  }
0x6d: {  	_ =	shalt  }
0x6e: {  	_ =	shalt  }
0x6f: {  	_ =	shalt  }
0x70: {  	_ =	shalt  }
0x71: {  	_ =	shalt  }
0x72: {  	_ =	shalt  }
0x73: {  	_ =	shalt  }
0x74: {  	_ =	shalt  }
0x75: {  	_ =	shalt  }
0x76: {  	_ =	shalt  }
0x77: {  	_ =	shalt  }
0x78: {  	_ =	shalt  }
0x79: {  	_ =	shalt  }
0x7a: {  	_ =	shalt  }
0x7b: {  	_ =	shalt  }
0x7c: {  	_ =	shalt  }
0x7d: {  	_ =	shalt  }
0x7e: {  	_ =	shalt  }
0x7f: {  	_ =	shalt  }
0x80: {  	_ =	shalt  }
0x81: {  	_ =	shalt  }
0x82: {  	_ =	shalt  }
0x83: {  	_ =	shalt  }
0x84: {  	_ =	shalt  }
0x85: {  	_ =	shalt  }
0x86: {  	_ =	shalt  }
0x87: {  	_ =	shalt  }
.Lfunc_end0:
.L_simem_size_0:
called_computation_lowered:
.L_overlay_start_0:
0x88: {  	s2 =	sld [smem:$0x3FD9]  }
0x89: {  	s3 =	sld [smem:$0x3FFE];
	_ =	sdelay $0x1  }
0x8a: {  	s1 =	srdreg.scid  }
0x8b: {  	s0 =	sand.u32 $0x1, s1  }
0x8c: {  	s17 =	sshll.u32 s0, $0xA;
	s2 =	sadd.s32 s3, s2  }
0x8d: {  	s2 =	sadd.s32 s2, s17  }
0x8e: {  	[smem:$0x3FBE] =	sst s2  }
0x8f: {  	_ = 	snop  }
0x90: {  	s2 =	sld [smem:$0x3FD0];
	(tm) =	ssettm $0x1  }
0x91: {  	s18 =	sld [smem:$0x3FFB];
	_ =	sdelay $0x3  }
0x92: {  	_ =	strace s18  }
0x93: {  	s3 =	sld [smem:$0x3FFC];
	_ =	sdelay $0x3  }
0x94: {  	_ =	strace s3  }
0x95: {  	s3 =	sld [smem:$0x3FFD];
	_ =	sdelay $0x3  }
0x96: {  	_ =	strace s3  }
0x97: {  	_ =	strace $0x8FFFFFFF  }
0x98: {  	s19 =	sld [smem:$0x3FDB];
	_ =	sdelay $0x1  }
0x99: {  	s4 =	simm.s32 $_scs_section_size  }
0x9a: {  	s5 =	simm.s32 $_size__tile_overlayer_lowered;
	s6 =	simm.s32 $_tile_overlayer_lowered  }
0x9b: {  	s22 =	simm.s32 $0x1BFF;
	s21 =	sshll.u32 s6, $0x1;
	s3 =	sadd.s32 s4, s19  }
0x9c: {  	s7 =	simm.s32 $0x0;
	s20 =	sshll.u32 s5, $0x1;
	s5 =	sadd.s32 s21, s3  }
0x9d: {  	[timem:s7], [sflag:s22] =	dma.local [hbm:s5], s20  }
0x9e: {  	_ =	swait.ge [sflag:s22], s20  }
0x9f: {  	s4 =	ssub.s32 $0x0, s20;
	[sflag:s22] =	ssyncset.done $0x0  }
0xa0: {  	[sflag:s22] =	ssyncadd.s32 s4;
	_ =	sdelay $0x1  }
0xa1: {  	s23 =	simm.s32 $0x1B8B  }
0xa2: {  	_ =	swait.ge [sflag:s23], $0x1  }
0xa3: {  	[sflag:s23] =	ssyncset.done $0x0  }
0xa4: {  	s25 =	simm.s32 $0x1B8E;
	s24 =	sld [smem:$0x3FFE];
	[sflag:s23] =	ssyncadd.s32 $0xFFFFFFFF  }
0xa5: {  	s26 =	simm.s32 $execute0_lowered;
	[smem:$0x3FD2] =	sst s25  }
0xa6: {  	s5 =	sshll.u32 s26, $0x1;
	_ =	strace $0x80000046;
	[dreg:$0x1] =	wrdreg $0xFFFFFFFF  }
0xa7: {  	s28 =	simm.s32 $_size_execute0_lowered;
	s3 =	sadd.s32 s3, s5;
	[dreg:$0x0] =	wrdreg $0x0  }
0xa8: {  	s5 =	sshll.u32 s28, $0x1;
	[dreg:$0x2] =	wrdreg s3  }
0xa9: {  	[dreg:$0x3] =	wrdreg s5  }
0xaa: {  	[dreg:$0x4] =	wrdreg $0xC0  }
0xab: {  	_ =	task [dreg:s7], $0x5FFFF  }
0xac: {  	[dreg:$0x1] =	wrdreg $0xFFFFFFFF  }
0xad: {  	[dreg:$0x0] =	wrdreg $0x60  }
0xae: {  	[dreg:$0x2] =	wrdreg s24  }
0xaf: {  	[dreg:$0x3] =	wrdreg s2  }
0xb0: {  	[dreg:$0x4] =	wrdreg $0x41000  }
0xb1: {  	[dreg:$0x5] =	wrdreg $0x9  }
0xb2: {  	_ =	task.clear_ibuf [dreg:s7], $0x6FFFF;
	_ =	strace $0x90000046  }
0xb3: {  	s29 =	simm.s32 $0x9;
	_ =	strace $0x80000048  }
0xb4: {  	_ =	swait.ge [sflag:s29], $0x1  }
0xb5: {  	[sflag:s29] =	ssyncadd.s32 $0xFFFFFFFF  }
0xb6: {  	_ =	strace $0x90000048  }
0xb7: {  	_ =	sfence  }
0xb8: {  	s30 =	sld [smem:$0x0];
	_ =	sdelay $0x2  }
0xb9: {  	s31 =	sshll.u32 s1, $0xD;
	s1 =	sshrl.u32 s1, $0x2  }
0xba: {  	s3 =	sand.u32 $0x4000, s31;
	s1 =	sadd.s32 s1, s30  }
0xbb: {  	s0 =	sor.u32 s3, s0;
	s1 =	sshll.u32 s1, $0x11  }
0xbc: {  	s0 =	sor.u32 s1, s0  }
0xbd: {  	s0 =	sadd.s32 $0x8F2B, s0  }
0xbe: {  	[sflag:s0] =	ssyncadd.remote.s32 $0x1  }
0xbf: {  	_ =	sfence.sel $0xFFFF  }
0xc0: {  	[dreg:$0x0] =	wrdreg $0xFFFFFFFF;
	(pc) =	sbr.abs _section_cstart, $3  }
0xc1: {  	[dreg:$0x1] =	wrdreg $0xFFFFFFFF  }
0xc2: {  	_ =	task.clear_ibuf [dreg:s7], $0x2FFFF;
	_ =	strace $0x9FFFFFFF  }
0xc3: {  	(tm) =	ssettm $0x7FFFFFFF  }
tec
execute0_lowered:
.L_overlay_start_1:
0x0: {  	(tag) =	ssettag $0x1  }
0x1: {  	s12 =	rddreg [dreg:$0x0]  }
0x2: {  	s1 =	rddreg [dreg:$0x1]  }
0x3: {  	s2 =	rddreg [dreg:$0x2]  }
0x4: {  	s0 =	rddreg [dreg:$0x3];
	s3 =	simm.s32 $0x0;
	s4 =	srdreg.scid  }
0x5: {  	s14 =	simm.s32 $0x1A400;
	s15 =	simm.s32 $0x2;
	s16 =	simm.s32 $0x80  }
0x6: {  	s17 =	simm.s32 $0x100;
	s18 =	simm.s32 $0x900;
	s19 =	simm.s32 $0x1100  }
0x7: {  	s20 =	simm.s32 $0x0;
	[smem:$0x7FF] =	sst s3;
	s5 =	sadd.s32 $0x1600, s12  }
0x8: {  	s6 =	sadd.s32 $0xB400, s12;
	s9 =	sand.u32 $0x1, s4;
	s4 =	stileid.u32  }
0x9: {  	s7 =	sadd.s32 $0x10400, s12;
	s8 =	sadd.s32 $0x1F400, s12;
	s13 =	smul.u32 $0x2800, s4  }
.Ltmp0:
0xa: {  	_ =	strace $0x80000047;
	s10 =	ssub.s32 $0x2, s9;
	(pc) =	sbr.rel .LBB2_1-.Ltmp0, $4  }
0xb: {  	p0 =	seq.s32 s9, $0x1;
	s9 =	sshll.u32 s9, $0x4;
	s11 =	sshrl.u32 s10, $0x1  }
0xc: {  	s14 =	simm.s32 @!p0 $0x15400;
	s11 =	ssub.s32 s10, s11;
	s10 =	sadd.s32 s13, s2  }
0xd: {  	s13 =	sshrl.u32 s13, $0x3;
	s12 =	sadd.s32 s14, s12;
	s14 =	simm.s32 $0x1  }
0xe: {  	v0 =	vimm.f32 $0.0e+00;
	s11 =	smax.u32 s11, $0x1;
	s12 =	sadd.s32 s12, s13;
	s13 =	simm.s32 $0x1900  }
.LBB2_9:
0xf: {  	[bflag:$0x0] =	sbarrier.arrive $0xFFFF  }
0x10: {  	[tilespmem:s13], [sflag:$0x1] =	stream.linear.gather [spmem:s10], $0x2800, $0x38;
	[tilespmem:$0x6900] =	vst v63  }
0x11: {  	s20 =	sadd.s32 $0x1, s20;
	_ =	swait.ge [sflag:s14], $0x2800  }
0x12: {  	p0 =	sne.s32 s20, s11;
	[sflag:s14] =	ssyncset.done $0x0  }
.Ltmp1:
0x13: {  	[sflag:s14] =	ssyncadd.s32 $0xFFFFD800;
	(pc) =	sbr.rel @!p0 .LBB2_10-.Ltmp1, $4  }
0x14: {  	[hbm4b:s12+s3] =	stream.linear.scatter [tilespmem:s13], [sflag:$0x1], $0x2800, $0x38;
	[tilespmem:$0x6900] =	vst v63  }
0x15: {  	_ =	swait.ge [sflag:s14], $0x2800  }
0x16: {  	[sflag:s14] =	ssyncset.done $0x0  }
0x17: {  	[sflag:s14] =	ssyncadd.s32 $0xFFFFD800  }
.LBB2_1:
0x18: {  	s21 =	simm.s32 $0x40;
	s22 =	simm.s32 $0x0  }
.LBB2_2:
0x19: {  	p0 =	sne.s32 s21, $0x9FC0;
	[tilespmem:s22+$0x1900] =	vst v0;
	s22 =	smov.u32 s21;
	s21 =	sadd.s32 $0x40, s21  }
.Ltmp2:
0x1a: {  	(pc) =	sbr.rel @p0 .LBB2_2-.Ltmp2, $2  }
0x1b: {  	_ =	sdelay $0x2  }
0x1c: {  	s22 =	sshra.s32 s22, $0x2  }
0x1d: {  	[tilespmem:s22+$0x1900] =	vst v0  }
0x1e: {  	[spmem:s10] =	stream.linear.scatter [tilespmem:s13], [sflag:$0x1], $0x2800, $0x38;
	[tilespmem:$0x6900] =	vst v63  }
.Ltmp3:
0x1f: {  	_ =	swait.ge [sflag:s14], $0x2800;
	(pc) =	sbr.rel .LBB2_4-.Ltmp3, $4  }
0x20: {  	[sflag:s14] =	ssyncset.done $0x0  }
0x21: {  	[sflag:s14] =	ssyncadd.s32 $0xFFFFD800  }
0x22: {  	[bflag:$0x0] =	sbarrier.arrive $0xFFFF  }
0x23: {  	s21 =	simm.s32 $0x0  }
.LBB2_8:
0x24: {  	s21 =	sadd.s32 $0x1, s21  }
0x25: {  	p0 =	sne.s32 s21, $0x4F  }
.Ltmp4:
0x26: {  	_ = 	snop;
	(pc) =	sbr.rel @!p0 .LBB2_9-.Ltmp4, $1  }
0x27: {  	_ =	sdelay $0x3  }
.LBB2_4:
0x28: {  	s22 =	sshll.u32 s21, $0x5  }
0x29: {  	s22 =	sor.u32 s22, s9  }
0x2a: {  	s22 =	sor.u32 s4, s22  }
0x2b: {  	p0 =	sgt.u32 s22, $0x9C3  }
.Ltmp5:
0x2c: {  	_ = 	snop;
	(pc) =	sbr.rel @p0 .LBB2_8-.Ltmp5, $1  }
0x2d: {  	_ =	sdelay $0x3  }
0x2e: {  	s23 =	sshll.u32 s22, $0x4  }
0x2f: {  	s25 =	simm.s32 $0x0;
	s24 =	sadd.s32 s5, s23  }
0x30: {  	[tilespmem:s25], [sflag:$0x2] =	stream.linear.gather [hbm4b:s24+s25], $0x80, $0x38;
	[tilespmem:$0x6900] =	vst v63  }
0x31: {  	_ =	swait.ge [sflag:s15], $0x80  }
0x32: {  	[sflag:s15] =	ssyncset.done $0x0  }
0x33: {  	s23 =	sadd.s32 s1, s23;
	[sflag:s15] =	ssyncadd.s32 $0xFFFFFF80  }
0x34: {  	[tilespmem:s16], [sflag:$0x2] =	stream.linear.gather [hbm4b:s23+s25], $0x80, $0x38;
	[tilespmem:$0x6900] =	vst v63  }
0x35: {  	_ =	swait.ge [sflag:s15], $0x80  }
0x36: {  	[sflag:s15] =	ssyncset.done $0x0  }
0x37: {  	[sflag:s15] =	ssyncadd.s32 $0xFFFFFF80  }
0x38: {  	[tilespmem:s17], [sflag:$0x2] =	stream.indirect.gather [hbm4b:s6+s16], $0x10, s25, s16, $0xb8;
	[tilespmem:$0x6900] =	vst v63  }
0x39: {  	_ =	swait.ge [sflag:s15], $0x800  }
0x3a: {  	[sflag:s15] =	ssyncset.done $0x0  }
0x3b: {  	[sflag:s15] =	ssyncadd.s32 $0xFFFFF800  }
0x3c: {  	[tilespmem:s18], [sflag:$0x2] =	stream.indirect.gather [hbm4b:s7+s16], $0x10, s16, s16, $0xb8;
	[tilespmem:$0x6900] =	vst v63  }
0x3d: {  	_ =	swait.ge [sflag:s15], $0x800  }
0x3e: {  	[sflag:s15] =	ssyncset.done $0x0  }
0x3f: {  	s23 =	simm.s32 $0x0;
	[sflag:s15] =	ssyncadd.s32 $0xFFFFF800  }
0x40: {  	v1 =	vld [tilespmem:s23+$0x100]  }
0x41: {  	v2 =	vld [tilespmem:s23+$0x900];
	_ =	sdelay $0x4  }
0x42: {  	v1 =	vadd.f32 v2, v1;
	_ =	sdelay $0x1  }
0x43: {  	s24 =	simm.s32 $0x10;
	v2 =	vmul.f32 $2.000000030e-01, v1  }
0x44: {  	v3 =	vld [tilespmem:s24+$0x100];
	vm0 =	vge.f32 v1, $0.0e+00  }
0x45: {  	v4 =	vld [tilespmem:s24+$0x900];
	v1 =	vsel vm0, v1, v2  }
0x46: {  	s26 =	simm.s32 $0x20;
	v1 =	vmul.f32 $1.442695020e+00, v1  }
0x47: {  	v2 =	vld [tilespmem:s26+$0x100]  }
0x48: {  	(erf) = vpow2.f32 v1;
	v1 =	vld [tilespmem:s26+$0x900];
	_ =	sdelay $0x1  }
0x49: {  	v3 =	vadd.f32 v4, v3;
	_ =	sdelay $0x1  }
0x4a: {  	v4 =	vmul.f32 $2.000000030e-01, v3  }
0x4b: {  	vm14 =	vge.f32 v3, $0.0e+00;
	v5 =	vadd.f32 v1, v2  }
0x4c: {  	v1 =	vsel vm14, v3, v4  }
0x4d: {  	s25 =	simm.s32 $0x30;
	v2 =	vmul.f32 $1.442695020e+00, v1;
	v3 =	vmul.f32 $2.000000030e-01, v5  }
0x4e: {  	v1 =	vld [tilespmem:s25+$0x100]  }
0x4f: {  	(erf) = vpow2.f32 v2;
	v2 =	vld [tilespmem:s25+$0x900]  }
0x50: {  	vm15 =	vge.f32 v5, $0.0e+00  }
0x51: {  	s28 =	simm.s32 $0x100;
	v4 =	vsel vm15, v5, v3;
	v3 =	vpop (erf)  }
.LBB2_6:
0x52: {  	s29 =	sshra.s32 s28, $0x2  }
0x53: {  	v4 =	vmul.f32 $1.442695020e+00, v4;
	[tilespmem:s23+$0x1100] =	vst v3;
	s23 =	smov.u32 s24;
	s24 =	smov.u32 s26;
	p0 =	sne.s32 s28, $0x1FC0  }
.Ltmp6:
0x54: {  	s28 =	sadd.s32 $0x40, s28;
	v3 =	vadd.f32 v2, v1;
	v1 =	vld [tilespmem:s29+$0x100];
	(pc) =	sbr.rel @p0 .LBB2_6-.Ltmp6, $4  }
0x55: {  	s26 =	smov.u32 s25;
	s25 =	smov.u32 s29;
	v2 =	vld [tilespmem:s29+$0x900];
	(erf) = vpow2.f32 v4  }
0x56: {  	v4 =	vmul.f32 $2.000000030e-01, v3  }
0x57: {  	vm0 =	vge.f32 v3, $0.0e+00  }
0x58: {  	v4 =	vsel vm0, v3, v4;
	v3 =	vpop (erf)  }
0x59: {  	_ = 	snop  }
0x5a: {  	v1 =	vadd.f32 v2, v1;
	_ =	sdelay $0x1  }
0x5b: {  	v2 =	vmul.f32 $2.000000030e-01, v1  }
0x5c: {  	vm0 =	vge.f32 v1, $0.0e+00  }
0x5d: {  	v1 =	vsel vm0, v1, v2;
	v2 =	vmul.f32 $1.442695020e+00, v4  }
0x5e: {  	v1 =	vmul.f32 $1.442695020e+00, v1  }
0x5f: {  	(erf) = vpow2.f32 v2  }
0x60: {  	(erf) = vpow2.f32 v1;
	_ =	sdelay $0x6  }
0x61: {  	[tilespmem:s23+$0x1100] =	vst v3;
	v1 =	vpop (erf)  }
0x62: {  	[tilespmem:s24+$0x1100] =	vst v1;
	v1 =	vpop (erf)  }
0x63: {  	s22 =	sshll.u32 s22, $0x8;
	[tilespmem:s26+$0x1100] =	vst v1;
	v1 =	vpop (erf)  }
0x64: {  	s22 =	sadd.s32 s8, s22;
	[tilespmem:s25+$0x1100] =	vst v1  }
0x65: {  	[hbm4b:s22+s3] =	stream.linear.scatter [tilespmem:s19], [sflag:$0x2], $0x800, $0x38;
	[tilespmem:$0x6900] =	vst v63  }
0x66: {  	_ =	swait.ge [sflag:s15], $0x800  }
0x67: {  	[sflag:s15] =	ssyncset.done $0x0  }
.Ltmp7:
0x68: {  	[sflag:s15] =	ssyncadd.s32 $0xFFFFF800;
	(pc) =	sbr.rel .LBB2_8-.Ltmp7, $4  }
0x69: {  	[spmem:s2] =	stream.indirect.scatter.add.f32 [tilespmem:s19], [sflag:$0x1], $0x10, s16, s16, $0xb8;
	[tilespmem:$0x6900] =	vst v63  }
0x6a: {  	_ =	swait.ge [sflag:s14], $0x800  }
0x6b: {  	[sflag:s14] =	ssyncset.done $0x0  }
0x6c: {  	[sflag:s14] =	ssyncadd.s32 $0xFFFFF800  }
.LBB2_10:
0x6d: {  	_ =	sfence.sel $0x180000  }
0x6e: {  	[bflag:$0x0] =	sbarrier.arrive $0xFFFF  }
0x6f: {  	p0 =	sne.s32 s4, $0x0;
	_ =	strace $0x90000047  }
0x70: {  	s0 =	sadd.s32 @!p0 $0x100000, s0;
	[bflag:$0x2] =	sbarrier.arrive $0xFFFF  }
0x71: {  	[sflag:s0] =	ssyncadd.tile.s32 @!p0 $0x1;
	_ =	shalt  }
.Lfunc_end2:
_tile_overlayer_lowered:
.L_overlay_start_2:
0x72: {  	(tag) =	ssettag $0x2  }
0x73: {  	s0 =	rddreg [dreg:$0x0];
	s2 =	stileid.u32  }
0x74: {  	s1 =	rddreg [dreg:$0x1];
	p0 =	sne.s32 s2, $0x0  }
0x75: {  	s3 =	rddreg [dreg:$0x2];
	[bflag:$0x3] =	sbarrier.arrive $0xFFFF;
	s2 =	simm.s32 @!p0 $0x1C01  }
0x76: {  	[timem:s3], [sflag:s2] =	dma.local @!p0 [hbm:s0], s1  }
0x77: {  	s0 =	simm.s32 @!p0 $0x1  }
0x78: {  	_ =	swait.ge @!p0 [sflag:s0], s1  }
0x79: {  	s1 =	ssub.s32 @!p0 $0x0, s1;
	[sflag:s0] =	ssyncset.done @!p0 $0x0  }
0x7a: {  	[sflag:s0] =	ssyncadd.s32 @!p0 s1  }
0x7b: {  	[bflag:$0x3] =	sbarrier.arrive $0xFFFF  }
0x7c: {  	_ =	shalt  }

// kernel: kernel.14.cloned.1.call-start
scs
__scs_entry_jumppad:
0x0: {  	(pc) =	sbr.rel $0x88, $3  }
0x1: {  	(tag) =	ssettag $0x0;
	lr =	simm.s32 $0x1  }
0x2: {  	[smem:$0x3F97] =	sst lr;
	_ =	strace $0xD0000000  }
0x3: {  	_ = 	snop  }
0x4: {  	_ = 	snop  }
0x5: {  	_ = 	snop  }
0x6: {  	_ = 	snop  }
0x7: {  	_ = 	snop  }
__scs_overlays_trampoline_lowered:
0x8: {  	[smem:$0x3FA6] =	sst s0  }
0x9: {  	[smem:$0x3FA7] =	sst s1  }
0xa: {  	[smem:$0x3FA8] =	sst s2  }
0xb: {  	[smem:$0x3FA9] =	sst s3  }
0xc: {  	[smem:$0x3FAA] =	sst s4  }
0xd: {  	[smem:$0x3FAB] =	sst s5  }
0xe: {  	[smem:$0x3FAC] =	sst s6  }
0xf: {  	[smem:$0x3FAD] =	sst s7  }
0x10: {  	[smem:$0x3FAE] =	sst s8  }
0x11: {  	[smem:$0x3FAF] =	sst s9;
	s0 =	simm.s32 @!p0 $0x0  }
0x12: {  	s1 =	sld [smem:$0x3F95];
	s0 =	simm.s32 @p0 $0x1  }
0x13: {  	[smem:$0x3FB0] =	sst s0;
	s0 =	simm.s32 @!p1 $0x0  }
0x14: {  	s2 =	sld [smem:$0x3F94];
	s0 =	simm.s32 @p1 $0x1  }
0x15: {  	[smem:$0x3FB1] =	sst s0;
	s0 =	simm.s32 @!p2 $0x0  }
0x16: {  	s3 =	sld [smem:$0x3FDB];
	s0 =	simm.s32 @p2 $0x1  }
0x17: {  	s4 =	simm.s32 $0x1BF5;
	[smem:$0x3FB3] =	sst s0  }
0x18: {  	s0 =	sld [smem:$0x3F96];
	_ =	swait.ge [sflag:s4], $0x0  }
0x19: {  	s7 =	sld [smem:$0x3F97]  }
0x1a: {  	s8 =	sadd.s32 $0xFFFFE003, lr  }
0x1b: {  	s9 =	sadd.s32 $0xFFFFFEF7, lr;
	s5 =	simm.s32 $0xFFFFFFFF;
	p2 =	slt.u32 s8, $0xFFFFF086  }
0x1c: {  	p1 =	slt.u32 s9, $0xF7A;
	s5 =	simm.s32 @!p2 $0x0  }
0x1d: {  	s5 =	simm.s32 @p1 $0x1;
	p0 =	seq.s32 s7, s2  }
0x1e: {  	s7 =	smul.u32 @!p0 $0xF7A, s2;
	p2 =	seq.s32 @!p0 s5, $0x0  }
0x1f: {  	s9 =	smul.u32 $0xF7A, s1;
	s8 =	simm.s32 @!p0 $0x1BF5;
	p2 =	por !p2, p0  }
0x20: {  	[sflag:s8] =	ssyncset.s32 @!p0 $0xFFFFF086;
	s6 =	sadd.s32 @!p0 s3, s7;
	s7 =	simm.s32 @!p0 $0x108  }
0x21: {  	s3 =	sadd.s32 s3, s9;
	s6 =	sadd.s32 @!p0 $0x88, s6;
	s7 =	simm.s32 @p2 $0x1082  }
0x22: {  	[simem:s7], [sflag:s8] =	dma.local @!p0 [hbm:s6], $0xF7A  }
0x23: {  	s9 =	sor.u32 $0xD0000000, s2;
	s6 =	simm.s32 $0x108;
	_ =	swait.ge @!p0 [sflag:s8], $0x0  }
0x24: {  	s3 =	sadd.s32 $0x88, s3;
	s6 =	simm.s32 @!p1 $0x1082;
	[sflag:s4] =	ssyncset.s32 $0xFFFFF086  }
0x25: {  	[simem:s6], [sflag:s4] =	dma.local [hbm:s3], $0xF7A  }
0x26: {  	[smem:$0x3F97] =	sst s1;
	(tag) =	ssettag s2;
	_ =	strace s9  }
0x27: {  	s1 =	sld [smem:$0x3FA7]  }
0x28: {  	s2 =	sld [smem:$0x3FA8]  }
0x29: {  	s4 =	sld [smem:$0x3FAA]  }
0x2a: {  	p0 =	seq.s32 s5, $0x0;
	s5 =	sld [smem:$0x3FAB]  }
0x2b: {  	s6 =	sld [smem:$0x3FAC]  }
0x2c: {  	s7 =	sld [smem:$0x3FAD]  }
0x2d: {  	s3 =	simm.s32 $0x108;
	s8 =	sld [smem:$0x3FAE]  }
0x2e: {  	s3 =	simm.s32 @!p0 $0x1082;
	s9 =	sld [smem:$0x3FAF]  }
0x2f: {  	lr =	sadd.s32 s0, s3;
	s0 =	sld [smem:$0x3FA6]  }
0x30: {  	s3 =	sld [smem:$0x3FA9]  }
0x31: {  	[smem:$0x3FB2] =	sst s10  }
0x32: {  	s10 =	sld [smem:$0x3FB0];
	_ =	sdelay $0x3  }
0x33: {  	p0 =	seq.s32 s10, $0x1;
	s10 =	sld [smem:$0x3FB2];
	_ =	sdelay $0x3  }
0x34: {  	[smem:$0x3FB2] =	sst s10  }
0x35: {  	s10 =	sld [smem:$0x3FB1];
	_ =	sdelay $0x3  }
0x36: {  	p1 =	seq.s32 s10, $0x1;
	s10 =	sld [smem:$0x3FB2];
	_ =	sdelay $0x3  }
0x37: {  	[smem:$0x3FB2] =	sst s10  }
0x38: {  	s10 =	sld [smem:$0x3FB3]  }
0x39: {  	_ = 	snop;
	(pc) =	sbr.ind lr, $3  }
0x3a: {  	_ = 	snop  }
0x3b: {  	_ = 	snop  }
0x3c: {  	p2 =	seq.s32 s10, $0x1;
	s10 =	sld [smem:$0x3FB2]  }
0x3d: {  	_ =	shalt  }
0x3e: {  	_ =	shalt  }
0x3f: {  	_ =	shalt  }
0x40: {  	_ =	shalt  }
0x41: {  	_ =	shalt  }
0x42: {  	_ =	shalt  }
0x43: {  	_ =	shalt  }
0x44: {  	_ =	shalt  }
0x45: {  	_ =	shalt  }
0x46: {  	_ =	shalt  }
0x47: {  	_ =	shalt  }
0x48: {  	_ =	shalt  }
0x49: {  	_ =	shalt  }
0x4a: {  	_ =	shalt  }
0x4b: {  	_ =	shalt  }
0x4c: {  	_ =	shalt  }
0x4d: {  	_ =	shalt  }
0x4e: {  	_ =	shalt  }
0x4f: {  	_ =	shalt  }
0x50: {  	_ =	shalt  }
0x51: {  	_ =	shalt  }
0x52: {  	_ =	shalt  }
0x53: {  	_ =	shalt  }
0x54: {  	_ =	shalt  }
0x55: {  	_ =	shalt  }
0x56: {  	_ =	shalt  }
0x57: {  	_ =	shalt  }
0x58: {  	_ =	shalt  }
0x59: {  	_ =	shalt  }
0x5a: {  	_ =	shalt  }
0x5b: {  	_ =	shalt  }
0x5c: {  	_ =	shalt  }
0x5d: {  	_ =	shalt  }
0x5e: {  	_ =	shalt  }
0x5f: {  	_ =	shalt  }
0x60: {  	_ =	shalt  }
0x61: {  	_ =	shalt  }
0x62: {  	_ =	shalt  }
0x63: {  	_ =	shalt  }
0x64: {  	_ =	shalt  }
0x65: {  	_ =	shalt  }
0x66: {  	_ =	shalt  }
0x67: {  	_ =	shalt  }
0x68: {  	_ =	shalt  }
0x69: {  	_ =	shalt  }
0x6a: {  	_ =	shalt  }
0x6b: {  	_ =	shalt  }
0x6c: {  	_ =	shalt  }
0x6d: {  	_ =	shalt  }
0x6e: {  	_ =	shalt  }
0x6f: {  	_ =	shalt  }
0x70: {  	_ =	shalt  }
0x71: {  	_ =	shalt  }
0x72: {  	_ =	shalt  }
0x73: {  	_ =	shalt  }
0x74: {  	_ =	shalt  }
0x75: {  	_ =	shalt  }
0x76: {  	_ =	shalt  }
0x77: {  	_ =	shalt  }
0x78: {  	_ =	shalt  }
0x79: {  	_ =	shalt  }
0x7a: {  	_ =	shalt  }
0x7b: {  	_ =	shalt  }
0x7c: {  	_ =	shalt  }
0x7d: {  	_ =	shalt  }
0x7e: {  	_ =	shalt  }
0x7f: {  	_ =	shalt  }
0x80: {  	_ =	shalt  }
0x81: {  	_ =	shalt  }
0x82: {  	_ =	shalt  }
0x83: {  	_ =	shalt  }
0x84: {  	_ =	shalt  }
0x85: {  	_ =	shalt  }
0x86: {  	_ =	shalt  }
0x87: {  	_ =	shalt  }
.Lfunc_end0:
.L_simem_size_0:
called_computation.1_lowered:
.L_overlay_start_0:
0x88: {  	s2 =	sld [smem:$0x3FD9]  }
0x89: {  	s3 =	sld [smem:$0x3FFE];
	_ =	sdelay $0x1  }
0x8a: {  	s1 =	srdreg.scid  }
0x8b: {  	s0 =	sand.u32 $0x1, s1  }
0x8c: {  	s17 =	sshll.u32 s0, $0xA;
	s2 =	sadd.s32 s3, s2  }
0x8d: {  	s2 =	sadd.s32 s2, s17  }
0x8e: {  	[smem:$0x3FBE] =	sst s2  }
0x8f: {  	_ = 	snop  }
0x90: {  	s2 =	sld [smem:$0x3FD0];
	(tm) =	ssettm $0x1  }
0x91: {  	s18 =	sld [smem:$0x3FFB];
	_ =	sdelay $0x3  }
0x92: {  	_ =	strace s18  }
0x93: {  	s3 =	sld [smem:$0x3FFC];
	_ =	sdelay $0x3  }
0x94: {  	_ =	strace s3  }
0x95: {  	s3 =	sld [smem:$0x3FFD];
	_ =	sdelay $0x3  }
0x96: {  	_ =	strace s3  }
0x97: {  	_ =	strace $0x8FFFFFFF  }
0x98: {  	s19 =	sld [smem:$0x3FDB];
	_ =	sdelay $0x1  }
0x99: {  	s4 =	simm.s32 $_scs_section_size  }
0x9a: {  	s5 =	simm.s32 $_size__tile_overlayer_lowered;
	s6 =	simm.s32 $_tile_overlayer_lowered  }
0x9b: {  	s22 =	simm.s32 $0x1BFF;
	s21 =	sshll.u32 s6, $0x1;
	s3 =	sadd.s32 s4, s19  }
0x9c: {  	s7 =	simm.s32 $0x0;
	s20 =	sshll.u32 s5, $0x1;
	s5 =	sadd.s32 s21, s3  }
0x9d: {  	[timem:s7], [sflag:s22] =	dma.local [hbm:s5], s20  }
0x9e: {  	_ =	swait.ge [sflag:s22], s20  }
0x9f: {  	s4 =	ssub.s32 $0x0, s20;
	[sflag:s22] =	ssyncset.done $0x0  }
0xa0: {  	[sflag:s22] =	ssyncadd.s32 s4;
	_ =	sdelay $0x1  }
0xa1: {  	s23 =	simm.s32 $0x1B8B  }
0xa2: {  	_ =	swait.ge [sflag:s23], $0x1  }
0xa3: {  	[sflag:s23] =	ssyncset.done $0x0  }
0xa4: {  	s25 =	simm.s32 $0x1B8E;
	s24 =	sld [smem:$0x3FFE];
	[sflag:s23] =	ssyncadd.s32 $0xFFFFFFFF  }
0xa5: {  	s26 =	simm.s32 $execute0_lowered;
	[smem:$0x3FD2] =	sst s25  }
0xa6: {  	s5 =	sshll.u32 s26, $0x1;
	_ =	strace $0x80000049;
	[dreg:$0x1] =	wrdreg $0xFFFFFFFF  }
0xa7: {  	s28 =	simm.s32 $_size_execute0_lowered;
	s3 =	sadd.s32 s3, s5;
	[dreg:$0x0] =	wrdreg $0x0  }
0xa8: {  	s5 =	sshll.u32 s28, $0x1;
	[dreg:$0x2] =	wrdreg s3  }
0xa9: {  	[dreg:$0x3] =	wrdreg s5  }
0xaa: {  	[dreg:$0x4] =	wrdreg $0xC0  }
0xab: {  	_ =	task [dreg:s7], $0x5FFFF  }
0xac: {  	[dreg:$0x1] =	wrdreg $0xFFFFFFFF  }
0xad: {  	[dreg:$0x0] =	wrdreg $0x60  }
0xae: {  	[dreg:$0x2] =	wrdreg s24  }
0xaf: {  	[dreg:$0x3] =	wrdreg s2  }
0xb0: {  	[dreg:$0x4] =	wrdreg $0xD1000  }
0xb1: {  	[dreg:$0x5] =	wrdreg $0x9  }
0xb2: {  	_ =	task.clear_ibuf [dreg:s7], $0x6FFFF;
	_ =	strace $0x90000049  }
0xb3: {  	s29 =	simm.s32 $0x9;
	_ =	strace $0x8000004B  }
0xb4: {  	_ =	swait.ge [sflag:s29], $0x1  }
0xb5: {  	[sflag:s29] =	ssyncadd.s32 $0xFFFFFFFF  }
0xb6: {  	_ =	strace $0x9000004B  }
0xb7: {  	_ =	sfence  }
0xb8: {  	s30 =	sld [smem:$0x0];
	_ =	sdelay $0x2  }
0xb9: {  	s31 =	sshll.u32 s1, $0xD;
	s1 =	sshrl.u32 s1, $0x2  }
0xba: {  	s3 =	sand.u32 $0x4000, s31;
	s1 =	sadd.s32 s1, s30  }
0xbb: {  	s0 =	sor.u32 s3, s0;
	s1 =	sshll.u32 s1, $0x11  }
0xbc: {  	s0 =	sor.u32 s1, s0  }
0xbd: {  	s0 =	sadd.s32 $0x8F2B, s0  }
0xbe: {  	[sflag:s0] =	ssyncadd.remote.s32 $0x1  }
0xbf: {  	_ =	sfence.sel $0xFFFF  }
0xc0: {  	[dreg:$0x0] =	wrdreg $0xFFFFFFFF;
	(pc) =	sbr.abs _section_cstart, $3  }
0xc1: {  	[dreg:$0x1] =	wrdreg $0xFFFFFFFF  }
0xc2: {  	_ =	task.clear_ibuf [dreg:s7], $0x2FFFF;
	_ =	strace $0x9FFFFFFF  }
0xc3: {  	(tm) =	ssettm $0x7FFFFFFF  }
tec
execute0_lowered:
.L_overlay_start_1:
0x0: {  	(tag) =	ssettag $0x1  }
0x1: {  	s12 =	rddreg [dreg:$0x0]  }
0x2: {  	s1 =	rddreg [dreg:$0x1]  }
0x3: {  	s2 =	rddreg [dreg:$0x2]  }
0x4: {  	s0 =	rddreg [dreg:$0x3]  }
0x5: {  	s3 =	simm.s32 $0x0;
	s4 =	srdreg.scid;
	s14 =	simm.s32 $0xCF800  }
0x6: {  	s15 =	simm.s32 $0x2;
	s16 =	simm.s32 $0x80;
	s17 =	simm.s32 $0x100  }
0x7: {  	s18 =	simm.s32 $0x900;
	s19 =	simm.s32 $0x1100;
	s20 =	simm.s32 $0x0  }
0x8: {  	s25 =	simm.s32 $0x0;
	[smem:$0x7FF] =	sst s3;
	s5 =	sadd.s32 $0x1600, s12  }
0x9: {  	s6 =	sadd.s32 $0x1F400, s12;
	s9 =	sand.u32 $0x1, s4;
	s4 =	stileid.u32  }
0xa: {  	s7 =	sadd.s32 $0xB400, s12;
	s8 =	sadd.s32 $0xBB800, s12;
	s13 =	smul.u32 $0xA000, s4  }
.Ltmp0:
0xb: {  	_ =	strace $0x8000004A;
	s10 =	ssub.s32 $0x2, s9;
	(pc) =	sbr.rel .LBB2_1-.Ltmp0, $4  }
0xc: {  	p0 =	seq.s32 s9, $0x1;
	s9 =	sshll.u32 s9, $0x4;
	s11 =	sshrl.u32 s10, $0x1  }
0xd: {  	v1 =	vlaneseq.u32;
	s14 =	simm.s32 @!p0 $0xE3800;
	s11 =	ssub.s32 s10, s11;
	s10 =	sadd.s32 s13, s2  }
0xe: {  	v0 =	vimm.f32 $0.0e+00;
	v1 =	vshrl.u32 v1, $0x3;
	s13 =	sshrl.u32 s13, $0x3;
	s12 =	sadd.s32 s14, s12;
	s14 =	simm.s32 $0x1  }
0xf: {  	v2 =	vor.u32 $0x2, v1;
	v3 =	vor.u32 $0x4, v1;
	v4 =	vor.u32 $0x6, v1;
	s11 =	smax.u32 s11, $0x1;
	s12 =	sadd.s32 s12, s13;
	s13 =	simm.s32 $0x3100  }
.LBB2_9:
0x10: {  	[bflag:$0x0] =	sbarrier.arrive $0xFFFF  }
0x11: {  	[tilespmem:s13], [sflag:$0x1] =	stream.linear.gather [spmem:s10], $0xA000, $0x38;
	[tilespmem:$0x17100] =	vst v63  }
0x12: {  	s20 =	sadd.s32 $0x1, s20;
	_ =	swait.ge [sflag:s14], $0xA000  }
0x13: {  	p0 =	sne.s32 s20, s11;
	[sflag:s14] =	ssyncset.done $0x0  }
.Ltmp1:
0x14: {  	[sflag:s14] =	ssyncadd.s32 $0xFFFF6000;
	(pc) =	sbr.rel @!p0 .LBB2_10-.Ltmp1, $4  }
0x15: {  	[hbm4b:s12+s3] =	stream.linear.scatter [tilespmem:s13], [sflag:$0x1], $0xA000, $0x38;
	[tilespmem:$0x17100] =	vst v63  }
0x16: {  	_ =	swait.ge [sflag:s14], $0xA000  }
0x17: {  	[sflag:s14] =	ssyncset.done $0x0  }
0x18: {  	[sflag:s14] =	ssyncadd.s32 $0xFFFF6000  }
.LBB2_1:
0x19: {  	s22 =	simm.s32 $0x100;
	s21 =	simm.s32 $0x0  }
.LBB2_2:
0x1a: {  	p0 =	sne.s32 s22, $0x27F00;
	[tilespmem:s21+$0x3130] =	vst v0;
	s23 =	smov.u32 s22;
	s22 =	sadd.s32 $0x100, s22  }
.Ltmp2:
0x1b: {  	[tilespmem:s21+$0x3120] =	vst v0;
	(pc) =	sbr.rel @p0 .LBB2_2-.Ltmp2, $3  }
0x1c: {  	[tilespmem:s21+$0x3100] =	vst v0  }
0x1d: {  	[tilespmem:s21+$0x3110] =	vst v0;
	_ =	sdelay $0x1  }
0x1e: {  	s21 =	sshra.s32 s23, $0x2  }
0x1f: {  	[tilespmem:s21+$0x3130] =	vst v0  }
0x20: {  	[tilespmem:s21+$0x3120] =	vst v0  }
0x21: {  	[tilespmem:s21+$0x3100] =	vst v0  }
0x22: {  	[tilespmem:s21+$0x3110] =	vst v0  }
0x23: {  	[spmem:s10] =	stream.linear.scatter [tilespmem:s13], [sflag:$0x1], $0xA000, $0x38;
	[tilespmem:$0x17100] =	vst v63  }
.Ltmp3:
0x24: {  	_ =	swait.ge [sflag:s14], $0xA000;
	(pc) =	sbr.rel .LBB2_4-.Ltmp3, $4  }
0x25: {  	[sflag:s14] =	ssyncset.done $0x0  }
0x26: {  	[sflag:s14] =	ssyncadd.s32 $0xFFFF6000  }
0x27: {  	[bflag:$0x0] =	sbarrier.arrive $0xFFFF  }
0x28: {  	s21 =	simm.s32 $0x0  }
.LBB2_8:
0x29: {  	s21 =	sadd.s32 $0x1, s21  }
0x2a: {  	p0 =	sne.s32 s21, $0x4F  }
.Ltmp4:
0x2b: {  	_ = 	snop;
	(pc) =	sbr.rel @!p0 .LBB2_9-.Ltmp4, $1  }
0x2c: {  	_ =	sdelay $0x3  }
.LBB2_4:
0x2d: {  	s22 =	sshll.u32 s21, $0x5  }
0x2e: {  	s22 =	sor.u32 s22, s9  }
0x2f: {  	s22 =	sor.u32 s4, s22  }
0x30: {  	p0 =	sgt.u32 s22, $0x9C3  }
.Ltmp5:
0x31: {  	_ = 	snop;
	(pc) =	sbr.rel @p0 .LBB2_8-.Ltmp5, $1  }
0x32: {  	_ =	sdelay $0x3  }
0x33: {  	s23 =	sshll.u32 s22, $0x4  }
0x34: {  	s24 =	sadd.s32 s5, s23  }
0x35: {  	[tilespmem:s25], [sflag:$0x2] =	stream.linear.gather [hbm4b:s24+s25], $0x80, $0x38;
	[tilespmem:$0x17100] =	vst v63  }
0x36: {  	_ =	swait.ge [sflag:s15], $0x80  }
0x37: {  	[sflag:s15] =	ssyncset.done $0x0  }
0x38: {  	s23 =	sadd.s32 s1, s23;
	[sflag:s15] =	ssyncadd.s32 $0xFFFFFF80  }
0x39: {  	[tilespmem:s16], [sflag:$0x2] =	stream.linear.gather [hbm4b:s23+s25], $0x80, $0x38;
	[tilespmem:$0x17100] =	vst v63  }
0x3a: {  	_ =	swait.ge [sflag:s15], $0x80  }
0x3b: {  	s30 =	sshll.u32 s22, $0x8;
	[sflag:s15] =	ssyncset.done $0x0  }
0x3c: {  	s22 =	sadd.s32 s6, s30;
	[sflag:s15] =	ssyncadd.s32 $0xFFFFFF80  }
0x3d: {  	[tilespmem:s17], [sflag:$0x2] =	stream.linear.gather [hbm4b:s22+s25], $0x800, $0x38;
	[tilespmem:$0x17100] =	vst v63  }
0x3e: {  	_ =	swait.ge [sflag:s15], $0x800  }
0x3f: {  	[sflag:s15] =	ssyncset.done $0x0  }
0x40: {  	[sflag:s15] =	ssyncadd.s32 $0xFFFFF800  }
0x41: {  	[tilespmem:s18], [sflag:$0x2] =	stream.indirect.gather [hbm4b:s7+s16], $0x10, s16, s16, $0xb8;
	[tilespmem:$0x17100] =	vst v63  }
0x42: {  	_ =	swait.ge [sflag:s15], $0x800  }
0x43: {  	[sflag:s15] =	ssyncset.done $0x0  }
0x44: {  	[sflag:s15] =	ssyncadd.s32 $0xFFFFF800  }
0x45: {  	[tilespmem:s19], [sflag:$0x2] =	stream.indirect.gather [hbm4b:s8+s16], $0x40, s25, s16, $0xb8;
	[tilespmem:$0x17100] =	vst v63  }
0x46: {  	_ =	swait.ge [sflag:s15], $0x2000  }
0x47: {  	[sflag:s15] =	ssyncset.done $0x0  }
0x48: {  	s31 =	simm.s32 $0x0;
	[sflag:s15] =	ssyncadd.s32 $0xFFFFE000  }
0x49: {  	v5 =	vld [tilespmem:s31+$0x900]  }
0x4a: {  	v6 =	vld [tilespmem:s31+$0x100];
	_ =	sdelay $0x2  }
0x4b: {  	s22 =	simm.s32 $0x1120  }
0x4c: {  	v7 =	vld [tilespmem:s22+$0xFFFFFFE0]  }
0x4d: {  	v8 =	vld [tilespmem:s22+$0xFFFFFFF0];
	v5 =	vmul.f32 v5, v6  }
0x4e: {  	v9 =	vld [tilespmem:s22+$0x10]  }
0x4f: {  	v6 =	vld [tilespmem:s22+$0x0];
	v10 =	vperm.xlane v5, v1  }
0x50: {  	v11 =	vperm.xlane v5, v2;
	v12 =	vperm.xlane v5, v3  }
0x51: {  	v5 =	vperm.xlane v5, v4;
	v7 =	vmul.f32 v7, v10  }
0x52: {  	v8 =	vmul.f32 v8, v11  }
0x53: {  	v5 =	vmul.f32 v9, v5;
	[tilespmem:s22+$0xFFFFFFE0] =	vst v7  }
0x54: {  	v6 =	vmul.f32 v6, v12;
	[tilespmem:s22+$0xFFFFFFF0] =	vst v8  }
0x55: {  	[tilespmem:s22+$0x10] =	vst v5  }
0x56: {  	s24 =	simm.s32 $0x10;
	[tilespmem:s22+$0x0] =	vst v6  }
0x57: {  	s23 =	simm.s32 $0x80;
	v5 =	vld [tilespmem:s24+$0x900]  }
.LBB2_6:
0x58: {  	p0 =	sne.s32 s23, $0x1FC0;
	v6 =	vld [tilespmem:s24+$0x100]  }
0x59: {  	s22 =	sadd.s32 $0x40, s22  }
0x5a: {  	v7 =	vld [tilespmem:s22+$0xFFFFFFF0]  }
0x5b: {  	v8 =	vld [tilespmem:s22+$0x10]  }
0x5c: {  	v9 =	vld [tilespmem:s22+$0xFFFFFFE0]  }
0x5d: {  	v5 =	vmul.f32 v5, v6;
	v6 =	vld [tilespmem:s22+$0x0];
	_ =	sdelay $0x1  }
0x5e: {  	v10 =	vperm.xlane v5, v1;
	v11 =	vperm.xlane v5, v2  }
0x5f: {  	v12 =	vperm.xlane v5, v3;
	v5 =	vperm.xlane v5, v4  }
0x60: {  	v9 =	vmul.f32 v9, v10;
	v7 =	vmul.f32 v7, v11  }
0x61: {  	v5 =	vmul.f32 v8, v5;
	v6 =	vmul.f32 v6, v12  }
.Ltmp6:
0x62: {  	[tilespmem:s22+$0xFFFFFFE0] =	vst v9;
	(pc) =	sbr.rel @p0 .LBB2_6-.Ltmp6, $4  }
0x63: {  	[tilespmem:s22+$0xFFFFFFF0] =	vst v7  }
0x64: {  	[tilespmem:s22+$0x0] =	vst v6  }
0x65: {  	s24 =	sshra.s32 s23, $0x2;
	[tilespmem:s22+$0x10] =	vst v5  }
0x66: {  	s23 =	sadd.s32 $0x40, s23;
	v5 =	vld [tilespmem:s24+$0x900]  }
0x67: {  	v6 =	vld [tilespmem:s24+$0x100];
	_ =	sdelay $0x2  }
0x68: {  	s22 =	sadd.s32 $0x40, s22  }
0x69: {  	v7 =	vld [tilespmem:s22+$0xFFFFFFE0]  }
0x6a: {  	v8 =	vld [tilespmem:s22+$0xFFFFFFF0];
	v5 =	vmul.f32 v5, v6  }
0x6b: {  	v9 =	vld [tilespmem:s22+$0x10]  }
0x6c: {  	v6 =	vld [tilespmem:s22+$0x0];
	v10 =	vperm.xlane v5, v1  }
0x6d: {  	v11 =	vperm.xlane v5, v2;
	v12 =	vperm.xlane v5, v3  }
0x6e: {  	v5 =	vperm.xlane v5, v4;
	v7 =	vmul.f32 v7, v10  }
0x6f: {  	v8 =	vmul.f32 v8, v11  }
0x70: {  	v5 =	vmul.f32 v9, v5;
	[tilespmem:s22+$0xFFFFFFE0] =	vst v7  }
0x71: {  	v6 =	vmul.f32 v6, v12;
	[tilespmem:s22+$0xFFFFFFF0] =	vst v8  }
0x72: {  	[tilespmem:s22+$0x10] =	vst v5  }
.Ltmp7:
0x73: {  	[tilespmem:s22+$0x0] =	vst v6;
	(pc) =	sbr.rel .LBB2_8-.Ltmp7, $4  }
0x74: {  	[spmem:s2] =	stream.indirect.scatter.add.f32 [tilespmem:s19], [sflag:$0x1], $0x40, s16, s16, $0xb8;
	[tilespmem:$0x17100] =	vst v63  }
0x75: {  	_ =	swait.ge [sflag:s14], $0x2000  }
0x76: {  	[sflag:s14] =	ssyncset.done $0x0  }
0x77: {  	[sflag:s14] =	ssyncadd.s32 $0xFFFFE000  }
.LBB2_10:
0x78: {  	_ =	sfence.sel $0x180000  }
0x79: {  	[bflag:$0x0] =	sbarrier.arrive $0xFFFF  }
0x7a: {  	p0 =	sne.s32 s4, $0x0;
	_ =	strace $0x9000004A  }
0x7b: {  	s0 =	sadd.s32 @!p0 $0x100000, s0;
	[bflag:$0x2] =	sbarrier.arrive $0xFFFF  }
0x7c: {  	[sflag:s0] =	ssyncadd.tile.s32 @!p0 $0x1;
	_ =	shalt  }
.Lfunc_end2:
_tile_overlayer_lowered:
.L_overlay_start_2:
0x7d: {  	(tag) =	ssettag $0x2  }
0x7e: {  	s0 =	rddreg [dreg:$0x0];
	s2 =	stileid.u32  }
0x7f: {  	s1 =	rddreg [dreg:$0x1];
	p0 =	sne.s32 s2, $0x0  }
0x80: {  	s3 =	rddreg [dreg:$0x2];
	[bflag:$0x3] =	sbarrier.arrive $0xFFFF;
	s2 =	simm.s32 @!p0 $0x1C01  }
0x81: {  	[timem:s3], [sflag:s2] =	dma.local @!p0 [hbm:s0], s1  }
0x82: {  	s0 =	simm.s32 @!p0 $0x1  }
0x83: {  	_ =	swait.ge @!p0 [sflag:s0], s1  }
0x84: {  	s1 =	ssub.s32 @!p0 $0x0, s1;
	[sflag:s0] =	ssyncset.done @!p0 $0x0  }
0x85: {  	[sflag:s0] =	ssyncadd.s32 @!p0 s1  }
0x86: {  	[bflag:$0x3] =	sbarrier.arrive $0xFFFF  }
0x87: {  	_ =	shalt  }

// kernel: kernel.17.cloned.1.call-start
scs
__scs_entry_jumppad:
0x0: {  	(pc) =	sbr.rel $0x88, $3  }
0x1: {  	(tag) =	ssettag $0x0;
	lr =	simm.s32 $0x1  }
0x2: {  	[smem:$0x3F97] =	sst lr;
	_ =	strace $0xD0000000  }
0x3: {  	_ = 	snop  }
0x4: {  	_ = 	snop  }
0x5: {  	_ = 	snop  }
0x6: {  	_ = 	snop  }
0x7: {  	_ = 	snop  }
__scs_overlays_trampoline_lowered:
0x8: {  	[smem:$0x3FA6] =	sst s0  }
0x9: {  	[smem:$0x3FA7] =	sst s1  }
0xa: {  	[smem:$0x3FA8] =	sst s2  }
0xb: {  	[smem:$0x3FA9] =	sst s3  }
0xc: {  	[smem:$0x3FAA] =	sst s4  }
0xd: {  	[smem:$0x3FAB] =	sst s5  }
0xe: {  	[smem:$0x3FAC] =	sst s6  }
0xf: {  	[smem:$0x3FAD] =	sst s7  }
0x10: {  	[smem:$0x3FAE] =	sst s8  }
0x11: {  	[smem:$0x3FAF] =	sst s9;
	s0 =	simm.s32 @!p0 $0x0  }
0x12: {  	s1 =	sld [smem:$0x3F95];
	s0 =	simm.s32 @p0 $0x1  }
0x13: {  	[smem:$0x3FB0] =	sst s0;
	s0 =	simm.s32 @!p1 $0x0  }
0x14: {  	s2 =	sld [smem:$0x3F94];
	s0 =	simm.s32 @p1 $0x1  }
0x15: {  	[smem:$0x3FB1] =	sst s0;
	s0 =	simm.s32 @!p2 $0x0  }
0x16: {  	s3 =	sld [smem:$0x3FDB];
	s0 =	simm.s32 @p2 $0x1  }
0x17: {  	s4 =	simm.s32 $0x1BF5;
	[smem:$0x3FB3] =	sst s0  }
0x18: {  	s0 =	sld [smem:$0x3F96];
	_ =	swait.ge [sflag:s4], $0x0  }
0x19: {  	s7 =	sld [smem:$0x3F97]  }
0x1a: {  	s8 =	sadd.s32 $0xFFFFE003, lr  }
0x1b: {  	s9 =	sadd.s32 $0xFFFFFEF7, lr;
	s5 =	simm.s32 $0xFFFFFFFF;
	p2 =	slt.u32 s8, $0xFFFFF086  }
0x1c: {  	p1 =	slt.u32 s9, $0xF7A;
	s5 =	simm.s32 @!p2 $0x0  }
0x1d: {  	s5 =	simm.s32 @p1 $0x1;
	p0 =	seq.s32 s7, s2  }
0x1e: {  	s7 =	smul.u32 @!p0 $0xF7A, s2;
	p2 =	seq.s32 @!p0 s5, $0x0  }
0x1f: {  	s9 =	smul.u32 $0xF7A, s1;
	s8 =	simm.s32 @!p0 $0x1BF5;
	p2 =	por !p2, p0  }
0x20: {  	[sflag:s8] =	ssyncset.s32 @!p0 $0xFFFFF086;
	s6 =	sadd.s32 @!p0 s3, s7;
	s7 =	simm.s32 @!p0 $0x108  }
0x21: {  	s3 =	sadd.s32 s3, s9;
	s6 =	sadd.s32 @!p0 $0x88, s6;
	s7 =	simm.s32 @p2 $0x1082  }
0x22: {  	[simem:s7], [sflag:s8] =	dma.local @!p0 [hbm:s6], $0xF7A  }
0x23: {  	s9 =	sor.u32 $0xD0000000, s2;
	s6 =	simm.s32 $0x108;
	_ =	swait.ge @!p0 [sflag:s8], $0x0  }
0x24: {  	s3 =	sadd.s32 $0x88, s3;
	s6 =	simm.s32 @!p1 $0x1082;
	[sflag:s4] =	ssyncset.s32 $0xFFFFF086  }
0x25: {  	[simem:s6], [sflag:s4] =	dma.local [hbm:s3], $0xF7A  }
0x26: {  	[smem:$0x3F97] =	sst s1;
	(tag) =	ssettag s2;
	_ =	strace s9  }
0x27: {  	s1 =	sld [smem:$0x3FA7]  }
0x28: {  	s2 =	sld [smem:$0x3FA8]  }
0x29: {  	s4 =	sld [smem:$0x3FAA]  }
0x2a: {  	p0 =	seq.s32 s5, $0x0;
	s5 =	sld [smem:$0x3FAB]  }
0x2b: {  	s6 =	sld [smem:$0x3FAC]  }
0x2c: {  	s7 =	sld [smem:$0x3FAD]  }
0x2d: {  	s3 =	simm.s32 $0x108;
	s8 =	sld [smem:$0x3FAE]  }
0x2e: {  	s3 =	simm.s32 @!p0 $0x1082;
	s9 =	sld [smem:$0x3FAF]  }
0x2f: {  	lr =	sadd.s32 s0, s3;
	s0 =	sld [smem:$0x3FA6]  }
0x30: {  	s3 =	sld [smem:$0x3FA9]  }
0x31: {  	[smem:$0x3FB2] =	sst s10  }
0x32: {  	s10 =	sld [smem:$0x3FB0];
	_ =	sdelay $0x3  }
0x33: {  	p0 =	seq.s32 s10, $0x1;
	s10 =	sld [smem:$0x3FB2];
	_ =	sdelay $0x3  }
0x34: {  	[smem:$0x3FB2] =	sst s10  }
0x35: {  	s10 =	sld [smem:$0x3FB1];
	_ =	sdelay $0x3  }
0x36: {  	p1 =	seq.s32 s10, $0x1;
	s10 =	sld [smem:$0x3FB2];
	_ =	sdelay $0x3  }
0x37: {  	[smem:$0x3FB2] =	sst s10  }
0x38: {  	s10 =	sld [smem:$0x3FB3]  }
0x39: {  	_ = 	snop;
	(pc) =	sbr.ind lr, $3  }
0x3a: {  	_ = 	snop  }
0x3b: {  	_ = 	snop  }
0x3c: {  	p2 =	seq.s32 s10, $0x1;
	s10 =	sld [smem:$0x3FB2]  }
0x3d: {  	_ =	shalt  }
0x3e: {  	_ =	shalt  }
0x3f: {  	_ =	shalt  }
0x40: {  	_ =	shalt  }
0x41: {  	_ =	shalt  }
0x42: {  	_ =	shalt  }
0x43: {  	_ =	shalt  }
0x44: {  	_ =	shalt  }
0x45: {  	_ =	shalt  }
0x46: {  	_ =	shalt  }
0x47: {  	_ =	shalt  }
0x48: {  	_ =	shalt  }
0x49: {  	_ =	shalt  }
0x4a: {  	_ =	shalt  }
0x4b: {  	_ =	shalt  }
0x4c: {  	_ =	shalt  }
0x4d: {  	_ =	shalt  }
0x4e: {  	_ =	shalt  }
0x4f: {  	_ =	shalt  }
0x50: {  	_ =	shalt  }
0x51: {  	_ =	shalt  }
0x52: {  	_ =	shalt  }
0x53: {  	_ =	shalt  }
0x54: {  	_ =	shalt  }
0x55: {  	_ =	shalt  }
0x56: {  	_ =	shalt  }
0x57: {  	_ =	shalt  }
0x58: {  	_ =	shalt  }
0x59: {  	_ =	shalt  }
0x5a: {  	_ =	shalt  }
0x5b: {  	_ =	shalt  }
0x5c: {  	_ =	shalt  }
0x5d: {  	_ =	shalt  }
0x5e: {  	_ =	shalt  }
0x5f: {  	_ =	shalt  }
0x60: {  	_ =	shalt  }
0x61: {  	_ =	shalt  }
0x62: {  	_ =	shalt  }
0x63: {  	_ =	shalt  }
0x64: {  	_ =	shalt  }
0x65: {  	_ =	shalt  }
0x66: {  	_ =	shalt  }
0x67: {  	_ =	shalt  }
0x68: {  	_ =	shalt  }
0x69: {  	_ =	shalt  }
0x6a: {  	_ =	shalt  }
0x6b: {  	_ =	shalt  }
0x6c: {  	_ =	shalt  }
0x6d: {  	_ =	shalt  }
0x6e: {  	_ =	shalt  }
0x6f: {  	_ =	shalt  }
0x70: {  	_ =	shalt  }
0x71: {  	_ =	shalt  }
0x72: {  	_ =	shalt  }
0x73: {  	_ =	shalt  }
0x74: {  	_ =	shalt  }
0x75: {  	_ =	shalt  }
0x76: {  	_ =	shalt  }
0x77: {  	_ =	shalt  }
0x78: {  	_ =	shalt  }
0x79: {  	_ =	shalt  }
0x7a: {  	_ =	shalt  }
0x7b: {  	_ =	shalt  }
0x7c: {  	_ =	shalt  }
0x7d: {  	_ =	shalt  }
0x7e: {  	_ =	shalt  }
0x7f: {  	_ =	shalt  }
0x80: {  	_ =	shalt  }
0x81: {  	_ =	shalt  }
0x82: {  	_ =	shalt  }
0x83: {  	_ =	shalt  }
0x84: {  	_ =	shalt  }
0x85: {  	_ =	shalt  }
0x86: {  	_ =	shalt  }
0x87: {  	_ =	shalt  }
.Lfunc_end0:
.L_simem_size_0:
called_computation.2_lowered:
.L_overlay_start_0:
0x88: {  	s2 =	sld [smem:$0x3FD9]  }
0x89: {  	s3 =	sld [smem:$0x3FFE];
	_ =	sdelay $0x1  }
0x8a: {  	s1 =	srdreg.scid  }
0x8b: {  	s0 =	sand.u32 $0x1, s1  }
0x8c: {  	s17 =	sshll.u32 s0, $0xA;
	s2 =	sadd.s32 s3, s2  }
0x8d: {  	s2 =	sadd.s32 s2, s17  }
0x8e: {  	[smem:$0x3FBE] =	sst s2  }
0x8f: {  	_ = 	snop  }
0x90: {  	s2 =	sld [smem:$0x3FD0];
	(tm) =	ssettm $0x1  }
0x91: {  	s18 =	sld [smem:$0x3FFB];
	_ =	sdelay $0x3  }
0x92: {  	_ =	strace s18  }
0x93: {  	s3 =	sld [smem:$0x3FFC];
	_ =	sdelay $0x3  }
0x94: {  	_ =	strace s3  }
0x95: {  	s3 =	sld [smem:$0x3FFD];
	_ =	sdelay $0x3  }
0x96: {  	_ =	strace s3  }
0x97: {  	_ =	strace $0x8FFFFFFF  }
0x98: {  	s19 =	sld [smem:$0x3FDB];
	_ =	sdelay $0x1  }
0x99: {  	s4 =	simm.s32 $_scs_section_size  }
0x9a: {  	s5 =	simm.s32 $_size__tile_overlayer_lowered;
	s6 =	simm.s32 $_tile_overlayer_lowered  }
0x9b: {  	s22 =	simm.s32 $0x1BFF;
	s21 =	sshll.u32 s6, $0x1;
	s3 =	sadd.s32 s4, s19  }
0x9c: {  	s7 =	simm.s32 $0x0;
	s20 =	sshll.u32 s5, $0x1;
	s5 =	sadd.s32 s21, s3  }
0x9d: {  	[timem:s7], [sflag:s22] =	dma.local [hbm:s5], s20  }
0x9e: {  	_ =	swait.ge [sflag:s22], s20  }
0x9f: {  	s4 =	ssub.s32 $0x0, s20;
	[sflag:s22] =	ssyncset.done $0x0  }
0xa0: {  	[sflag:s22] =	ssyncadd.s32 s4;
	_ =	sdelay $0x1  }
0xa1: {  	s23 =	simm.s32 $0x1B8B  }
0xa2: {  	_ =	swait.ge [sflag:s23], $0x1  }
0xa3: {  	[sflag:s23] =	ssyncset.done $0x0  }
0xa4: {  	s25 =	simm.s32 $0x1B8E;
	s24 =	sld [smem:$0x3FFE];
	[sflag:s23] =	ssyncadd.s32 $0xFFFFFFFF  }
0xa5: {  	s26 =	simm.s32 $execute0_lowered;
	[smem:$0x3FD2] =	sst s25  }
0xa6: {  	s5 =	sshll.u32 s26, $0x1;
	_ =	strace $0x8000004C;
	[dreg:$0x1] =	wrdreg $0xFFFFFFFF  }
0xa7: {  	s28 =	simm.s32 $_size_execute0_lowered;
	s3 =	sadd.s32 s3, s5;
	[dreg:$0x0] =	wrdreg $0x0  }
0xa8: {  	s5 =	sshll.u32 s28, $0x1;
	[dreg:$0x2] =	wrdreg s3  }
0xa9: {  	[dreg:$0x3] =	wrdreg s5  }
0xaa: {  	[dreg:$0x4] =	wrdreg $0xC0  }
0xab: {  	_ =	task [dreg:s7], $0x5FFFF  }
0xac: {  	[dreg:$0x1] =	wrdreg $0xFFFFFFFF  }
0xad: {  	[dreg:$0x0] =	wrdreg $0x60  }
0xae: {  	[dreg:$0x2] =	wrdreg s24  }
0xaf: {  	[dreg:$0x3] =	wrdreg s2  }
0xb0: {  	[dreg:$0x4] =	wrdreg $0x81800  }
0xb1: {  	[dreg:$0x5] =	wrdreg $0x9  }
0xb2: {  	_ =	task.clear_ibuf [dreg:s7], $0x6FFFF;
	_ =	strace $0x9000004C  }
0xb3: {  	s29 =	simm.s32 $0x9;
	_ =	strace $0x8000004E  }
0xb4: {  	_ =	swait.ge [sflag:s29], $0x1  }
0xb5: {  	[sflag:s29] =	ssyncadd.s32 $0xFFFFFFFF  }
0xb6: {  	_ =	strace $0x9000004E  }
0xb7: {  	_ =	sfence  }
0xb8: {  	s30 =	sld [smem:$0x0];
	_ =	sdelay $0x2  }
0xb9: {  	s31 =	sshll.u32 s1, $0xD;
	s1 =	sshrl.u32 s1, $0x2  }
0xba: {  	s3 =	sand.u32 $0x4000, s31;
	s1 =	sadd.s32 s1, s30  }
0xbb: {  	s0 =	sor.u32 s3, s0;
	s1 =	sshll.u32 s1, $0x11  }
0xbc: {  	s0 =	sor.u32 s1, s0  }
0xbd: {  	s0 =	sadd.s32 $0x8F2B, s0  }
0xbe: {  	[sflag:s0] =	ssyncadd.remote.s32 $0x1  }
0xbf: {  	_ =	sfence.sel $0xFFFF  }
0xc0: {  	[dreg:$0x0] =	wrdreg $0xFFFFFFFF;
	(pc) =	sbr.abs _section_cstart, $3  }
0xc1: {  	[dreg:$0x1] =	wrdreg $0xFFFFFFFF  }
0xc2: {  	_ =	task.clear_ibuf [dreg:s7], $0x2FFFF;
	_ =	strace $0x9FFFFFFF  }
0xc3: {  	(tm) =	ssettm $0x7FFFFFFF  }
tec
execute0_lowered:
.L_overlay_start_1:
0x0: {  	(tag) =	ssettag $0x1  }
0x1: {  	s10 =	rddreg [dreg:$0x0]  }
0x2: {  	s1 =	rddreg [dreg:$0x1]  }
0x3: {  	s2 =	rddreg [dreg:$0x2]  }
0x4: {  	s0 =	rddreg [dreg:$0x3]  }
0x5: {  	s3 =	simm.s32 $0x0;
	s4 =	srdreg.scid;
	s14 =	simm.s32 $0x11000  }
0x6: {  	s15 =	simm.s32 $0x2900;
	s16 =	simm.s32 $0x5980;
	s17 =	simm.s32 $0x2  }
0x7: {  	s18 =	simm.s32 $0x80;
	s19 =	simm.s32 $0x5100;
	s20 =	simm.s32 $0x5180  }
0x8: {  	s21 =	simm.s32 $0x0;
	[smem:$0x7FF] =	sst s3;
	s9 =	sand.u32 $0x1, s4  }
0x9: {  	s5 =	sadd.s32 $0x1600, s10;
	s6 =	sadd.s32 $0xB400, s10;
	s4 =	stileid.u32  }
0xa: {  	v0 =	vimm.f32 $0.0e+00;
	v1 =	vimm.s32 $0x0;
	vm0 =	vmmov $0x1;
	s7 =	sadd.s32 $0xBA00, s10;
	s8 =	sadd.s32 $0x16000, s10;
	s13 =	smul.u32 $0x2800, s4  }
.Ltmp0:
0xb: {  	v2 =	vimm.s32 $0x1;
	v3 =	vimm.s32 $0x2;
	v4 =	vimm.s32 $0x3;
	_ =	strace $0x8000004D;
	s11 =	ssub.s32 $0x2, s9;
	(pc) =	sbr.rel .LBB2_1-.Ltmp0, $4  }
0xc: {  	v5 =	vimm.s32 $0x4;
	v6 =	vimm.s32 $0x5;
	v7 =	vimm.s32 $0x6;
	p0 =	seq.s32 s9, $0x1;
	s9 =	sshll.u32 s9, $0x4;
	s12 =	sshrl.u32 s11, $0x1  }
0xd: {  	v8 =	vimm.s32 $0x7;
	v9 =	vimm.s32 $0x8;
	v10 =	vimm.s32 $0x9;
	s14 =	simm.s32 @!p0 $0xC000;
	s11 =	ssub.s32 s11, s12;
	s31 =	sshrl.u32 s13, $0x3  }
0xe: {  	v11 =	vimm.s32 $0xA;
	v12 =	vimm.s32 $0xB;
	v13 =	vimm.s32 $0xC;
	s14 =	sadd.s32 s14, s10;
	s10 =	sadd.s32 s13, s2;
	s13 =	simm.s32 $0x100  }
0xf: {  	v14 =	vimm.s32 $0xD;
	v15 =	vimm.s32 $0xE;
	v16 =	vimm.s32 $0xF;
	s11 =	smax.u32 s11, $0x1;
	s12 =	sadd.s32 s14, s31;
	s14 =	simm.s32 $0x1  }
.LBB2_9:
0x10: {  	[bflag:$0x0] =	sbarrier.arrive $0xFFFF  }
0x11: {  	[tilespmem:s16], [sflag:$0x1] =	stream.linear.gather [spmem:s10], $0x2800, $0x38;
	[tilespmem:$0xA980] =	vst v63  }
0x12: {  	s21 =	sadd.s32 $0x1, s21;
	_ =	swait.ge [sflag:s14], $0x2800  }
0x13: {  	p0 =	sne.s32 s21, s11;
	[sflag:s14] =	ssyncset.done $0x0  }
.Ltmp1:
0x14: {  	[sflag:s14] =	ssyncadd.s32 $0xFFFFD800;
	(pc) =	sbr.rel @!p0 .LBB2_10-.Ltmp1, $4  }
0x15: {  	[hbm4b:s12+s3] =	stream.linear.scatter [tilespmem:s16], [sflag:$0x1], $0x2800, $0x38;
	[tilespmem:$0xA980] =	vst v63  }
0x16: {  	_ =	swait.ge [sflag:s14], $0x2800  }
0x17: {  	[sflag:s14] =	ssyncset.done $0x0  }
0x18: {  	[sflag:s14] =	ssyncadd.s32 $0xFFFFD800  }
.LBB2_1:
0x19: {  	[tilespmem:s13], [sflag:$0x1] =	stream.linear.gather [hbm4b:s6+s3], $0x2800, $0x38;
	[tilespmem:$0xA980] =	vst v63  }
0x1a: {  	_ =	swait.ge [sflag:s14], $0x2800  }
0x1b: {  	[sflag:s14] =	ssyncset.done $0x0  }
0x1c: {  	[sflag:s14] =	ssyncadd.s32 $0xFFFFD800  }
0x1d: {  	[tilespmem:s15], [sflag:$0x1] =	stream.linear.gather [hbm4b:s7+s3], $0x2800, $0x38;
	[tilespmem:$0xA980] =	vst v63  }
0x1e: {  	_ =	swait.ge [sflag:s14], $0x2800  }
0x1f: {  	[sflag:s14] =	ssyncset.done $0x0  }
0x20: {  	s22 =	simm.s32 $0x40;
	s23 =	simm.s32 $0x0;
	[sflag:s14] =	ssyncadd.s32 $0xFFFFD800  }
.LBB2_2:
0x21: {  	p0 =	sne.s32 s22, $0x9FC0;
	[tilespmem:s23+$0x5980] =	vst v0;
	s23 =	smov.u32 s22;
	s22 =	sadd.s32 $0x40, s22  }
.Ltmp2:
0x22: {  	(pc) =	sbr.rel @p0 .LBB2_2-.Ltmp2, $2  }
0x23: {  	_ =	sdelay $0x2  }
0x24: {  	s23 =	sshra.s32 s23, $0x2  }
0x25: {  	[tilespmem:s23+$0x5980] =	vst v0  }
0x26: {  	[spmem:s10] =	stream.linear.scatter [tilespmem:s16], [sflag:$0x1], $0x2800, $0x38;
	[tilespmem:$0xA980] =	vst v63  }
.Ltmp3:
0x27: {  	_ =	swait.ge [sflag:s14], $0x2800;
	(pc) =	sbr.rel .LBB2_4-.Ltmp3, $4  }
0x28: {  	[sflag:s14] =	ssyncset.done $0x0  }
0x29: {  	[sflag:s14] =	ssyncadd.s32 $0xFFFFD800  }
0x2a: {  	[bflag:$0x0] =	sbarrier.arrive $0xFFFF  }
0x2b: {  	s22 =	simm.s32 $0x0  }
.LBB2_8:
0x2c: {  	s22 =	sadd.s32 $0x1, s22  }
0x2d: {  	p0 =	sne.s32 s22, $0x4F  }
.Ltmp4:
0x2e: {  	_ = 	snop;
	(pc) =	sbr.rel @!p0 .LBB2_9-.Ltmp4, $1  }
0x2f: {  	_ =	sdelay $0x3  }
.LBB2_4:
0x30: {  	s23 =	sshll.u32 s22, $0x5  }
0x31: {  	s23 =	sor.u32 s23, s9  }
0x32: {  	s23 =	sor.u32 s4, s23  }
0x33: {  	p0 =	sgt.u32 s23, $0x9C3  }
.Ltmp5:
0x34: {  	_ = 	snop;
	(pc) =	sbr.rel @p0 .LBB2_8-.Ltmp5, $1  }
0x35: {  	_ =	sdelay $0x3  }
0x36: {  	s23 =	sshll.u32 s23, $0x4  }
0x37: {  	s25 =	simm.s32 $0x0;
	s24 =	sadd.s32 s5, s23  }
0x38: {  	[tilespmem:s25], [sflag:$0x2] =	stream.linear.gather [hbm4b:s24+s25], $0x80, $0x38;
	[tilespmem:$0xA980] =	vst v63  }
0x39: {  	_ =	swait.ge [sflag:s17], $0x80  }
0x3a: {  	[sflag:s17] =	ssyncset.done $0x0  }
0x3b: {  	s30 =	sadd.s32 s1, s23;
	[sflag:s17] =	ssyncadd.s32 $0xFFFFFF80  }
0x3c: {  	[tilespmem:s18], [sflag:$0x2] =	stream.linear.gather [hbm4b:s30+s25], $0x80, $0x38;
	[tilespmem:$0xA980] =	vst v63  }
0x3d: {  	_ =	swait.ge [sflag:s17], $0x80  }
0x3e: {  	[sflag:s17] =	ssyncset.done $0x0  }
0x3f: {  	s31 =	simm.s32 $0x0;
	[sflag:s17] =	ssyncadd.s32 $0xFFFFFF80  }
0x40: {  	v17 =	vld [tilespmem:s31+$0x0]  }
0x41: {  	v18 =	vld [tilespmem:s31+$0x80];
	_ =	sdelay $0x6  }
0x42: {  	v17 =	vld.idx.msk [tilespmem:v17+s13+$0x0], $0xffff  }
0x43: {  	v18 =	vld.idx.msk [tilespmem:v18+s15+$0x0], $0xffff;
	_ =	sdelay $0x4  }
0x44: {  	v17 =	vadd.f32 v18, v17;
	_ =	sdelay $0x1  }
0x45: {  	v18 =	vmul.f32 $2.000000030e-01, v17  }
0x46: {  	vm1 =	vge.f32 v17, $0.0e+00  }
0x47: {  	v17 =	vsel vm1, v17, v18  }
0x48: {  	v17 =	vmul.f32 $1.442695020e+00, v17;
	_ =	sdelay $0x1  }
0x49: {  	(erf) = vpow2.f32 v17;
	_ =	sdelay $0x8  }
0x4a: {  	v17 =	vpop (erf)  }
0x4b: {  	v21 =	vperm.xlane v17, v1;
	v20 =	vperm.xlane v17, v16  }
0x4c: {  	s26 =	simm.s32 $0x40;
	s24 =	simm.s32 $0x5200;
	s25 =	simm.s32 $0x5200;
	[tilespmem:s31+$0x5100] =	vst v17;
	v19 =	vperm.xlane v17, v3;
	v18 =	vperm.xlane v17, v13  }
.LBB2_6:
0x4d: {  	p0 =	sne.s32 s26, $0x1C0  }
0x4e: {  	v21 =	vnsel vm0, $0x0, v21;
	v22 =	vperm.xlane v17, v15;
	v20 =	vnsel vm0, $0x0, v20;
	s25 =	sadd.s32 $0x100, s25;
	s28 =	smov.u32 s26;
	s26 =	sadd.s32 $0x40, s26  }
0x4f: {  	[tilespmem:s24+$0xFFFFFF80] =	vst v21;
	v19 =	vnsel vm0, $0x0, v19;
	v21 =	vperm.xlane v17, v10;
	v18 =	vnsel vm0, $0x0, v18  }
0x50: {  	v23 =	vperm.xlane v17, v2;
	v24 =	vperm.xlane v17, v14;
	v22 =	vnsel vm0, $0x0, v22;
	[tilespmem:s24+$0x70] =	vst v20  }
0x51: {  	v20 =	vperm.xlane v17, v11;
	[tilespmem:s24+$0xFFFFFFA0] =	vst v19;
	v19 =	vperm.xlane v17, v4  }
0x52: {  	v25 =	vperm.xlane v17, v9;
	v23 =	vnsel vm0, $0x0, v23;
	v21 =	vnsel vm0, $0x0, v21;
	[tilespmem:s24+$0x40] =	vst v18  }
0x53: {  	v18 =	vnsel vm0, $0x0, v19;
	v19 =	vperm.xlane v17, v8;
	[tilespmem:s24+$0x10] =	vst v21;
	v21 =	vnsel vm0, $0x0, v24  }
0x54: {  	v26 =	vperm.xlane v17, v12;
	v20 =	vnsel vm0, $0x0, v20;
	v24 =	vperm.xlane v17, v5;
	[tilespmem:s24+$0x60] =	vst v22  }
0x55: {  	v25 =	vnsel vm0, $0x0, v25;
	v22 =	vperm.xlane v17, v6;
	v17 =	vperm.xlane v17, v7;
	[tilespmem:s24+$0x20] =	vst v20  }
0x56: {  	v20 =	vnsel vm0, $0x0, v24;
	v19 =	vnsel vm0, $0x0, v19;
	[tilespmem:s24+$0x0] =	vst v25  }
0x57: {  	v22 =	vnsel vm0, $0x0, v22;
	v17 =	vnsel vm0, $0x0, v17;
	[tilespmem:s24+$0xFFFFFFF0] =	vst v19;
	v19 =	vnsel vm0, $0x0, v26  }
0x58: {  	[tilespmem:s24+$0xFFFFFFD0] =	vst v22  }
0x59: {  	[tilespmem:s24+$0xFFFFFFE0] =	vst v17  }
0x5a: {  	[tilespmem:s24+$0x50] =	vst v21  }
0x5b: {  	[tilespmem:s24+$0x30] =	vst v19  }
0x5c: {  	[tilespmem:s24+$0xFFFFFF90] =	vst v23  }
0x5d: {  	[tilespmem:s24+$0xFFFFFFC0] =	vst v20  }
0x5e: {  	s28 =	sshra.s32 s28, $0x2;
	[tilespmem:s24+$0xFFFFFFB0] =	vst v18;
	s24 =	smov.u32 s25  }
0x5f: {  	v17 =	vld [tilespmem:s28+$0x0]  }
0x60: {  	v18 =	vld [tilespmem:s28+$0x80];
	_ =	sdelay $0x6  }
0x61: {  	v17 =	vld.idx.msk [tilespmem:v17+s13+$0x0], $0xffff  }
0x62: {  	v18 =	vld.idx.msk [tilespmem:v18+s15+$0x0], $0xffff;
	_ =	sdelay $0x5  }
0x63: {  	v17 =	vadd.f32 v18, v17;
	_ =	sdelay $0x1  }
0x64: {  	vm1 =	vge.f32 v17, $0.0e+00;
	v18 =	vmul.f32 $2.000000030e-01, v17;
	_ =	sdelay $0x1  }
0x65: {  	v17 =	vsel vm1, v17, v18  }
0x66: {  	v17 =	vmul.f32 $1.442695020e+00, v17;
	_ =	sdelay $0x1  }
0x67: {  	(erf) = vpow2.f32 v17;
	_ =	sdelay $0x6  }
.Ltmp6:
0x68: {  	(pc) =	sbr.rel @p0 .LBB2_6-.Ltmp6, $4  }
0x69: {  	_ = 	snop  }
0x6a: {  	v17 =	vpop (erf)  }
0x6b: {  	[tilespmem:s28+$0x5100] =	vst v17;
	v21 =	vperm.xlane v17, v1;
	v20 =	vperm.xlane v17, v16  }
0x6c: {  	v19 =	vperm.xlane v17, v3;
	v18 =	vperm.xlane v17, v13  }
0x6d: {  	v21 =	vnsel vm0, $0x0, v21  }
0x6e: {  	v20 =	vnsel vm0, $0x0, v20;
	[tilespmem:s24+$0xFFFFFF80] =	vst v21  }
0x6f: {  	v58 =	vperm.xlane v17, v10;
	v19 =	vnsel vm0, $0x0, v19;
	[tilespmem:s24+$0x70] =	vst v20  }
0x70: {  	v59 =	vperm.xlane v17, v15;
	v18 =	vnsel vm0, $0x0, v18;
	[tilespmem:s24+$0xFFFFFFA0] =	vst v19  }
0x71: {  	v60 =	vperm.xlane v17, v9;
	v21 =	vnsel vm0, $0x0, v58;
	[tilespmem:s24+$0x40] =	vst v18  }
0x72: {  	v61 =	vperm.xlane v17, v8;
	v18 =	vnsel vm0, $0x0, v59;
	[tilespmem:s24+$0x10] =	vst v21  }
0x73: {  	v19 =	vperm.xlane v17, v11;
	v20 =	vnsel vm0, $0x0, v60;
	[tilespmem:s24+$0x60] =	vst v18  }
0x74: {  	v62 =	vperm.xlane v17, v14;
	v21 =	vnsel vm0, $0x0, v61;
	[tilespmem:s24+$0x0] =	vst v20  }
0x75: {  	v18 =	vperm.xlane v17, v6;
	v19 =	vnsel vm0, $0x0, v19;
	[tilespmem:s24+$0xFFFFFFF0] =	vst v21  }
0x76: {  	v20 =	vnsel vm0, $0x0, v62;
	[tilespmem:s24+$0x20] =	vst v19;
	v19 =	vperm.xlane v17, v7  }
0x77: {  	v63 =	vperm.xlane v17, v12;
	[tilespmem:s24+$0x50] =	vst v20;
	v18 =	vnsel vm0, $0x0, v18  }
0x78: {  	[tilespmem:s24+$0xFFFFFFD0] =	vst v18;
	v18 =	vperm.xlane v17, v2;
	v19 =	vnsel vm0, $0x0, v19  }
0x79: {  	v21 =	vnsel vm0, $0x0, v63;
	[tilespmem:s24+$0xFFFFFFE0] =	vst v19;
	v19 =	vperm.xlane v17, v5  }
0x7a: {  	[tilespmem:s24+$0x30] =	vst v21;
	v17 =	vperm.xlane v17, v4;
	v18 =	vnsel vm0, $0x0, v18  }
0x7b: {  	[tilespmem:s24+$0xFFFFFF90] =	vst v18;
	v19 =	vnsel vm0, $0x0, v19  }
0x7c: {  	v17 =	vnsel vm0, $0x0, v17;
	[tilespmem:s24+$0xFFFFFFC0] =	vst v19  }
0x7d: {  	s23 =	sadd.s32 s8, s23;
	[tilespmem:s24+$0xFFFFFFB0] =	vst v17  }
0x7e: {  	[hbm4b:s23+s3] =	stream.linear.scatter [tilespmem:s19], [sflag:$0x2], $0x80, $0x38;
	[tilespmem:$0xA980] =	vst v63  }
0x7f: {  	_ =	swait.ge [sflag:s17], $0x80  }
0x80: {  	[sflag:s17] =	ssyncset.done $0x0  }
.Ltmp7:
0x81: {  	[sflag:s17] =	ssyncadd.s32 $0xFFFFFF80;
	(pc) =	sbr.rel .LBB2_8-.Ltmp7, $4  }
0x82: {  	[spmem:s2] =	stream.indirect.scatter.add.f32 [tilespmem:s20], [sflag:$0x1], $0x10, s18, s18, $0xb8;
	[tilespmem:$0xA980] =	vst v63  }
0x83: {  	_ =	swait.ge [sflag:s14], $0x800  }
0x84: {  	[sflag:s14] =	ssyncset.done $0x0  }
0x85: {  	[sflag:s14] =	ssyncadd.s32 $0xFFFFF800  }
.LBB2_10:
0x86: {  	_ =	sfence.sel $0x180000  }
0x87: {  	[bflag:$0x0] =	sbarrier.arrive $0xFFFF  }
0x88: {  	p0 =	sne.s32 s4, $0x0;
	_ =	strace $0x9000004D  }
0x89: {  	s0 =	sadd.s32 @!p0 $0x100000, s0;
	[bflag:$0x2] =	sbarrier.arrive $0xFFFF  }
0x8a: {  	[sflag:s0] =	ssyncadd.tile.s32 @!p0 $0x1;
	_ =	shalt  }
.Lfunc_end2:
_tile_overlayer_lowered:
.L_overlay_start_2:
0x8b: {  	(tag) =	ssettag $0x2  }
0x8c: {  	s0 =	rddreg [dreg:$0x0];
	s2 =	stileid.u32  }
0x8d: {  	s1 =	rddreg [dreg:$0x1];
	p0 =	sne.s32 s2, $0x0  }
0x8e: {  	s3 =	rddreg [dreg:$0x2];
	[bflag:$0x3] =	sbarrier.arrive $0xFFFF;
	s2 =	simm.s32 @!p0 $0x1C01  }
0x8f: {  	[timem:s3], [sflag:s2] =	dma.local @!p0 [hbm:s0], s1  }
0x90: {  	s0 =	simm.s32 @!p0 $0x1  }
0x91: {  	_ =	swait.ge @!p0 [sflag:s0], s1  }
0x92: {  	s1 =	ssub.s32 @!p0 $0x0, s1;
	[sflag:s0] =	ssyncset.done @!p0 $0x0  }
0x93: {  	[sflag:s0] =	ssyncadd.s32 @!p0 s1  }
0x94: {  	[bflag:$0x3] =	sbarrier.arrive $0xFFFF  }
0x95: {  	_ =	shalt  }

// kernel: kernel.20.cloned.1.call-start
scs
__scs_entry_jumppad:
0x0: {  	(pc) =	sbr.rel $0x88, $3  }
0x1: {  	(tag) =	ssettag $0x0;
	lr =	simm.s32 $0x1  }
0x2: {  	[smem:$0x3F97] =	sst lr;
	_ =	strace $0xD0000000  }
0x3: {  	_ = 	snop  }
0x4: {  	_ = 	snop  }
0x5: {  	_ = 	snop  }
0x6: {  	_ = 	snop  }
0x7: {  	_ = 	snop  }
__scs_overlays_trampoline_lowered:
0x8: {  	[smem:$0x3FA6] =	sst s0  }
0x9: {  	[smem:$0x3FA7] =	sst s1  }
0xa: {  	[smem:$0x3FA8] =	sst s2  }
0xb: {  	[smem:$0x3FA9] =	sst s3  }
0xc: {  	[smem:$0x3FAA] =	sst s4  }
0xd: {  	[smem:$0x3FAB] =	sst s5  }
0xe: {  	[smem:$0x3FAC] =	sst s6  }
0xf: {  	[smem:$0x3FAD] =	sst s7  }
0x10: {  	[smem:$0x3FAE] =	sst s8  }
0x11: {  	[smem:$0x3FAF] =	sst s9;
	s0 =	simm.s32 @!p0 $0x0  }
0x12: {  	s1 =	sld [smem:$0x3F95];
	s0 =	simm.s32 @p0 $0x1  }
0x13: {  	[smem:$0x3FB0] =	sst s0;
	s0 =	simm.s32 @!p1 $0x0  }
0x14: {  	s2 =	sld [smem:$0x3F94];
	s0 =	simm.s32 @p1 $0x1  }
0x15: {  	[smem:$0x3FB1] =	sst s0;
	s0 =	simm.s32 @!p2 $0x0  }
0x16: {  	s3 =	sld [smem:$0x3FDB];
	s0 =	simm.s32 @p2 $0x1  }
0x17: {  	s4 =	simm.s32 $0x1BF5;
	[smem:$0x3FB3] =	sst s0  }
0x18: {  	s0 =	sld [smem:$0x3F96];
	_ =	swait.ge [sflag:s4], $0x0  }
0x19: {  	s7 =	sld [smem:$0x3F97]  }
0x1a: {  	s8 =	sadd.s32 $0xFFFFE003, lr  }
0x1b: {  	s9 =	sadd.s32 $0xFFFFFEF7, lr;
	s5 =	simm.s32 $0xFFFFFFFF;
	p2 =	slt.u32 s8, $0xFFFFF086  }
0x1c: {  	p1 =	slt.u32 s9, $0xF7A;
	s5 =	simm.s32 @!p2 $0x0  }
0x1d: {  	s5 =	simm.s32 @p1 $0x1;
	p0 =	seq.s32 s7, s2  }
0x1e: {  	s7 =	smul.u32 @!p0 $0xF7A, s2;
	p2 =	seq.s32 @!p0 s5, $0x0  }
0x1f: {  	s9 =	smul.u32 $0xF7A, s1;
	s8 =	simm.s32 @!p0 $0x1BF5;
	p2 =	por !p2, p0  }
0x20: {  	[sflag:s8] =	ssyncset.s32 @!p0 $0xFFFFF086;
	s6 =	sadd.s32 @!p0 s3, s7;
	s7 =	simm.s32 @!p0 $0x108  }
0x21: {  	s3 =	sadd.s32 s3, s9;
	s6 =	sadd.s32 @!p0 $0x88, s6;
	s7 =	simm.s32 @p2 $0x1082  }
0x22: {  	[simem:s7], [sflag:s8] =	dma.local @!p0 [hbm:s6], $0xF7A  }
0x23: {  	s9 =	sor.u32 $0xD0000000, s2;
	s6 =	simm.s32 $0x108;
	_ =	swait.ge @!p0 [sflag:s8], $0x0  }
0x24: {  	s3 =	sadd.s32 $0x88, s3;
	s6 =	simm.s32 @!p1 $0x1082;
	[sflag:s4] =	ssyncset.s32 $0xFFFFF086  }
0x25: {  	[simem:s6], [sflag:s4] =	dma.local [hbm:s3], $0xF7A  }
0x26: {  	[smem:$0x3F97] =	sst s1;
	(tag) =	ssettag s2;
	_ =	strace s9  }
0x27: {  	s1 =	sld [smem:$0x3FA7]  }
0x28: {  	s2 =	sld [smem:$0x3FA8]  }
0x29: {  	s4 =	sld [smem:$0x3FAA]  }
0x2a: {  	p0 =	seq.s32 s5, $0x0;
	s5 =	sld [smem:$0x3FAB]  }
0x2b: {  	s6 =	sld [smem:$0x3FAC]  }
0x2c: {  	s7 =	sld [smem:$0x3FAD]  }
0x2d: {  	s3 =	simm.s32 $0x108;
	s8 =	sld [smem:$0x3FAE]  }
0x2e: {  	s3 =	simm.s32 @!p0 $0x1082;
	s9 =	sld [smem:$0x3FAF]  }
0x2f: {  	lr =	sadd.s32 s0, s3;
	s0 =	sld [smem:$0x3FA6]  }
0x30: {  	s3 =	sld [smem:$0x3FA9]  }
0x31: {  	[smem:$0x3FB2] =	sst s10  }
0x32: {  	s10 =	sld [smem:$0x3FB0];
	_ =	sdelay $0x3  }
0x33: {  	p0 =	seq.s32 s10, $0x1;
	s10 =	sld [smem:$0x3FB2];
	_ =	sdelay $0x3  }
0x34: {  	[smem:$0x3FB2] =	sst s10  }
0x35: {  	s10 =	sld [smem:$0x3FB1];
	_ =	sdelay $0x3  }
0x36: {  	p1 =	seq.s32 s10, $0x1;
	s10 =	sld [smem:$0x3FB2];
	_ =	sdelay $0x3  }
0x37: {  	[smem:$0x3FB2] =	sst s10  }
0x38: {  	s10 =	sld [smem:$0x3FB3]  }
0x39: {  	_ = 	snop;
	(pc) =	sbr.ind lr, $3  }
0x3a: {  	_ = 	snop  }
0x3b: {  	_ = 	snop  }
0x3c: {  	p2 =	seq.s32 s10, $0x1;
	s10 =	sld [smem:$0x3FB2]  }
0x3d: {  	_ =	shalt  }
0x3e: {  	_ =	shalt  }
0x3f: {  	_ =	shalt  }
0x40: {  	_ =	shalt  }
0x41: {  	_ =	shalt  }
0x42: {  	_ =	shalt  }
0x43: {  	_ =	shalt  }
0x44: {  	_ =	shalt  }
0x45: {  	_ =	shalt  }
0x46: {  	_ =	shalt  }
0x47: {  	_ =	shalt  }
0x48: {  	_ =	shalt  }
0x49: {  	_ =	shalt  }
0x4a: {  	_ =	shalt  }
0x4b: {  	_ =	shalt  }
0x4c: {  	_ =	shalt  }
0x4d: {  	_ =	shalt  }
0x4e: {  	_ =	shalt  }
0x4f: {  	_ =	shalt  }
0x50: {  	_ =	shalt  }
0x51: {  	_ =	shalt  }
0x52: {  	_ =	shalt  }
0x53: {  	_ =	shalt  }
0x54: {  	_ =	shalt  }
0x55: {  	_ =	shalt  }
0x56: {  	_ =	shalt  }
0x57: {  	_ =	shalt  }
0x58: {  	_ =	shalt  }
0x59: {  	_ =	shalt  }
0x5a: {  	_ =	shalt  }
0x5b: {  	_ =	shalt  }
0x5c: {  	_ =	shalt  }
0x5d: {  	_ =	shalt  }
0x5e: {  	_ =	shalt  }
0x5f: {  	_ =	shalt  }
0x60: {  	_ =	shalt  }
0x61: {  	_ =	shalt  }
0x62: {  	_ =	shalt  }
0x63: {  	_ =	shalt  }
0x64: {  	_ =	shalt  }
0x65: {  	_ =	shalt  }
0x66: {  	_ =	shalt  }
0x67: {  	_ =	shalt  }
0x68: {  	_ =	shalt  }
0x69: {  	_ =	shalt  }
0x6a: {  	_ =	shalt  }
0x6b: {  	_ =	shalt  }
0x6c: {  	_ =	shalt  }
0x6d: {  	_ =	shalt  }
0x6e: {  	_ =	shalt  }
0x6f: {  	_ =	shalt  }
0x70: {  	_ =	shalt  }
0x71: {  	_ =	shalt  }
0x72: {  	_ =	shalt  }
0x73: {  	_ =	shalt  }
0x74: {  	_ =	shalt  }
0x75: {  	_ =	shalt  }
0x76: {  	_ =	shalt  }
0x77: {  	_ =	shalt  }
0x78: {  	_ =	shalt  }
0x79: {  	_ =	shalt  }
0x7a: {  	_ =	shalt  }
0x7b: {  	_ =	shalt  }
0x7c: {  	_ =	shalt  }
0x7d: {  	_ =	shalt  }
0x7e: {  	_ =	shalt  }
0x7f: {  	_ =	shalt  }
0x80: {  	_ =	shalt  }
0x81: {  	_ =	shalt  }
0x82: {  	_ =	shalt  }
0x83: {  	_ =	shalt  }
0x84: {  	_ =	shalt  }
0x85: {  	_ =	shalt  }
0x86: {  	_ =	shalt  }
0x87: {  	_ =	shalt  }
.Lfunc_end0:
.L_simem_size_0:
called_computation.3_lowered:
.L_overlay_start_0:
0x88: {  	s2 =	sld [smem:$0x3FD9]  }
0x89: {  	s3 =	sld [smem:$0x3FFE];
	_ =	sdelay $0x1  }
0x8a: {  	s1 =	srdreg.scid  }
0x8b: {  	s0 =	sand.u32 $0x1, s1  }
0x8c: {  	s17 =	sshll.u32 s0, $0xA;
	s2 =	sadd.s32 s3, s2  }
0x8d: {  	s2 =	sadd.s32 s2, s17  }
0x8e: {  	[smem:$0x3FBE] =	sst s2  }
0x8f: {  	_ = 	snop  }
0x90: {  	s2 =	sld [smem:$0x3FD0];
	(tm) =	ssettm $0x1  }
0x91: {  	s18 =	sld [smem:$0x3FFB];
	_ =	sdelay $0x3  }
0x92: {  	_ =	strace s18  }
0x93: {  	s3 =	sld [smem:$0x3FFC];
	_ =	sdelay $0x3  }
0x94: {  	_ =	strace s3  }
0x95: {  	s3 =	sld [smem:$0x3FFD];
	_ =	sdelay $0x3  }
0x96: {  	_ =	strace s3  }
0x97: {  	_ =	strace $0x8FFFFFFF  }
0x98: {  	s19 =	sld [smem:$0x3FDB];
	_ =	sdelay $0x1  }
0x99: {  	s4 =	simm.s32 $_scs_section_size  }
0x9a: {  	s5 =	simm.s32 $_size__tile_overlayer_lowered;
	s6 =	simm.s32 $_tile_overlayer_lowered  }
0x9b: {  	s22 =	simm.s32 $0x1BFF;
	s21 =	sshll.u32 s6, $0x1;
	s3 =	sadd.s32 s4, s19  }
0x9c: {  	s7 =	simm.s32 $0x0;
	s20 =	sshll.u32 s5, $0x1;
	s5 =	sadd.s32 s21, s3  }
0x9d: {  	[timem:s7], [sflag:s22] =	dma.local [hbm:s5], s20  }
0x9e: {  	_ =	swait.ge [sflag:s22], s20  }
0x9f: {  	s4 =	ssub.s32 $0x0, s20;
	[sflag:s22] =	ssyncset.done $0x0  }
0xa0: {  	[sflag:s22] =	ssyncadd.s32 s4;
	_ =	sdelay $0x1  }
0xa1: {  	s23 =	simm.s32 $0x1B8B  }
0xa2: {  	_ =	swait.ge [sflag:s23], $0x1  }
0xa3: {  	[sflag:s23] =	ssyncset.done $0x0  }
0xa4: {  	s25 =	simm.s32 $0x1B8E;
	s24 =	sld [smem:$0x3FFE];
	[sflag:s23] =	ssyncadd.s32 $0xFFFFFFFF  }
0xa5: {  	s26 =	simm.s32 $execute0_lowered;
	[smem:$0x3FD2] =	sst s25  }
0xa6: {  	s5 =	sshll.u32 s26, $0x1;
	_ =	strace $0x8000004F;
	[dreg:$0x1] =	wrdreg $0xFFFFFFFF  }
0xa7: {  	s28 =	simm.s32 $_size_execute0_lowered;
	s3 =	sadd.s32 s3, s5;
	[dreg:$0x0] =	wrdreg $0x0  }
0xa8: {  	s5 =	sshll.u32 s28, $0x1;
	[dreg:$0x2] =	wrdreg s3  }
0xa9: {  	[dreg:$0x3] =	wrdreg s5  }
0xaa: {  	[dreg:$0x4] =	wrdreg $0xC0  }
0xab: {  	_ =	task [dreg:s7], $0x5FFFF  }
0xac: {  	[dreg:$0x1] =	wrdreg $0xFFFFFFFF  }
0xad: {  	[dreg:$0x0] =	wrdreg $0x60  }
0xae: {  	[dreg:$0x2] =	wrdreg s24  }
0xaf: {  	[dreg:$0x3] =	wrdreg s2  }
0xb0: {  	[dreg:$0x4] =	wrdreg $0xB9800  }
0xb1: {  	[dreg:$0x5] =	wrdreg $0x9  }
0xb2: {  	_ =	task.clear_ibuf [dreg:s7], $0x6FFFF;
	_ =	strace $0x9000004F  }
0xb3: {  	s29 =	simm.s32 $0x9;
	_ =	strace $0x80000051  }
0xb4: {  	_ =	swait.ge [sflag:s29], $0x1  }
0xb5: {  	[sflag:s29] =	ssyncadd.s32 $0xFFFFFFFF  }
0xb6: {  	_ =	strace $0x90000051  }
0xb7: {  	_ =	sfence  }
0xb8: {  	s30 =	sld [smem:$0x0];
	_ =	sdelay $0x2  }
0xb9: {  	s31 =	sshll.u32 s1, $0xD;
	s1 =	sshrl.u32 s1, $0x2  }
0xba: {  	s3 =	sand.u32 $0x4000, s31;
	s1 =	sadd.s32 s1, s30  }
0xbb: {  	s0 =	sor.u32 s3, s0;
	s1 =	sshll.u32 s1, $0x11  }
0xbc: {  	s0 =	sor.u32 s1, s0  }
0xbd: {  	s0 =	sadd.s32 $0x8F2B, s0  }
0xbe: {  	[sflag:s0] =	ssyncadd.remote.s32 $0x1  }
0xbf: {  	_ =	sfence.sel $0xFFFF  }
0xc0: {  	[dreg:$0x0] =	wrdreg $0xFFFFFFFF;
	(pc) =	sbr.abs _section_cstart, $3  }
0xc1: {  	[dreg:$0x1] =	wrdreg $0xFFFFFFFF  }
0xc2: {  	_ =	task.clear_ibuf [dreg:s7], $0x2FFFF;
	_ =	strace $0x9FFFFFFF  }
0xc3: {  	(tm) =	ssettm $0x7FFFFFFF  }
tec
execute0_lowered:
.L_overlay_start_1:
0x0: {  	(tag) =	ssettag $0x1  }
0x1: {  	s12 =	rddreg [dreg:$0x0]  }
0x2: {  	s1 =	rddreg [dreg:$0x1]  }
0x3: {  	s2 =	rddreg [dreg:$0x2]  }
0x4: {  	s0 =	rddreg [dreg:$0x3];
	s3 =	simm.s32 $0x0;
	s4 =	srdreg.scid  }
0x5: {  	s14 =	simm.s32 $0x2EE00;
	s15 =	simm.s32 $0x4180;
	s16 =	simm.s32 $0x2  }
0x6: {  	s17 =	simm.s32 $0x80;
	s18 =	simm.s32 $0x100;
	s19 =	simm.s32 $0x2980  }
0x7: {  	s20 =	simm.s32 $0x0;
	[smem:$0x7FF] =	sst s3;
	s5 =	sadd.s32 $0x1600, s12  }
0x8: {  	s6 =	sadd.s32 $0x16000, s12;
	s9 =	sand.u32 $0x1, s4;
	s4 =	stileid.u32  }
0x9: {  	v0 =	vimm.f32 $0.0e+00;
	v1 =	vimm.s32 $0x0;
	s7 =	sadd.s32 $0xB400, s12;
	s8 =	sadd.s32 $0x1FE00, s12;
	s13 =	smul.u32 $0x7800, s4  }
.Ltmp0:
0xa: {  	v2 =	vimm.s32 $0x1;
	v3 =	vimm.s32 $0x2;
	v4 =	vimm.s32 $0x3;
	_ =	strace $0x80000050;
	s10 =	ssub.s32 $0x2, s9;
	(pc) =	sbr.rel .LBB2_1-.Ltmp0, $4  }
0xb: {  	v5 =	vimm.s32 $0x4;
	v6 =	vimm.s32 $0x5;
	v7 =	vimm.s32 $0x6;
	p0 =	seq.s32 s9, $0x1;
	s9 =	sshll.u32 s9, $0x4;
	s11 =	sshrl.u32 s10, $0x1  }
0xc: {  	v8 =	vimm.s32 $0x7;
	v9 =	vimm.s32 $0x8;
	v10 =	vimm.s32 $0x9;
	s14 =	simm.s32 @!p0 $0x3DE00;
	s11 =	ssub.s32 s10, s11;
	s10 =	sadd.s32 s13, s2  }
0xd: {  	v11 =	vimm.s32 $0xA;
	v12 =	vimm.s32 $0xB;
	v13 =	vimm.s32 $0xC;
	s13 =	sshrl.u32 s13, $0x3;
	s12 =	sadd.s32 s14, s12;
	s14 =	simm.s32 $0x1  }
0xe: {  	v14 =	vimm.s32 $0xD;
	v15 =	vimm.s32 $0xE;
	v16 =	vimm.s32 $0xF;
	s11 =	smax.u32 s11, $0x1;
	s12 =	sadd.s32 s12, s13;
	s13 =	simm.s32 $0x180  }
.LBB2_9:
0xf: {  	[bflag:$0x0] =	sbarrier.arrive $0xFFFF  }
0x10: {  	[tilespmem:s15], [sflag:$0x1] =	stream.linear.gather [spmem:s10], $0x7800, $0x38;
	[tilespmem:$0x13180] =	vst v63  }
0x11: {  	s20 =	sadd.s32 $0x1, s20;
	_ =	swait.ge [sflag:s14], $0x7800  }
0x12: {  	p0 =	sne.s32 s20, s11;
	[sflag:s14] =	ssyncset.done $0x0  }
.Ltmp1:
0x13: {  	[sflag:s14] =	ssyncadd.s32 $0xFFFF8800;
	(pc) =	sbr.rel @!p0 .LBB2_10-.Ltmp1, $4  }
0x14: {  	[hbm4b:s12+s3] =	stream.linear.scatter [tilespmem:s15], [sflag:$0x1], $0x7800, $0x38;
	[tilespmem:$0x13180] =	vst v63  }
0x15: {  	_ =	swait.ge [sflag:s14], $0x7800  }
0x16: {  	[sflag:s14] =	ssyncset.done $0x0  }
0x17: {  	[sflag:s14] =	ssyncadd.s32 $0xFFFF8800  }
.LBB2_1:
0x18: {  	[tilespmem:s13], [sflag:$0x1] =	stream.linear.gather [hbm4b:s7+s3], $0x2800, $0x38;
	[tilespmem:$0x13180] =	vst v63  }
0x19: {  	_ =	swait.ge [sflag:s14], $0x2800  }
0x1a: {  	[sflag:s14] =	ssyncset.done $0x0  }
0x1b: {  	s21 =	simm.s32 $0xC0;
	s22 =	simm.s32 $0x0;
	[sflag:s14] =	ssyncadd.s32 $0xFFFFD800  }
.LBB2_2:
0x1c: {  	p0 =	sne.s32 s21, $0x1DF40;
	[tilespmem:s22+$0x41A0] =	vst v0;
	s23 =	smov.u32 s21;
	s21 =	sadd.s32 $0xC0, s21  }
.Ltmp2:
0x1d: {  	[tilespmem:s22+$0x4180] =	vst v0;
	(pc) =	sbr.rel @p0 .LBB2_2-.Ltmp2, $2  }
0x1e: {  	[tilespmem:s22+$0x4190] =	vst v0;
	_ =	sdelay $0x2  }
0x1f: {  	s22 =	sshra.s32 s23, $0x2  }
0x20: {  	[tilespmem:s22+$0x41A0] =	vst v0  }
0x21: {  	[tilespmem:s22+$0x4180] =	vst v0  }
0x22: {  	[tilespmem:s22+$0x4190] =	vst v0  }
0x23: {  	[spmem:s10] =	stream.linear.scatter [tilespmem:s15], [sflag:$0x1], $0x7800, $0x38;
	[tilespmem:$0x13180] =	vst v63  }
.Ltmp3:
0x24: {  	_ =	swait.ge [sflag:s14], $0x7800;
	(pc) =	sbr.rel .LBB2_4-.Ltmp3, $4  }
0x25: {  	[sflag:s14] =	ssyncset.done $0x0  }
0x26: {  	[sflag:s14] =	ssyncadd.s32 $0xFFFF8800  }
0x27: {  	[bflag:$0x0] =	sbarrier.arrive $0xFFFF  }
0x28: {  	s21 =	simm.s32 $0x0  }
.LBB2_8:
0x29: {  	s21 =	sadd.s32 $0x1, s21  }
0x2a: {  	p0 =	sne.s32 s21, $0x4F  }
.Ltmp4:
0x2b: {  	_ = 	snop;
	(pc) =	sbr.rel @!p0 .LBB2_9-.Ltmp4, $1  }
0x2c: {  	_ =	sdelay $0x3  }
.LBB2_4:
0x2d: {  	s22 =	sshll.u32 s21, $0x5  }
0x2e: {  	s22 =	sor.u32 s22, s9  }
0x2f: {  	s22 =	sor.u32 s4, s22  }
0x30: {  	p0 =	sgt.u32 s22, $0x9C3  }
.Ltmp5:
0x31: {  	_ = 	snop;
	(pc) =	sbr.rel @p0 .LBB2_8-.Ltmp5, $1  }
0x32: {  	_ =	sdelay $0x3  }
0x33: {  	s22 =	sshll.u32 s22, $0x4  }
0x34: {  	s24 =	simm.s32 $0x0;
	s23 =	sadd.s32 s5, s22  }
0x35: {  	[tilespmem:s24], [sflag:$0x2] =	stream.linear.gather [hbm4b:s23+s24], $0x80, $0x38;
	[tilespmem:$0x13180] =	vst v63  }
0x36: {  	_ =	swait.ge [sflag:s16], $0x80  }
0x37: {  	[sflag:s16] =	ssyncset.done $0x0  }
0x38: {  	s30 =	sadd.s32 s1, s22;
	[sflag:s16] =	ssyncadd.s32 $0xFFFFFF80  }
0x39: {  	[tilespmem:s17], [sflag:$0x2] =	stream.linear.gather [hbm4b:s30+s24], $0x80, $0x38;
	[tilespmem:$0x13180] =	vst v63  }
0x3a: {  	_ =	swait.ge [sflag:s16], $0x80  }
0x3b: {  	[sflag:s16] =	ssyncset.done $0x0  }
0x3c: {  	s22 =	sadd.s32 s6, s22;
	[sflag:s16] =	ssyncadd.s32 $0xFFFFFF80  }
0x3d: {  	[tilespmem:s18], [sflag:$0x2] =	stream.linear.gather [hbm4b:s22+s24], $0x80, $0x38;
	[tilespmem:$0x13180] =	vst v63  }
0x3e: {  	_ =	swait.ge [sflag:s16], $0x80  }
0x3f: {  	[sflag:s16] =	ssyncset.done $0x0  }
0x40: {  	[sflag:s16] =	ssyncadd.s32 $0xFFFFFF80  }
0x41: {  	[tilespmem:s19], [sflag:$0x2] =	stream.indirect.gather [hbm4b:s8+s17], $0x30, s24, s17, $0xb8;
	[tilespmem:$0x13180] =	vst v63  }
0x42: {  	_ =	swait.ge [sflag:s16], $0x1800  }
0x43: {  	[sflag:s16] =	ssyncset.done $0x0  }
0x44: {  	s22 =	simm.s32 $0x2B00;
	[sflag:s16] =	ssyncadd.s32 $0xFFFFE800  }
0x45: {  	v27 =	vld [tilespmem:s22+$0xFFFFFEA0]  }
0x46: {  	v17 =	vld [tilespmem:s22+$0xFFFFFFF0]  }
0x47: {  	v30 =	vld [tilespmem:s22+$0xFFFFFFB0]  }
0x48: {  	v32 =	vld [tilespmem:s22+$0x160]  }
0x49: {  	v37 =	vld [tilespmem:s22+$0xFFFFFEE0]  }
0x4a: {  	v24 =	vld [tilespmem:s22+$0x30]  }
0x4b: {  	v18 =	vld [tilespmem:s22+$0xFFFFFF70]  }
0x4c: {  	s31 =	simm.s32 $0x0;
	v20 =	vld [tilespmem:s22+$0x130]  }
0x4d: {  	v22 =	vld [tilespmem:s31+$0x80]  }
0x4e: {  	v35 =	vld [tilespmem:s22+$0x170]  }
0x4f: {  	v34 =	vld [tilespmem:s22+$0x150]  }
0x50: {  	v19 =	vld [tilespmem:s22+$0xFFFFFF50]  }
0x51: {  	v21 =	vld [tilespmem:s22+$0x0]  }
0x52: {  	v23 =	vld [tilespmem:s22+$0x80]  }
0x53: {  	v25 =	vld [tilespmem:s22+$0x20]  }
0x54: {  	v26 =	vld [tilespmem:s22+$0xFFFFFF80]  }
0x55: {  	v28 =	vld [tilespmem:s31+$0x100]  }
0x56: {  	v22 =	vld.idx.msk [tilespmem:v22+s13+$0x0], $0xffff  }
0x57: {  	v29 =	vld [tilespmem:s22+$0xFFFFFFE0]  }
0x58: {  	v31 =	vld [tilespmem:s22+$0xA0]  }
0x59: {  	v36 =	vld [tilespmem:s22+$0x140]  }
0x5a: {  	v42 =	vld [tilespmem:s22+$0xFFFFFE80]  }
0x5b: {  	v43 =	vld [tilespmem:s22+$0xFFFFFF00];
	v22 =	vmul.f32 v28, v22  }
0x5c: {  	v41 =	vld [tilespmem:s22+$0x110]  }
0x5d: {  	v44 =	vld [tilespmem:s22+$0x100];
	v33 =	vperm.xlane v22, v1;
	v40 =	vperm.xlane v22, v16  }
0x5e: {  	v39 =	vld [tilespmem:s22+$0x120];
	v38 =	vperm.xlane v22, v3;
	v28 =	vperm.xlane v22, v15  }
0x5f: {  	v46 =	vmul.f32 v42, v33;
	v42 =	vld [tilespmem:s22+$0xFFFFFEF0];
	v45 =	vmul.f32 v34, v40  }
0x60: {  	s23 =	simm.s32 $0x40;
	s24 =	simm.s32 $0x2B00;
	v34 =	vld [tilespmem:s22+$0xFFFFFE90];
	v47 =	vmul.f32 v37, v38;
	v37 =	vperm.xlane v22, v14  }
.LBB2_6:
0x61: {  	p0 =	sne.s32 s23, $0x1C0  }
0x62: {  	[tilespmem:s22+$0xFFFFFE80] =	vst v46;
	v43 =	vmul.f32 v43, v38;
	v46 =	vld [tilespmem:s22+$0x60];
	v35 =	vmul.f32 v35, v40;
	s24 =	sadd.s32 $0x300, s24;
	s25 =	smov.u32 s23;
	s23 =	sadd.s32 $0x40, s23  }
0x63: {  	[tilespmem:s22+$0xFFFFFEE0] =	vst v47;
	v47 =	vperm.xlane v22, v12;
	v48 =	vld [tilespmem:s22+$0xF0];
	v44 =	vmul.f32 v44, v37  }
0x64: {  	v41 =	vmul.f32 v41, v37;
	v49 =	vld [tilespmem:s22+$0xFFFFFEC0];
	v39 =	vmul.f32 v39, v28;
	[tilespmem:s22+$0x150] =	vst v45  }
0x65: {  	v36 =	vmul.f32 v36, v28;
	v38 =	vmul.f32 v42, v38;
	v42 =	vld [tilespmem:s22+$0xD0];
	[tilespmem:s22+$0x170] =	vst v35  }
0x66: {  	v32 =	vmul.f32 v32, v40;
	v45 =	vperm.xlane v22, v7;
	v35 =	vld [tilespmem:s22+$0xFFFFFED0];
	[tilespmem:s22+$0x100] =	vst v44  }
0x67: {  	v27 =	vmul.f32 v27, v33;
	v40 =	vperm.xlane v22, v2;
	[tilespmem:s22+$0xFFFFFF00] =	vst v43;
	v43 =	vld [tilespmem:s22+$0xC0]  }
0x68: {  	v50 =	vperm.xlane v22, v11;
	v44 =	vld [tilespmem:s22+$0xFFFFFEB0];
	v37 =	vmul.f32 v48, v37;
	[tilespmem:s22+$0x160] =	vst v32  }
0x69: {  	v32 =	vmul.f32 v49, v40;
	v48 =	vld [tilespmem:s22+$0xFFFFFF90];
	v49 =	vperm.xlane v22, v9;
	[tilespmem:s22+$0x110] =	vst v41  }
0x6a: {  	v33 =	vmul.f32 v34, v33;
	v41 =	vperm.xlane v22, v6;
	v34 =	vld [tilespmem:s22+$0xFFFFFF60];
	[tilespmem:s22+$0x140] =	vst v36  }
0x6b: {  	v30 =	vmul.f32 v30, v45;
	[tilespmem:s22+$0xFFFFFEC0] =	vst v32;
	v32 =	vmul.f32 v35, v40;
	v35 =	vld [tilespmem:s22+$0xE0]  }
0x6c: {  	v51 =	vperm.xlane v22, v13;
	v36 =	vperm.xlane v22, v5;
	[tilespmem:s22+$0xFFFFFEA0] =	vst v27;
	v27 =	vld [tilespmem:s22+$0x90]  }
0x6d: {  	v40 =	vmul.f32 v44, v40;
	[tilespmem:s22+$0xFFFFFFB0] =	vst v30;
	v30 =	vperm.xlane v22, v8;
	v44 =	vld [tilespmem:s22+$0xB0]  }
0x6e: {  	v52 =	vperm.xlane v22, v10;
	v43 =	vmul.f32 v43, v51;
	[tilespmem:s22+$0xFFFFFEF0] =	vst v38;
	v38 =	vld [tilespmem:s22+$0xFFFFFFC0]  }
0x6f: {  	v42 =	vmul.f32 v42, v51;
	[tilespmem:s22+$0xFFFFFE90] =	vst v33;
	v33 =	vmul.f32 v34, v36;
	v34 =	vld [tilespmem:s22+$0x10]  }
0x70: {  	v48 =	vmul.f32 v48, v41;
	v53 =	vld [tilespmem:s22+$0xFFFFFFA0];
	v35 =	vmul.f32 v35, v51;
	[tilespmem:s22+$0x120] =	vst v39  }
0x71: {  	v24 =	vmul.f32 v24, v52;
	v31 =	vmul.f32 v31, v47;
	v39 =	vld [tilespmem:s22+$0xFFFFFF10];
	[tilespmem:s22+$0xF0] =	vst v37  }
0x72: {  	v29 =	vmul.f32 v29, v30;
	v37 =	vld [tilespmem:s22+$0x70];
	v44 =	vmul.f32 v44, v47;
	[tilespmem:s22+$0xC0] =	vst v43  }
0x73: {  	v26 =	vmul.f32 v26, v41;
	v43 =	vld [tilespmem:s22+$0xFFFFFF40];
	[tilespmem:s22+$0xFFFFFF90] =	vst v48;
	v48 =	vmul.f32 v17, v30  }
0x74: {  	v25 =	vmul.f32 v25, v49;
	v17 =	vld [tilespmem:s22+$0xFFFFFFD0];
	v34 =	vmul.f32 v34, v49;
	[tilespmem:s22+$0x30] =	vst v24  }
0x75: {  	v38 =	vmul.f32 v38, v45;
	v24 =	vld [tilespmem:s22+$0xFFFFFF30];
	v51 =	vmul.f32 v53, v45;
	[tilespmem:s22+$0xD0] =	vst v42  }
0x76: {  	v20 =	vmul.f32 v20, v28;
	v45 =	vmul.f32 v27, v47;
	v42 =	vld [tilespmem:s22+$0xFFFFFF20];
	[tilespmem:s22+$0xA0] =	vst v31  }
0x77: {  	v23 =	vmul.f32 v23, v50;
	[tilespmem:s22+$0xFFFFFFE0] =	vst v29;
	v28 =	vld [tilespmem:s22+$0x40];
	v29 =	vmul.f32 v37, v50  }
0x78: {  	v21 =	vmul.f32 v21, v49;
	v31 =	vmul.f32 v46, v50;
	[tilespmem:s22+$0xFFFFFF80] =	vst v26;
	v26 =	vld [tilespmem:s22+$0x50]  }
0x79: {  	v22 =	vperm.xlane v22, v4;
	v27 =	vld [tilespmem:s24+$0xFFFFFEA0];
	v37 =	vmul.f32 v17, v30;
	[tilespmem:s22+$0x20] =	vst v25  }
0x7a: {  	v19 =	vmul.f32 v19, v36;
	v17 =	vmul.f32 v43, v36;
	[tilespmem:s22+$0x130] =	vst v20  }
0x7b: {  	v20 =	vmul.f32 v39, v22;
	v25 =	vmul.f32 v42, v22;
	[tilespmem:s22+$0xFFFFFF60] =	vst v33  }
0x7c: {  	v22 =	vmul.f32 v24, v22;
	v24 =	vmul.f32 v28, v52;
	[tilespmem:s22+$0x80] =	vst v23  }
0x7d: {  	v18 =	vmul.f32 v18, v41;
	[tilespmem:s22+$0x0] =	vst v21;
	v21 =	vmul.f32 v26, v52  }
0x7e: {  	[tilespmem:s22+$0x60] =	vst v31  }
0x7f: {  	[tilespmem:s22+$0xFFFFFF50] =	vst v19  }
0x80: {  	[tilespmem:s22+$0x90] =	vst v45  }
0x81: {  	[tilespmem:s22+$0xFFFFFF70] =	vst v18  }
0x82: {  	[tilespmem:s22+$0xFFFFFFC0] =	vst v38  }
0x83: {  	[tilespmem:s22+$0xB0] =	vst v44  }
0x84: {  	[tilespmem:s22+$0x50] =	vst v21  }
0x85: {  	[tilespmem:s22+$0xFFFFFED0] =	vst v32  }
0x86: {  	[tilespmem:s22+$0xFFFFFF40] =	vst v17  }
0x87: {  	[tilespmem:s22+$0xFFFFFF10] =	vst v20  }
0x88: {  	[tilespmem:s22+$0xFFFFFEB0] =	vst v40  }
0x89: {  	[tilespmem:s22+$0xFFFFFF20] =	vst v25  }
0x8a: {  	[tilespmem:s22+$0xFFFFFF30] =	vst v22  }
0x8b: {  	v17 =	vld [tilespmem:s24+$0xFFFFFFF0];
	[tilespmem:s22+$0x70] =	vst v29  }
0x8c: {  	v30 =	vld [tilespmem:s24+$0xFFFFFFB0];
	[tilespmem:s22+$0xFFFFFFD0] =	vst v37  }
0x8d: {  	v32 =	vld [tilespmem:s24+$0x160];
	[tilespmem:s22+$0x40] =	vst v24  }
0x8e: {  	v37 =	vld [tilespmem:s24+$0xFFFFFEE0];
	[tilespmem:s22+$0x10] =	vst v34  }
0x8f: {  	v24 =	vld [tilespmem:s24+$0x30];
	[tilespmem:s22+$0xFFFFFFF0] =	vst v48  }
0x90: {  	v18 =	vld [tilespmem:s24+$0xFFFFFF70];
	[tilespmem:s22+$0xE0] =	vst v35  }
0x91: {  	s25 =	sshra.s32 s25, $0x2;
	v20 =	vld [tilespmem:s24+$0x130];
	[tilespmem:s22+$0xFFFFFFA0] =	vst v51;
	s22 =	smov.u32 s24  }
0x92: {  	v22 =	vld [tilespmem:s25+$0x80]  }
0x93: {  	v35 =	vld [tilespmem:s24+$0x170]  }
0x94: {  	v34 =	vld [tilespmem:s24+$0x150]  }
0x95: {  	v19 =	vld [tilespmem:s24+$0xFFFFFF50]  }
0x96: {  	v21 =	vld [tilespmem:s24+$0x0]  }
0x97: {  	v23 =	vld [tilespmem:s24+$0x80]  }
0x98: {  	v25 =	vld [tilespmem:s24+$0x20]  }
0x99: {  	v26 =	vld [tilespmem:s24+$0xFFFFFF80]  }
0x9a: {  	v22 =	vld.idx.msk [tilespmem:v22+s13+$0x0], $0xffff  }
0x9b: {  	v28 =	vld [tilespmem:s25+$0x100]  }
0x9c: {  	v29 =	vld [tilespmem:s24+$0xFFFFFFE0]  }
0x9d: {  	v31 =	vld [tilespmem:s24+$0xA0]  }
0x9e: {  	v36 =	vld [tilespmem:s24+$0x140]  }
0x9f: {  	v42 =	vld [tilespmem:s24+$0xFFFFFE80]  }
0xa0: {  	v22 =	vmul.f32 v28, v22;
	v43 =	vld [tilespmem:s24+$0xFFFFFF00]  }
.Ltmp6:
0xa1: {  	v41 =	vld [tilespmem:s24+$0x110];
	(pc) =	sbr.rel @p0 .LBB2_6-.Ltmp6, $4  }
0xa2: {  	v33 =	vperm.xlane v22, v1;
	v44 =	vld [tilespmem:s24+$0x100];
	v40 =	vperm.xlane v22, v16  }
0xa3: {  	v38 =	vperm.xlane v22, v3;
	v28 =	vperm.xlane v22, v15;
	v39 =	vld [tilespmem:s24+$0x120]  }
0xa4: {  	v46 =	vmul.f32 v42, v33;
	v42 =	vld [tilespmem:s24+$0xFFFFFEF0];
	v45 =	vmul.f32 v34, v40  }
0xa5: {  	v47 =	vmul.f32 v37, v38;
	v37 =	vperm.xlane v22, v14;
	v34 =	vld [tilespmem:s24+$0xFFFFFE90]  }
0xa6: {  	[tilespmem:s22+$0xFFFFFE80] =	vst v46  }
0xa7: {  	v35 =	vmul.f32 v35, v40;
	[tilespmem:s22+$0x150] =	vst v45  }
0xa8: {  	v43 =	vmul.f32 v43, v38;
	[tilespmem:s22+$0xFFFFFEE0] =	vst v47  }
0xa9: {  	v32 =	vmul.f32 v32, v40;
	[tilespmem:s22+$0x170] =	vst v35  }
0xaa: {  	v36 =	vmul.f32 v36, v28;
	[tilespmem:s22+$0xFFFFFF00] =	vst v43  }
0xab: {  	v27 =	vmul.f32 v27, v33;
	[tilespmem:s22+$0x160] =	vst v32  }
0xac: {  	v20 =	vmul.f32 v20, v28;
	[tilespmem:s22+$0x140] =	vst v36  }
0xad: {  	v44 =	vmul.f32 v44, v37;
	[tilespmem:s22+$0xFFFFFEA0] =	vst v27  }
0xae: {  	v46 =	vperm.xlane v22, v10;
	v49 =	vmul.f32 v41, v37;
	[tilespmem:s22+$0x130] =	vst v20  }
0xaf: {  	v58 =	vperm.xlane v22, v6;
	v56 =	vmul.f32 v39, v28;
	[tilespmem:s22+$0x100] =	vst v44  }
0xb0: {  	v24 =	vmul.f32 v24, v46;
	[tilespmem:s22+$0x110] =	vst v49  }
0xb1: {  	v62 =	vld [tilespmem:s22+$0xFFFFFEC0];
	v26 =	vmul.f32 v26, v58;
	[tilespmem:s22+$0x120] =	vst v56  }
0xb2: {  	v61 =	vld [tilespmem:s22+$0xF0];
	v43 =	vperm.xlane v22, v7;
	v18 =	vmul.f32 v18, v58;
	[tilespmem:s22+$0x30] =	vst v24  }
0xb3: {  	v51 =	vld [tilespmem:s22+$0xC0];
	v52 =	vmul.f32 v42, v38;
	[tilespmem:s22+$0xFFFFFF80] =	vst v26  }
0xb4: {  	v53 =	vld [tilespmem:s22+$0xFFFFFF90];
	v41 =	vperm.xlane v22, v2;
	v30 =	vmul.f32 v30, v43;
	[tilespmem:s22+$0xFFFFFF70] =	vst v18  }
0xb5: {  	v63 =	vld [tilespmem:s22+$0xD0];
	v54 =	vmul.f32 v34, v33;
	[tilespmem:s22+$0xFFFFFEF0] =	vst v52  }
0xb6: {  	v39 =	vperm.xlane v22, v13;
	v50 =	vmul.f32 v62, v41;
	[tilespmem:s22+$0xFFFFFFB0] =	vst v30  }
0xb7: {  	v57 =	vmul.f32 v61, v37;
	[tilespmem:s22+$0xFFFFFE90] =	vst v54  }
0xb8: {  	v36 =	vmul.f32 v51, v39;
	[tilespmem:s22+$0xFFFFFEC0] =	vst v50  }
0xb9: {  	v49 =	vperm.xlane v22, v11;
	v42 =	vmul.f32 v53, v58;
	[tilespmem:s22+$0xF0] =	vst v57  }
0xba: {  	v55 =	vld [tilespmem:s22+$0xFFFFFF60];
	v24 =	vperm.xlane v22, v9;
	v45 =	vmul.f32 v63, v39;
	[tilespmem:s22+$0xC0] =	vst v36  }
0xbb: {  	v32 =	vld [tilespmem:s22+$0x60];
	v23 =	vmul.f32 v23, v49;
	[tilespmem:s22+$0xFFFFFF90] =	vst v42  }
0xbc: {  	v62 =	vperm.xlane v22, v12;
	v25 =	vmul.f32 v25, v24;
	[tilespmem:s22+$0xD0] =	vst v45  }
0xbd: {  	v59 =	vld [tilespmem:s22+$0x90];
	v63 =	vperm.xlane v22, v5;
	v54 =	vmul.f32 v21, v24;
	[tilespmem:s22+$0x80] =	vst v23  }
0xbe: {  	v60 =	vld [tilespmem:s22+$0xB0];
	v31 =	vmul.f32 v31, v62;
	[tilespmem:s22+$0x20] =	vst v25  }
0xbf: {  	v35 =	vld [tilespmem:s22+$0xFFFFFED0];
	v51 =	vmul.f32 v55, v63;
	[tilespmem:s22+$0x0] =	vst v54  }
0xc0: {  	v55 =	vmul.f32 v32, v49;
	[tilespmem:s22+$0xA0] =	vst v31  }
0xc1: {  	v19 =	vmul.f32 v19, v63;
	[tilespmem:s22+$0xFFFFFF60] =	vst v51  }
0xc2: {  	v61 =	vld [tilespmem:s22+$0xFFFFFFC0];
	v57 =	vmul.f32 v59, v62;
	[tilespmem:s22+$0x60] =	vst v55  }
0xc3: {  	v52 =	vld [tilespmem:s22+$0xFFFFFF40];
	v36 =	vperm.xlane v22, v8;
	v59 =	vmul.f32 v60, v62;
	[tilespmem:s22+$0xFFFFFF50] =	vst v19  }
0xc4: {  	v50 =	vld [tilespmem:s22+$0x50];
	v60 =	vmul.f32 v35, v41;
	[tilespmem:s22+$0x90] =	vst v57  }
0xc5: {  	v56 =	vld [tilespmem:s22+$0xFFFFFF20];
	v29 =	vmul.f32 v29, v36;
	[tilespmem:s22+$0xB0] =	vst v59  }
0xc6: {  	v45 =	vld [tilespmem:s22+$0xFFFFFFD0];
	[tilespmem:s22+$0xFFFFFED0] =	vst v60;
	v17 =	vmul.f32 v17, v36  }
0xc7: {  	v19 =	vld [tilespmem:s22+$0xFFFFFF10];
	v58 =	vmul.f32 v61, v43;
	[tilespmem:s22+$0xFFFFFFE0] =	vst v29  }
0xc8: {  	v40 =	vld [tilespmem:s22+$0xFFFFFEB0];
	v61 =	vperm.xlane v22, v4;
	v62 =	vmul.f32 v52, v63;
	[tilespmem:s22+$0xFFFFFFF0] =	vst v17  }
0xc9: {  	v53 =	vld [tilespmem:s22+$0xFFFFFF30];
	v18 =	vmul.f32 v50, v46;
	[tilespmem:s22+$0xFFFFFFC0] =	vst v58  }
0xca: {  	v42 =	vld [tilespmem:s22+$0x70];
	[tilespmem:s22+$0xFFFFFF40] =	vst v62;
	v20 =	vmul.f32 v56, v61  }
0xcb: {  	v29 =	vld [tilespmem:s22+$0x40];
	v63 =	vmul.f32 v45, v36;
	[tilespmem:s22+$0x50] =	vst v18  }
0xcc: {  	v48 =	vld [tilespmem:s22+$0x10];
	v18 =	vmul.f32 v19, v61;
	[tilespmem:s22+$0xFFFFFF20] =	vst v20  }
0xcd: {  	v34 =	vld [tilespmem:s22+$0xE0];
	v19 =	vmul.f32 v40, v41;
	[tilespmem:s22+$0xFFFFFFD0] =	vst v63  }
0xce: {  	v47 =	vld [tilespmem:s22+$0xFFFFFFA0];
	[tilespmem:s22+$0xFFFFFF10] =	vst v18;
	v18 =	vmul.f32 v53, v61  }
0xcf: {  	[tilespmem:s22+$0xFFFFFEB0] =	vst v19;
	v19 =	vmul.f32 v42, v49  }
0xd0: {  	[tilespmem:s22+$0xFFFFFF30] =	vst v18;
	v18 =	vmul.f32 v29, v46  }
0xd1: {  	[tilespmem:s22+$0x70] =	vst v19;
	v19 =	vmul.f32 v48, v24  }
0xd2: {  	[tilespmem:s22+$0x40] =	vst v18;
	v18 =	vmul.f32 v34, v39  }
0xd3: {  	[tilespmem:s22+$0x10] =	vst v19;
	v19 =	vmul.f32 v47, v43  }
0xd4: {  	[tilespmem:s22+$0xE0] =	vst v18  }
.Ltmp7:
0xd5: {  	[tilespmem:s22+$0xFFFFFFA0] =	vst v19;
	(pc) =	sbr.rel .LBB2_8-.Ltmp7, $4  }
0xd6: {  	[spmem:s2] =	stream.indirect.scatter.add.f32 [tilespmem:s19], [sflag:$0x1], $0x30, s17, s17, $0xb8;
	[tilespmem:$0x13180] =	vst v63  }
0xd7: {  	_ =	swait.ge [sflag:s14], $0x1800  }
0xd8: {  	[sflag:s14] =	ssyncset.done $0x0  }
0xd9: {  	[sflag:s14] =	ssyncadd.s32 $0xFFFFE800  }
.LBB2_10:
0xda: {  	_ =	sfence.sel $0x180000  }
0xdb: {  	[bflag:$0x0] =	sbarrier.arrive $0xFFFF  }
0xdc: {  	p0 =	sne.s32 s4, $0x0;
	_ =	strace $0x90000050  }
0xdd: {  	s0 =	sadd.s32 @!p0 $0x100000, s0;
	[bflag:$0x2] =	sbarrier.arrive $0xFFFF  }
0xde: {  	[sflag:s0] =	ssyncadd.tile.s32 @!p0 $0x1;
	_ =	shalt  }
.Lfunc_end2:
_tile_overlayer_lowered:
.L_overlay_start_2:
0xdf: {  	(tag) =	ssettag $0x2  }
0xe0: {  	s0 =	rddreg [dreg:$0x0];
	s2 =	stileid.u32  }
0xe1: {  	s1 =	rddreg [dreg:$0x1];
	p0 =	sne.s32 s2, $0x0  }
0xe2: {  	s3 =	rddreg [dreg:$0x2];
	[bflag:$0x3] =	sbarrier.arrive $0xFFFF;
	s2 =	simm.s32 @!p0 $0x1C01  }
0xe3: {  	[timem:s3], [sflag:s2] =	dma.local @!p0 [hbm:s0], s1  }
0xe4: {  	s0 =	simm.s32 @!p0 $0x1  }
0xe5: {  	_ =	swait.ge @!p0 [sflag:s0], s1  }
0xe6: {  	s1 =	ssub.s32 @!p0 $0x0, s1;
	[sflag:s0] =	ssyncset.done @!p0 $0x0  }
0xe7: {  	[sflag:s0] =	ssyncadd.s32 @!p0 s1  }
0xe8: {  	[bflag:$0x3] =	sbarrier.arrive $0xFFFF  }
0xe9: {  	_ =	shalt  }

</sc_bundles>
